<compile_context>
chip_gen: v7x
topology: tpu7x:2x2x1
jax: 0.10.2.dev20260603
libtpu: 0.0.44.dev20260713+nightly
codegen_flags: <defaults>
</compile_context>

<pallas_src>
import functools

import jax
import jax.numpy as jnp
from jax import lax
from jax.experimental import pallas as pl
from jax.experimental.pallas import tpu as pltpu
from jax.experimental.pallas import tpu_sc as plsc

_N_FEATURES = 12
_N_IMAGES = 100000
_BATCH = 16384
_CHUNK = 128

_info = plsc.get_sparse_core_info()
_NC, _NS = _info.num_cores, _info.num_subcores
_NW = _NC * _NS
_B_PER_W = _BATCH // _NW
_N_CHUNKS = _B_PER_W // _CHUNK

_mesh = plsc.VectorSubcoreMesh(core_axis_name="c", subcore_axis_name="s")


@functools.partial(
    pl.kernel,
    mesh=_mesh,
    out_type=jax.ShapeDtypeStruct((_N_FEATURES, _BATCH), jnp.float32),
    compiler_params=pltpu.CompilerParams(use_tc_tiling_on_sc=False),
    scratch_types=[
        [pltpu.VMEM((_CHUNK,), jnp.int32) for _ in range(_N_CHUNKS)],
        [[pltpu.VMEM((_CHUNK,), jnp.float32) for _ in range(_N_FEATURES)]
         for _ in range(_N_CHUNKS)],
        pltpu.VMEM((_N_CHUNKS * _N_FEATURES * _CHUNK,), jnp.float32),
        [pltpu.SemaphoreType.DMA for _ in range(_N_CHUNKS)],
        pltpu.SemaphoreType.DMA,
    ],
)
def _gather_cols(idx_hbm, tab_t_hbm, out_hbm, idx_bufs, col_sets,
                 drain_buf, sems, sem_w):
    wid = lax.axis_index("s") * _NC + lax.axis_index("c")

    def drain(sem, buf, n):
        pltpu.make_async_copy(
            tab_t_hbm.at[0].at[pl.ds(0, n * _CHUNK)],
            buf.at[pl.ds(0, n * _CHUNK)],
            sem,
        ).wait()

    idx_copies = []
    for g in range(_N_CHUNKS):
        chunk = wid * _N_CHUNKS + g
        idx_copies.append(
            pltpu.async_copy(
                idx_hbm.at[pl.ds(chunk * _CHUNK, _CHUNK)], idx_bufs[g],
                sems[g],
            )
        )

    for g in range(_N_CHUNKS):
        idx_copies[g].wait()
        for c in range(_N_FEATURES):
            pltpu.async_copy(
                tab_t_hbm.at[c].at[idx_bufs[g]], col_sets[g][c], sems[g]
            )

    for g in range(_N_CHUNKS):
        chunk = wid * _N_CHUNKS + g
        drain(sems[g], drain_buf, _N_FEATURES)
        for c in range(_N_FEATURES):
            pltpu.async_copy(
                col_sets[g][c],
                out_hbm.at[c].at[pl.ds(chunk * _CHUNK, _CHUNK)],
                sem_w,
            )

    drain(sem_w, drain_buf, _N_CHUNKS * _N_FEATURES)


def kernel(image_inds, prf_params, prf_model_index, labels_table):
    del prf_params, prf_model_index
    out_t = _gather_cols(image_inds.astype(jnp.int32), labels_table.T)
    features = out_t.T
    feature_inds_defined = jnp.ones((_N_FEATURES,), dtype=bool)
    return (features, feature_inds_defined)

# --- scband reference (transcript-rebuilt; emitter-appended) ---
"""Pipeline reference for scband-semantic-feature-extractor-8160437862778 (READ-ONLY COPY).

The authoritative reference and input builder live on the scoring server;
editing this copy changes nothing except your own understanding.
"""

import jax, jax.numpy as jnp
import numpy as np

N_IMAGES = 100000
N_FEATURES = 12
BATCH = 16384

def setup_inputs(seed: int = 0) -> dict:
    key = jax.random.key(seed)
    k1, k2, k3 = jax.random.split(key, 3)
    image_inds = jax.random.randint(k1, (BATCH,), 0, N_IMAGES, dtype=jnp.int64 if jax.config.jax_enable_x64 else jnp.int32)
    prf_params = jax.random.normal(k2, (3,), dtype=jnp.float32)
    # Precomputed binary coco supercategory label table ('all_supcat' -> 12 features),
    # stand-in for the CSV file loaded in load_precomputed_features.
    labels_table = (jax.random.uniform(k3, (N_IMAGES, N_FEATURES)) < 0.5).astype(jnp.float32)
    prf_model_index = 0
    return {"image_inds": image_inds, "prf_params": prf_params, "prf_model_index": prf_model_index, "labels_table": labels_table}

def reference(image_inds, prf_params, prf_model_index, labels_table):
    # forward: load_precomputed_features selects rows of the label table by image_inds
    # (labels = labels[image_inds, :]), then returns the feature matrix plus a
    # boolean mask of defined feature columns.
    features = jnp.take(labels_table, image_inds, axis=0)
    max_features = labels_table.shape[1]
    feature_inds_defined = jnp.zeros((max_features,), dtype=bool).at[0:features.shape[1]].set(True)
    return (features, feature_inds_defined)

if __name__ == "__main__":
    import jax
    _d = setup_inputs()
    print(jax.jit(kernel)(*tuple(_d.values())))

</pallas_src>

<mosaic_0001>
#map = affine_map<(d0, d1) -> (0)>
#map1 = affine_map<(d0, d1) -> (0, 0)>
module attributes {stable_mosaic.version = 14 : i64} {
  func.func @_gather_cols(%arg0: i32, %arg1: i32, %arg2: memref<16384xi32, #tpu.memory_space<hbm>>, %arg3: memref<12x100000xf32, #tpu.memory_space<hbm>>, %arg4: memref<12x16384xf32, #tpu.memory_space<hbm>>, %arg5: memref<128xi32, #tpu.memory_space<vmem>>, %arg6: memref<128xi32, #tpu.memory_space<vmem>>, %arg7: memref<128xi32, #tpu.memory_space<vmem>>, %arg8: memref<128xi32, #tpu.memory_space<vmem>>, %arg9: memref<128xf32, #tpu.memory_space<vmem>>, %arg10: memref<128xf32, #tpu.memory_space<vmem>>, %arg11: memref<128xf32, #tpu.memory_space<vmem>>, %arg12: memref<128xf32, #tpu.memory_space<vmem>>, %arg13: memref<128xf32, #tpu.memory_space<vmem>>, %arg14: memref<128xf32, #tpu.memory_space<vmem>>, %arg15: memref<128xf32, #tpu.memory_space<vmem>>, %arg16: memref<128xf32, #tpu.memory_space<vmem>>, %arg17: memref<128xf32, #tpu.memory_space<vmem>>, %arg18: memref<128xf32, #tpu.memory_space<vmem>>, %arg19: memref<128xf32, #tpu.memory_space<vmem>>, %arg20: memref<128xf32, #tpu.memory_space<vmem>>, %arg21: memref<128xf32, #tpu.memory_space<vmem>>, %arg22: memref<128xf32, #tpu.memory_space<vmem>>, %arg23: memref<128xf32, #tpu.memory_space<vmem>>, %arg24: memref<128xf32, #tpu.memory_space<vmem>>, %arg25: memref<128xf32, #tpu.memory_space<vmem>>, %arg26: memref<128xf32, #tpu.memory_space<vmem>>, %arg27: memref<128xf32, #tpu.memory_space<vmem>>, %arg28: memref<128xf32, #tpu.memory_space<vmem>>, %arg29: memref<128xf32, #tpu.memory_space<vmem>>, %arg30: memref<128xf32, #tpu.memory_space<vmem>>, %arg31: memref<128xf32, #tpu.memory_space<vmem>>, %arg32: memref<128xf32, #tpu.memory_space<vmem>>, %arg33: memref<128xf32, #tpu.memory_space<vmem>>, %arg34: memref<128xf32, #tpu.memory_space<vmem>>, %arg35: memref<128xf32, #tpu.memory_space<vmem>>, %arg36: memref<128xf32, #tpu.memory_space<vmem>>, %arg37: memref<128xf32, #tpu.memory_space<vmem>>, %arg38: memref<128xf32, #tpu.memory_space<vmem>>, %arg39: memref<128xf32, #tpu.memory_space<vmem>>, %arg40: memref<128xf32, #tpu.memory_space<vmem>>, %arg41: memref<128xf32, #tpu.memory_space<vmem>>, %arg42: memref<128xf32, #tpu.memory_space<vmem>>, %arg43: memref<128xf32, #tpu.memory_space<vmem>>, %arg44: memref<128xf32, #tpu.memory_space<vmem>>, %arg45: memref<128xf32, #tpu.memory_space<vmem>>, %arg46: memref<128xf32, #tpu.memory_space<vmem>>, %arg47: memref<128xf32, #tpu.memory_space<vmem>>, %arg48: memref<128xf32, #tpu.memory_space<vmem>>, %arg49: memref<128xf32, #tpu.memory_space<vmem>>, %arg50: memref<128xf32, #tpu.memory_space<vmem>>, %arg51: memref<128xf32, #tpu.memory_space<vmem>>, %arg52: memref<128xf32, #tpu.memory_space<vmem>>, %arg53: memref<128xf32, #tpu.memory_space<vmem>>, %arg54: memref<128xf32, #tpu.memory_space<vmem>>, %arg55: memref<128xf32, #tpu.memory_space<vmem>>, %arg56: memref<128xf32, #tpu.memory_space<vmem>>, %arg57: memref<6144xf32, #tpu.memory_space<vmem>>, %arg58: memref<!tpu.dma_semaphore, #tpu.memory_space<semaphore_mem>>, %arg59: memref<!tpu.dma_semaphore, #tpu.memory_space<semaphore_mem>>, %arg60: memref<!tpu.dma_semaphore, #tpu.memory_space<semaphore_mem>>, %arg61: memref<!tpu.dma_semaphore, #tpu.memory_space<semaphore_mem>>, %arg62: memref<!tpu.dma_semaphore, #tpu.memory_space<semaphore_mem>>) attributes {dimension_semantics = [#tpu.dimension_semantics<core_parallel>, #tpu.dimension_semantics<subcore_parallel>], iteration_bounds = array<i64: 2, 16>, scalar_prefetch = 0 : i64, scratch_operands = 58 : i64, tpu.core_type = #tpu.core_type<sc_vector_subcore>, window_params = [{transform_indices = #map}, {transform_indices = #map1}, {transform_indices = #map1}]} {
    %mul3A = arith.constant 2 : i32
    %mul3A_0 = arith.muli %arg1, %mul3A : i32
    %add3A = arith.addi %mul3A_0, %arg0 : i32
    %mul3A_1 = arith.constant 4 : i32
    %mul3A_2 = arith.muli %add3A, %mul3A_1 : i32
    %add3A_3 = arith.constant 0 : i32
    %add3A_4 = arith.addi %mul3A_2, %add3A_3 : i32
    %mul3A_5 = arith.constant 128 : i32
    %mul3A_6 = arith.muli %add3A_4, %mul3A_5 : i32
    %dma_start3A = tpu.memref_slice %arg2[%mul3A_6] : memref<16384xi32, #tpu.memory_space<hbm>> -> memref<128xi32, #tpu.memory_space<hbm>>
    %dma_start3A_7 = tpu.memref_slice %arg2[%mul3A_6] : memref<16384xi32, #tpu.memory_space<hbm>> -> memref<128xi32, #tpu.memory_space<hbm>>
    tpu.enqueue_dma source(%dma_start3A_7 : memref<128xi32, #tpu.memory_space<hbm>>) target(%arg5 : memref<128xi32, #tpu.memory_space<vmem>>) target_semaphore(%arg58 : memref<!tpu.dma_semaphore, #tpu.memory_space<semaphore_mem>>)
    %mul3A_8 = arith.constant 4 : i32
    %mul3A_9 = arith.muli %add3A, %mul3A_8 : i32
    %add3A_10 = arith.constant 1 : i32
    %add3A_11 = arith.addi %mul3A_9, %add3A_10 : i32
    %mul3A_12 = arith.constant 128 : i32
    %mul3A_13 = arith.muli %add3A_11, %mul3A_12 : i32
    %dma_start3A_14 = tpu.memref_slice %arg2[%mul3A_13] : memref<16384xi32, #tpu.memory_space<hbm>> -> memref<128xi32, #tpu.memory_space<hbm>>
    %dma_start3A_15 = tpu.memref_slice %arg2[%mul3A_13] : memref<16384xi32, #tpu.memory_space<hbm>> -> memref<128xi32, #tpu.memory_space<hbm>>
    tpu.enqueue_dma source(%dma_start3A_15 : memref<128xi32, #tpu.memory_space<hbm>>) target(%arg6 : memref<128xi32, #tpu.memory_space<vmem>>) target_semaphore(%arg59 : memref<!tpu.dma_semaphore, #tpu.memory_space<semaphore_mem>>)
    %mul3A_16 = arith.constant 4 : i32
    %mul3A_17 = arith.muli %add3A, %mul3A_16 : i32
    %add3A_18 = arith.constant 2 : i32
    %add3A_19 = arith.addi %mul3A_17, %add3A_18 : i32
    %mul3A_20 = arith.constant 128 : i32
    %mul3A_21 = arith.muli %add3A_19, %mul3A_20 : i32
    %dma_start3A_22 = tpu.memref_slice %arg2[%mul3A_21] : memref<16384xi32, #tpu.memory_space<hbm>> -> memref<128xi32, #tpu.memory_space<hbm>>
    %dma_start3A_23 = tpu.memref_slice %arg2[%mul3A_21] : memref<16384xi32, #tpu.memory_space<hbm>> -> memref<128xi32, #tpu.memory_space<hbm>>
    tpu.enqueue_dma source(%dma_start3A_23 : memref<128xi32, #tpu.memory_space<hbm>>) target(%arg7 : memref<128xi32, #tpu.memory_space<vmem>>) target_semaphore(%arg60 : memref<!tpu.dma_semaphore, #tpu.memory_space<semaphore_mem>>)
    %mul3A_24 = arith.constant 4 : i32
    %mul3A_25 = arith.muli %add3A, %mul3A_24 : i32
    %add3A_26 = arith.constant 3 : i32
    %add3A_27 = arith.addi %mul3A_25, %add3A_26 : i32
    %mul3A_28 = arith.constant 128 : i32
    %mul3A_29 = arith.muli %add3A_27, %mul3A_28 : i32
    %dma_start3A_30 = tpu.memref_slice %arg2[%mul3A_29] : memref<16384xi32, #tpu.memory_space<hbm>> -> memref<128xi32, #tpu.memory_space<hbm>>
    %dma_start3A_31 = tpu.memref_slice %arg2[%mul3A_29] : memref<16384xi32, #tpu.memory_space<hbm>> -> memref<128xi32, #tpu.memory_space<hbm>>
    tpu.enqueue_dma source(%dma_start3A_31 : memref<128xi32, #tpu.memory_space<hbm>>) target(%arg8 : memref<128xi32, #tpu.memory_space<vmem>>) target_semaphore(%arg61 : memref<!tpu.dma_semaphore, #tpu.memory_space<semaphore_mem>>)
    %dma_wait3A = tpu.memref_slice %arg2[%mul3A_6] : memref<16384xi32, #tpu.memory_space<hbm>> -> memref<128xi32, #tpu.memory_space<hbm>>
    %dma_wait3A_32 = tpu.memref_slice %arg2[%mul3A_6] : memref<16384xi32, #tpu.memory_space<hbm>> -> memref<128xi32, #tpu.memory_space<hbm>>
    tpu.wait_dma2 semaphore(%arg58 : memref<!tpu.dma_semaphore, #tpu.memory_space<semaphore_mem>>) src(%dma_wait3A_32 : memref<128xi32, #tpu.memory_space<hbm>>) dst(%arg5 : memref<128xi32, #tpu.memory_space<vmem>>)
    %dma_start3A_33 = arith.constant 0 : i32
    %dma_start3A_34 = arith.constant 0 : i32
    %dma_start3A_35 = tpu.memref_slice %arg3[%dma_start3A_33, %dma_start3A_34] : memref<12x100000xf32, #tpu.memory_space<hbm>> -> memref<1x100000xf32, #tpu.memory_space<hbm>>
    %dma_start3A_36 = tpu.memref_squeeze %dma_start3A_35 : memref<1x100000xf32, #tpu.memory_space<hbm>> -> memref<100000xf32, #tpu.memory_space<hbm>>
    %dma_start3A_37 = arith.constant 0 : i32
    %dma_start3A_38 = tpu.memref_slice %dma_start3A_36[%dma_start3A_37] : memref<100000xf32, #tpu.memory_space<hbm>> -> memref<100000xf32, #tpu.memory_space<hbm>>
    tpu.enqueue_indirect_dma source(%dma_start3A_38 : memref<100000xf32, #tpu.memory_space<hbm>>) target(%arg9 : memref<128xf32, #tpu.memory_space<vmem>>) offsets(%arg5 : memref<128xi32, #tpu.memory_space<vmem>>) semaphore(%arg58 : memref<!tpu.dma_semaphore, #tpu.memory_space<semaphore_mem>>)
    %dma_start3A_39 = arith.constant 1 : i32
    %dma_start3A_40 = arith.constant 0 : i32
    %dma_start3A_41 = tpu.memref_slice %arg3[%dma_start3A_39, %dma_start3A_40] : memref<12x100000xf32, #tpu.memory_space<hbm>> -> memref<1x100000xf32, #tpu.memory_space<hbm>>
    %dma_start3A_42 = tpu.memref_squeeze %dma_start3A_41 : memref<1x100000xf32, #tpu.memory_space<hbm>> -> memref<100000xf32, #tpu.memory_space<hbm>>
    %dma_start3A_43 = arith.constant 0 : i32
    %dma_start3A_44 = tpu.memref_slice %dma_start3A_42[%dma_start3A_43] : memref<100000xf32, #tpu.memory_space<hbm>> -> memref<100000xf32, #tpu.memory_space<hbm>>
    tpu.enqueue_indirect_dma source(%dma_start3A_44 : memref<100000xf32, #tpu.memory_space<hbm>>) target(%arg10 : memref<128xf32, #tpu.memory_space<vmem>>) offsets(%arg5 : memref<128xi32, #tpu.memory_space<vmem>>) semaphore(%arg58 : memref<!tpu.dma_semaphore, #tpu.memory_space<semaphore_mem>>)
    %dma_start3A_45 = arith.constant 2 : i32
    %dma_start3A_46 = arith.constant 0 : i32
    %dma_start3A_47 = tpu.memref_slice %arg3[%dma_start3A_45, %dma_start3A_46] : memref<12x100000xf32, #tpu.memory_space<hbm>> -> memref<1x100000xf32, #tpu.memory_space<hbm>>
    %dma_start3A_48 = tpu.memref_squeeze %dma_start3A_47 : memref<1x100000xf32, #tpu.memory_space<hbm>> -> memref<100000xf32, #tpu.memory_space<hbm>>
    %dma_start3A_49 = arith.constant 0 : i32
    %dma_start3A_50 = tpu.memref_slice %dma_start3A_48[%dma_start3A_49] : memref<100000xf32, #tpu.memory_space<hbm>> -> memref<100000xf32, #tpu.memory_space<hbm>>
    tpu.enqueue_indirect_dma source(%dma_start3A_50 : memref<100000xf32, #tpu.memory_space<hbm>>) target(%arg11 : memref<128xf32, #tpu.memory_space<vmem>>) offsets(%arg5 : memref<128xi32, #tpu.memory_space<vmem>>) semaphore(%arg58 : memref<!tpu.dma_semaphore, #tpu.memory_space<semaphore_mem>>)
    %dma_start3A_51 = arith.constant 3 : i32
    %dma_start3A_52 = arith.constant 0 : i32
    %dma_start3A_53 = tpu.memref_slice %arg3[%dma_start3A_51, %dma_start3A_52] : memref<12x100000xf32, #tpu.memory_space<hbm>> -> memref<1x100000xf32, #tpu.memory_space<hbm>>
    %dma_start3A_54 = tpu.memref_squeeze %dma_start3A_53 : memref<1x100000xf32, #tpu.memory_space<hbm>> -> memref<100000xf32, #tpu.memory_space<hbm>>
    %dma_start3A_55 = arith.constant 0 : i32
    %dma_start3A_56 = tpu.memref_slice %dma_start3A_54[%dma_start3A_55] : memref<100000xf32, #tpu.memory_space<hbm>> -> memref<100000xf32, #tpu.memory_space<hbm>>
    tpu.enqueue_indirect_dma source(%dma_start3A_56 : memref<100000xf32, #tpu.memory_space<hbm>>) target(%arg12 : memref<128xf32, #tpu.memory_space<vmem>>) offsets(%arg5 : memref<128xi32, #tpu.memory_space<vmem>>) semaphore(%arg58 : memref<!tpu.dma_semaphore, #tpu.memory_space<semaphore_mem>>)
    %dma_start3A_57 = arith.constant 4 : i32
    %dma_start3A_58 = arith.constant 0 : i32
    %dma_start3A_59 = tpu.memref_slice %arg3[%dma_start3A_57, %dma_start3A_58] : memref<12x100000xf32, #tpu.memory_space<hbm>> -> memref<1x100000xf32, #tpu.memory_space<hbm>>
    %dma_start3A_60 = tpu.memref_squeeze %dma_start3A_59 : memref<1x100000xf32, #tpu.memory_space<hbm>> -> memref<100000xf32, #tpu.memory_space<hbm>>
    %dma_start3A_61 = arith.constant 0 : i32
    %dma_start3A_62 = tpu.memref_slice %dma_start3A_60[%dma_start3A_61] : memref<100000xf32, #tpu.memory_space<hbm>> -> memref<100000xf32, #tpu.memory_space<hbm>>
    tpu.enqueue_indirect_dma source(%dma_start3A_62 : memref<100000xf32, #tpu.memory_space<hbm>>) target(%arg13 : memref<128xf32, #tpu.memory_space<vmem>>) offsets(%arg5 : memref<128xi32, #tpu.memory_space<vmem>>) semaphore(%arg58 : memref<!tpu.dma_semaphore, #tpu.memory_space<semaphore_mem>>)
    %dma_start3A_63 = arith.constant 5 : i32
    %dma_start3A_64 = arith.constant 0 : i32
    %dma_start3A_65 = tpu.memref_slice %arg3[%dma_start3A_63, %dma_start3A_64] : memref<12x100000xf32, #tpu.memory_space<hbm>> -> memref<1x100000xf32, #tpu.memory_space<hbm>>
    %dma_start3A_66 = tpu.memref_squeeze %dma_start3A_65 : memref<1x100000xf32, #tpu.memory_space<hbm>> -> memref<100000xf32, #tpu.memory_space<hbm>>
    %dma_start3A_67 = arith.constant 0 : i32
    %dma_start3A_68 = tpu.memref_slice %dma_start3A_66[%dma_start3A_67] : memref<100000xf32, #tpu.memory_space<hbm>> -> memref<100000xf32, #tpu.memory_space<hbm>>
    tpu.enqueue_indirect_dma source(%dma_start3A_68 : memref<100000xf32, #tpu.memory_space<hbm>>) target(%arg14 : memref<128xf32, #tpu.memory_space<vmem>>) offsets(%arg5 : memref<128xi32, #tpu.memory_space<vmem>>) semaphore(%arg58 : memref<!tpu.dma_semaphore, #tpu.memory_space<semaphore_mem>>)
    %dma_start3A_69 = arith.constant 6 : i32
    %dma_start3A_70 = arith.constant 0 : i32
    %dma_start3A_71 = tpu.memref_slice %arg3[%dma_start3A_69, %dma_start3A_70] : memref<12x100000xf32, #tpu.memory_space<hbm>> -> memref<1x100000xf32, #tpu.memory_space<hbm>>
    %dma_start3A_72 = tpu.memref_squeeze %dma_start3A_71 : memref<1x100000xf32, #tpu.memory_space<hbm>> -> memref<100000xf32, #tpu.memory_space<hbm>>
    %dma_start3A_73 = arith.constant 0 : i32
    %dma_start3A_74 = tpu.memref_slice %dma_start3A_72[%dma_start3A_73] : memref<100000xf32, #tpu.memory_space<hbm>> -> memref<100000xf32, #tpu.memory_space<hbm>>
    tpu.enqueue_indirect_dma source(%dma_start3A_74 : memref<100000xf32, #tpu.memory_space<hbm>>) target(%arg15 : memref<128xf32, #tpu.memory_space<vmem>>) offsets(%arg5 : memref<128xi32, #tpu.memory_space<vmem>>) semaphore(%arg58 : memref<!tpu.dma_semaphore, #tpu.memory_space<semaphore_mem>>)
    %dma_start3A_75 = arith.constant 7 : i32
    %dma_start3A_76 = arith.constant 0 : i32
    %dma_start3A_77 = tpu.memref_slice %arg3[%dma_start3A_75, %dma_start3A_76] : memref<12x100000xf32, #tpu.memory_space<hbm>> -> memref<1x100000xf32, #tpu.memory_space<hbm>>
    %dma_start3A_78 = tpu.memref_squeeze %dma_start3A_77 : memref<1x100000xf32, #tpu.memory_space<hbm>> -> memref<100000xf32, #tpu.memory_space<hbm>>
    %dma_start3A_79 = arith.constant 0 : i32
    %dma_start3A_80 = tpu.memref_slice %dma_start3A_78[%dma_start3A_79] : memref<100000xf32, #tpu.memory_space<hbm>> -> memref<100000xf32, #tpu.memory_space<hbm>>
    tpu.enqueue_indirect_dma source(%dma_start3A_80 : memref<100000xf32, #tpu.memory_space<hbm>>) target(%arg16 : memref<128xf32, #tpu.memory_space<vmem>>) offsets(%arg5 : memref<128xi32, #tpu.memory_space<vmem>>) semaphore(%arg58 : memref<!tpu.dma_semaphore, #tpu.memory_space<semaphore_mem>>)
    %dma_start3A_81 = arith.constant 8 : i32
    %dma_start3A_82 = arith.constant 0 : i32
    %dma_start3A_83 = tpu.memref_slice %arg3[%dma_start3A_81, %dma_start3A_82] : memref<12x100000xf32, #tpu.memory_space<hbm>> -> memref<1x100000xf32, #tpu.memory_space<hbm>>
    %dma_start3A_84 = tpu.memref_squeeze %dma_start3A_83 : memref<1x100000xf32, #tpu.memory_space<hbm>> -> memref<100000xf32, #tpu.memory_space<hbm>>
    %dma_start3A_85 = arith.constant 0 : i32
    %dma_start3A_86 = tpu.memref_slice %dma_start3A_84[%dma_start3A_85] : memref<100000xf32, #tpu.memory_space<hbm>> -> memref<100000xf32, #tpu.memory_space<hbm>>
    tpu.enqueue_indirect_dma source(%dma_start3A_86 : memref<100000xf32, #tpu.memory_space<hbm>>) target(%arg17 : memref<128xf32, #tpu.memory_space<vmem>>) offsets(%arg5 : memref<128xi32, #tpu.memory_space<vmem>>) semaphore(%arg58 : memref<!tpu.dma_semaphore, #tpu.memory_space<semaphore_mem>>)
    %dma_start3A_87 = arith.constant 9 : i32
    %dma_start3A_88 = arith.constant 0 : i32
    %dma_start3A_89 = tpu.memref_slice %arg3[%dma_start3A_87, %dma_start3A_88] : memref<12x100000xf32, #tpu.memory_space<hbm>> -> memref<1x100000xf32, #tpu.memory_space<hbm>>
    %dma_start3A_90 = tpu.memref_squeeze %dma_start3A_89 : memref<1x100000xf32, #tpu.memory_space<hbm>> -> memref<100000xf32, #tpu.memory_space<hbm>>
    %dma_start3A_91 = arith.constant 0 : i32
    %dma_start3A_92 = tpu.memref_slice %dma_start3A_90[%dma_start3A_91] : memref<100000xf32, #tpu.memory_space<hbm>> -> memref<100000xf32, #tpu.memory_space<hbm>>
    tpu.enqueue_indirect_dma source(%dma_start3A_92 : memref<100000xf32, #tpu.memory_space<hbm>>) target(%arg18 : memref<128xf32, #tpu.memory_space<vmem>>) offsets(%arg5 : memref<128xi32, #tpu.memory_space<vmem>>) semaphore(%arg58 : memref<!tpu.dma_semaphore, #tpu.memory_space<semaphore_mem>>)
    %dma_start3A_93 = arith.constant 10 : i32
    %dma_start3A_94 = arith.constant 0 : i32
    %dma_start3A_95 = tpu.memref_slice %arg3[%dma_start3A_93, %dma_start3A_94] : memref<12x100000xf32, #tpu.memory_space<hbm>> -> memref<1x100000xf32, #tpu.memory_space<hbm>>
    %dma_start3A_96 = tpu.memref_squeeze %dma_start3A_95 : memref<1x100000xf32, #tpu.memory_space<hbm>> -> memref<100000xf32, #tpu.memory_space<hbm>>
    %dma_start3A_97 = arith.constant 0 : i32
    %dma_start3A_98 = tpu.memref_slice %dma_start3A_96[%dma_start3A_97] : memref<100000xf32, #tpu.memory_space<hbm>> -> memref<100000xf32, #tpu.memory_space<hbm>>
    tpu.enqueue_indirect_dma source(%dma_start3A_98 : memref<100000xf32, #tpu.memory_space<hbm>>) target(%arg19 : memref<128xf32, #tpu.memory_space<vmem>>) offsets(%arg5 : memref<128xi32, #tpu.memory_space<vmem>>) semaphore(%arg58 : memref<!tpu.dma_semaphore, #tpu.memory_space<semaphore_mem>>)
    %dma_start3A_99 = arith.constant 11 : i32
    %dma_start3A_100 = arith.constant 0 : i32
    %dma_start3A_101 = tpu.memref_slice %arg3[%dma_start3A_99, %dma_start3A_100] : memref<12x100000xf32, #tpu.memory_space<hbm>> -> memref<1x100000xf32, #tpu.memory_space<hbm>>
    %dma_start3A_102 = tpu.memref_squeeze %dma_start3A_101 : memref<1x100000xf32, #tpu.memory_space<hbm>> -> memref<100000xf32, #tpu.memory_space<hbm>>
    %dma_start3A_103 = arith.constant 0 : i32
    %dma_start3A_104 = tpu.memref_slice %dma_start3A_102[%dma_start3A_103] : memref<100000xf32, #tpu.memory_space<hbm>> -> memref<100000xf32, #tpu.memory_space<hbm>>
    tpu.enqueue_indirect_dma source(%dma_start3A_104 : memref<100000xf32, #tpu.memory_space<hbm>>) target(%arg20 : memref<128xf32, #tpu.memory_space<vmem>>) offsets(%arg5 : memref<128xi32, #tpu.memory_space<vmem>>) semaphore(%arg58 : memref<!tpu.dma_semaphore, #tpu.memory_space<semaphore_mem>>)
    %dma_wait3A_105 = tpu.memref_slice %arg2[%mul3A_13] : memref<16384xi32, #tpu.memory_space<hbm>> -> memref<128xi32, #tpu.memory_space<hbm>>
    %dma_wait3A_106 = tpu.memref_slice %arg2[%mul3A_13] : memref<16384xi32, #tpu.memory_space<hbm>> -> memref<128xi32, #tpu.memory_space<hbm>>
    tpu.wait_dma2 semaphore(%arg59 : memref<!tpu.dma_semaphore, #tpu.memory_space<semaphore_mem>>) src(%dma_wait3A_106 : memref<128xi32, #tpu.memory_space<hbm>>) dst(%arg6 : memref<128xi32, #tpu.memory_space<vmem>>)
    %dma_start3A_107 = arith.constant 0 : i32
    %dma_start3A_108 = arith.constant 0 : i32
    %dma_start3A_109 = tpu.memref_slice %arg3[%dma_start3A_107, %dma_start3A_108] : memref<12x100000xf32, #tpu.memory_space<hbm>> -> memref<1x100000xf32, #tpu.memory_space<hbm>>
    %dma_start3A_110 = tpu.memref_squeeze %dma_start3A_109 : memref<1x100000xf32, #tpu.memory_space<hbm>> -> memref<100000xf32, #tpu.memory_space<hbm>>
    %dma_start3A_111 = arith.constant 0 : i32
    %dma_start3A_112 = tpu.memref_slice %dma_start3A_110[%dma_start3A_111] : memref<100000xf32, #tpu.memory_space<hbm>> -> memref<100000xf32, #tpu.memory_space<hbm>>
    tpu.enqueue_indirect_dma source(%dma_start3A_112 : memref<100000xf32, #tpu.memory_space<hbm>>) target(%arg21 : memref<128xf32, #tpu.memory_space<vmem>>) offsets(%arg6 : memref<128xi32, #tpu.memory_space<vmem>>) semaphore(%arg59 : memref<!tpu.dma_semaphore, #tpu.memory_space<semaphore_mem>>)
    %dma_start3A_113 = arith.constant 1 : i32
    %dma_start3A_114 = arith.constant 0 : i32
    %dma_start3A_115 = tpu.memref_slice %arg3[%dma_start3A_113, %dma_start3A_114] : memref<12x100000xf32, #tpu.memory_space<hbm>> -> memref<1x100000xf32, #tpu.memory_space<hbm>>
    %dma_start3A_116 = tpu.memref_squeeze %dma_start3A_115 : memref<1x100000xf32, #tpu.memory_space<hbm>> -> memref<100000xf32, #tpu.memory_space<hbm>>
    %dma_start3A_117 = arith.constant 0 : i32
    %dma_start3A_118 = tpu.memref_slice %dma_start3A_116[%dma_start3A_117] : memref<100000xf32, #tpu.memory_space<hbm>> -> memref<100000xf32, #tpu.memory_space<hbm>>
    tpu.enqueue_indirect_dma source(%dma_start3A_118 : memref<100000xf32, #tpu.memory_space<hbm>>) target(%arg22 : memref<128xf32, #tpu.memory_space<vmem>>) offsets(%arg6 : memref<128xi32, #tpu.memory_space<vmem>>) semaphore(%arg59 : memref<!tpu.dma_semaphore, #tpu.memory_space<semaphore_mem>>)
    %dma_start3A_119 = arith.constant 2 : i32
    %dma_start3A_120 = arith.constant 0 : i32
    %dma_start3A_121 = tpu.memref_slice %arg3[%dma_start3A_119, %dma_start3A_120] : memref<12x100000xf32, #tpu.memory_space<hbm>> -> memref<1x100000xf32, #tpu.memory_space<hbm>>
    %dma_start3A_122 = tpu.memref_squeeze %dma_start3A_121 : memref<1x100000xf32, #tpu.memory_space<hbm>> -> memref<100000xf32, #tpu.memory_space<hbm>>
    %dma_start3A_123 = arith.constant 0 : i32
    %dma_start3A_124 = tpu.memref_slice %dma_start3A_122[%dma_start3A_123] : memref<100000xf32, #tpu.memory_space<hbm>> -> memref<100000xf32, #tpu.memory_space<hbm>>
    tpu.enqueue_indirect_dma source(%dma_start3A_124 : memref<100000xf32, #tpu.memory_space<hbm>>) target(%arg23 : memref<128xf32, #tpu.memory_space<vmem>>) offsets(%arg6 : memref<128xi32, #tpu.memory_space<vmem>>) semaphore(%arg59 : memref<!tpu.dma_semaphore, #tpu.memory_space<semaphore_mem>>)
    %dma_start3A_125 = arith.constant 3 : i32
    %dma_start3A_126 = arith.constant 0 : i32
    %dma_start3A_127 = tpu.memref_slice %arg3[%dma_start3A_125, %dma_start3A_126] : memref<12x100000xf32, #tpu.memory_space<hbm>> -> memref<1x100000xf32, #tpu.memory_space<hbm>>
    %dma_start3A_128 = tpu.memref_squeeze %dma_start3A_127 : memref<1x100000xf32, #tpu.memory_space<hbm>> -> memref<100000xf32, #tpu.memory_space<hbm>>
    %dma_start3A_129 = arith.constant 0 : i32
    %dma_start3A_130 = tpu.memref_slice %dma_start3A_128[%dma_start3A_129] : memref<100000xf32, #tpu.memory_space<hbm>> -> memref<100000xf32, #tpu.memory_space<hbm>>
    tpu.enqueue_indirect_dma source(%dma_start3A_130 : memref<100000xf32, #tpu.memory_space<hbm>>) target(%arg24 : memref<128xf32, #tpu.memory_space<vmem>>) offsets(%arg6 : memref<128xi32, #tpu.memory_space<vmem>>) semaphore(%arg59 : memref<!tpu.dma_semaphore, #tpu.memory_space<semaphore_mem>>)
    %dma_start3A_131 = arith.constant 4 : i32
    %dma_start3A_132 = arith.constant 0 : i32
    %dma_start3A_133 = tpu.memref_slice %arg3[%dma_start3A_131, %dma_start3A_132] : memref<12x100000xf32, #tpu.memory_space<hbm>> -> memref<1x100000xf32, #tpu.memory_space<hbm>>
    %dma_start3A_134 = tpu.memref_squeeze %dma_start3A_133 : memref<1x100000xf32, #tpu.memory_space<hbm>> -> memref<100000xf32, #tpu.memory_space<hbm>>
    %dma_start3A_135 = arith.constant 0 : i32
    %dma_start3A_136 = tpu.memref_slice %dma_start3A_134[%dma_start3A_135] : memref<100000xf32, #tpu.memory_space<hbm>> -> memref<100000xf32, #tpu.memory_space<hbm>>
    tpu.enqueue_indirect_dma source(%dma_start3A_136 : memref<100000xf32, #tpu.memory_space<hbm>>) target(%arg25 : memref<128xf32, #tpu.memory_space<vmem>>) offsets(%arg6 : memref<128xi32, #tpu.memory_space<vmem>>) semaphore(%arg59 : memref<!tpu.dma_semaphore, #tpu.memory_space<semaphore_mem>>)
    %dma_start3A_137 = arith.constant 5 : i32
    %dma_start3A_138 = arith.constant 0 : i32
    %dma_start3A_139 = tpu.memref_slice %arg3[%dma_start3A_137, %dma_start3A_138] : memref<12x100000xf32, #tpu.memory_space<hbm>> -> memref<1x100000xf32, #tpu.memory_space<hbm>>
    %dma_start3A_140 = tpu.memref_squeeze %dma_start3A_139 : memref<1x100000xf32, #tpu.memory_space<hbm>> -> memref<100000xf32, #tpu.memory_space<hbm>>
    %dma_start3A_141 = arith.constant 0 : i32
    %dma_start3A_142 = tpu.memref_slice %dma_start3A_140[%dma_start3A_141] : memref<100000xf32, #tpu.memory_space<hbm>> -> memref<100000xf32, #tpu.memory_space<hbm>>
    tpu.enqueue_indirect_dma source(%dma_start3A_142 : memref<100000xf32, #tpu.memory_space<hbm>>) target(%arg26 : memref<128xf32, #tpu.memory_space<vmem>>) offsets(%arg6 : memref<128xi32, #tpu.memory_space<vmem>>) semaphore(%arg59 : memref<!tpu.dma_semaphore, #tpu.memory_space<semaphore_mem>>)
    %dma_start3A_143 = arith.constant 6 : i32
    %dma_start3A_144 = arith.constant 0 : i32
    %dma_start3A_145 = tpu.memref_slice %arg3[%dma_start3A_143, %dma_start3A_144] : memref<12x100000xf32, #tpu.memory_space<hbm>> -> memref<1x100000xf32, #tpu.memory_space<hbm>>
    %dma_start3A_146 = tpu.memref_squeeze %dma_start3A_145 : memref<1x100000xf32, #tpu.memory_space<hbm>> -> memref<100000xf32, #tpu.memory_space<hbm>>
    %dma_start3A_147 = arith.constant 0 : i32
    %dma_start3A_148 = tpu.memref_slice %dma_start3A_146[%dma_start3A_147] : memref<100000xf32, #tpu.memory_space<hbm>> -> memref<100000xf32, #tpu.memory_space<hbm>>
    tpu.enqueue_indirect_dma source(%dma_start3A_148 : memref<100000xf32, #tpu.memory_space<hbm>>) target(%arg27 : memref<128xf32, #tpu.memory_space<vmem>>) offsets(%arg6 : memref<128xi32, #tpu.memory_space<vmem>>) semaphore(%arg59 : memref<!tpu.dma_semaphore, #tpu.memory_space<semaphore_mem>>)
    %dma_start3A_149 = arith.constant 7 : i32
    %dma_start3A_150 = arith.constant 0 : i32
    %dma_start3A_151 = tpu.memref_slice %arg3[%dma_start3A_149, %dma_start3A_150] : memref<12x100000xf32, #tpu.memory_space<hbm>> -> memref<1x100000xf32, #tpu.memory_space<hbm>>
    %dma_start3A_152 = tpu.memref_squeeze %dma_start3A_151 : memref<1x100000xf32, #tpu.memory_space<hbm>> -> memref<100000xf32, #tpu.memory_space<hbm>>
    %dma_start3A_153 = arith.constant 0 : i32
    %dma_start3A_154 = tpu.memref_slice %dma_start3A_152[%dma_start3A_153] : memref<100000xf32, #tpu.memory_space<hbm>> -> memref<100000xf32, #tpu.memory_space<hbm>>
    tpu.enqueue_indirect_dma source(%dma_start3A_154 : memref<100000xf32, #tpu.memory_space<hbm>>) target(%arg28 : memref<128xf32, #tpu.memory_space<vmem>>) offsets(%arg6 : memref<128xi32, #tpu.memory_space<vmem>>) semaphore(%arg59 : memref<!tpu.dma_semaphore, #tpu.memory_space<semaphore_mem>>)
    %dma_start3A_155 = arith.constant 8 : i32
    %dma_start3A_156 = arith.constant 0 : i32
    %dma_start3A_157 = tpu.memref_slice %arg3[%dma_start3A_155, %dma_start3A_156] : memref<12x100000xf32, #tpu.memory_space<hbm>> -> memref<1x100000xf32, #tpu.memory_space<hbm>>
    %dma_start3A_158 = tpu.memref_squeeze %dma_start3A_157 : memref<1x100000xf32, #tpu.memory_space<hbm>> -> memref<100000xf32, #tpu.memory_space<hbm>>
    %dma_start3A_159 = arith.constant 0 : i32
    %dma_start3A_160 = tpu.memref_slice %dma_start3A_158[%dma_start3A_159] : memref<100000xf32, #tpu.memory_space<hbm>> -> memref<100000xf32, #tpu.memory_space<hbm>>
    tpu.enqueue_indirect_dma source(%dma_start3A_160 : memref<100000xf32, #tpu.memory_space<hbm>>) target(%arg29 : memref<128xf32, #tpu.memory_space<vmem>>) offsets(%arg6 : memref<128xi32, #tpu.memory_space<vmem>>) semaphore(%arg59 : memref<!tpu.dma_semaphore, #tpu.memory_space<semaphore_mem>>)
    %dma_start3A_161 = arith.constant 9 : i32
    %dma_start3A_162 = arith.constant 0 : i32
    %dma_start3A_163 = tpu.memref_slice %arg3[%dma_start3A_161, %dma_start3A_162] : memref<12x100000xf32, #tpu.memory_space<hbm>> -> memref<1x100000xf32, #tpu.memory_space<hbm>>
    %dma_start3A_164 = tpu.memref_squeeze %dma_start3A_163 : memref<1x100000xf32, #tpu.memory_space<hbm>> -> memref<100000xf32, #tpu.memory_space<hbm>>
    %dma_start3A_165 = arith.constant 0 : i32
    %dma_start3A_166 = tpu.memref_slice %dma_start3A_164[%dma_start3A_165] : memref<100000xf32, #tpu.memory_space<hbm>> -> memref<100000xf32, #tpu.memory_space<hbm>>
    tpu.enqueue_indirect_dma source(%dma_start3A_166 : memref<100000xf32, #tpu.memory_space<hbm>>) target(%arg30 : memref<128xf32, #tpu.memory_space<vmem>>) offsets(%arg6 : memref<128xi32, #tpu.memory_space<vmem>>) semaphore(%arg59 : memref<!tpu.dma_semaphore, #tpu.memory_space<semaphore_mem>>)
    %dma_start3A_167 = arith.constant 10 : i32
    %dma_start3A_168 = arith.constant 0 : i32
    %dma_start3A_169 = tpu.memref_slice %arg3[%dma_start3A_167, %dma_start3A_168] : memref<12x100000xf32, #tpu.memory_space<hbm>> -> memref<1x100000xf32, #tpu.memory_space<hbm>>
    %dma_start3A_170 = tpu.memref_squeeze %dma_start3A_169 : memref<1x100000xf32, #tpu.memory_space<hbm>> -> memref<100000xf32, #tpu.memory_space<hbm>>
    %dma_start3A_171 = arith.constant 0 : i32
    %dma_start3A_172 = tpu.memref_slice %dma_start3A_170[%dma_start3A_171] : memref<100000xf32, #tpu.memory_space<hbm>> -> memref<100000xf32, #tpu.memory_space<hbm>>
    tpu.enqueue_indirect_dma source(%dma_start3A_172 : memref<100000xf32, #tpu.memory_space<hbm>>) target(%arg31 : memref<128xf32, #tpu.memory_space<vmem>>) offsets(%arg6 : memref<128xi32, #tpu.memory_space<vmem>>) semaphore(%arg59 : memref<!tpu.dma_semaphore, #tpu.memory_space<semaphore_mem>>)
    %dma_start3A_173 = arith.constant 11 : i32
    %dma_start3A_174 = arith.constant 0 : i32
    %dma_start3A_175 = tpu.memref_slice %arg3[%dma_start3A_173, %dma_start3A_174] : memref<12x100000xf32, #tpu.memory_space<hbm>> -> memref<1x100000xf32, #tpu.memory_space<hbm>>
    %dma_start3A_176 = tpu.memref_squeeze %dma_start3A_175 : memref<1x100000xf32, #tpu.memory_space<hbm>> -> memref<100000xf32, #tpu.memory_space<hbm>>
    %dma_start3A_177 = arith.constant 0 : i32
    %dma_start3A_178 = tpu.memref_slice %dma_start3A_176[%dma_start3A_177] : memref<100000xf32, #tpu.memory_space<hbm>> -> memref<100000xf32, #tpu.memory_space<hbm>>
    tpu.enqueue_indirect_dma source(%dma_start3A_178 : memref<100000xf32, #tpu.memory_space<hbm>>) target(%arg32 : memref<128xf32, #tpu.memory_space<vmem>>) offsets(%arg6 : memref<128xi32, #tpu.memory_space<vmem>>) semaphore(%arg59 : memref<!tpu.dma_semaphore, #tpu.memory_space<semaphore_mem>>)
    %dma_wait3A_179 = tpu.memref_slice %arg2[%mul3A_21] : memref<16384xi32, #tpu.memory_space<hbm>> -> memref<128xi32, #tpu.memory_space<hbm>>
    %dma_wait3A_180 = tpu.memref_slice %arg2[%mul3A_21] : memref<16384xi32, #tpu.memory_space<hbm>> -> memref<128xi32, #tpu.memory_space<hbm>>
    tpu.wait_dma2 semaphore(%arg60 : memref<!tpu.dma_semaphore, #tpu.memory_space<semaphore_mem>>) src(%dma_wait3A_180 : memref<128xi32, #tpu.memory_space<hbm>>) dst(%arg7 : memref<128xi32, #tpu.memory_space<vmem>>)
    %dma_start3A_181 = arith.constant 0 : i32
    %dma_start3A_182 = arith.constant 0 : i32
    %dma_start3A_183 = tpu.memref_slice %arg3[%dma_start3A_181, %dma_start3A_182] : memref<12x100000xf32, #tpu.memory_space<hbm>> -> memref<1x100000xf32, #tpu.memory_space<hbm>>
    %dma_start3A_184 = tpu.memref_squeeze %dma_start3A_183 : memref<1x100000xf32, #tpu.memory_space<hbm>> -> memref<100000xf32, #tpu.memory_space<hbm>>
    %dma_start3A_185 = arith.constant 0 : i32
    %dma_start3A_186 = tpu.memref_slice %dma_start3A_184[%dma_start3A_185] : memref<100000xf32, #tpu.memory_space<hbm>> -> memref<100000xf32, #tpu.memory_space<hbm>>
    tpu.enqueue_indirect_dma source(%dma_start3A_186 : memref<100000xf32, #tpu.memory_space<hbm>>) target(%arg33 : memref<128xf32, #tpu.memory_space<vmem>>) offsets(%arg7 : memref<128xi32, #tpu.memory_space<vmem>>) semaphore(%arg60 : memref<!tpu.dma_semaphore, #tpu.memory_space<semaphore_mem>>)
    %dma_start3A_187 = arith.constant 1 : i32
    %dma_start3A_188 = arith.constant 0 : i32
    %dma_start3A_189 = tpu.memref_slice %arg3[%dma_start3A_187, %dma_start3A_188] : memref<12x100000xf32, #tpu.memory_space<hbm>> -> memref<1x100000xf32, #tpu.memory_space<hbm>>
    %dma_start3A_190 = tpu.memref_squeeze %dma_start3A_189 : memref<1x100000xf32, #tpu.memory_space<hbm>> -> memref<100000xf32, #tpu.memory_space<hbm>>
    %dma_start3A_191 = arith.constant 0 : i32
    %dma_start3A_192 = tpu.memref_slice %dma_start3A_190[%dma_start3A_191] : memref<100000xf32, #tpu.memory_space<hbm>> -> memref<100000xf32, #tpu.memory_space<hbm>>
    tpu.enqueue_indirect_dma source(%dma_start3A_192 : memref<100000xf32, #tpu.memory_space<hbm>>) target(%arg34 : memref<128xf32, #tpu.memory_space<vmem>>) offsets(%arg7 : memref<128xi32, #tpu.memory_space<vmem>>) semaphore(%arg60 : memref<!tpu.dma_semaphore, #tpu.memory_space<semaphore_mem>>)
    %dma_start3A_193 = arith.constant 2 : i32
    %dma_start3A_194 = arith.constant 0 : i32
    %dma_start3A_195 = tpu.memref_slice %arg3[%dma_start3A_193, %dma_start3A_194] : memref<12x100000xf32, #tpu.memory_space<hbm>> -> memref<1x100000xf32, #tpu.memory_space<hbm>>
    %dma_start3A_196 = tpu.memref_squeeze %dma_start3A_195 : memref<1x100000xf32, #tpu.memory_space<hbm>> -> memref<100000xf32, #tpu.memory_space<hbm>>
    %dma_start3A_197 = arith.constant 0 : i32
    %dma_start3A_198 = tpu.memref_slice %dma_start3A_196[%dma_start3A_197] : memref<100000xf32, #tpu.memory_space<hbm>> -> memref<100000xf32, #tpu.memory_space<hbm>>
    tpu.enqueue_indirect_dma source(%dma_start3A_198 : memref<100000xf32, #tpu.memory_space<hbm>>) target(%arg35 : memref<128xf32, #tpu.memory_space<vmem>>) offsets(%arg7 : memref<128xi32, #tpu.memory_space<vmem>>) semaphore(%arg60 : memref<!tpu.dma_semaphore, #tpu.memory_space<semaphore_mem>>)
    %dma_start3A_199 = arith.constant 3 : i32
    %dma_start3A_200 = arith.constant 0 : i32
    %dma_start3A_201 = tpu.memref_slice %arg3[%dma_start3A_199, %dma_start3A_200] : memref<12x100000xf32, #tpu.memory_space<hbm>> -> memref<1x100000xf32, #tpu.memory_space<hbm>>
    %dma_start3A_202 = tpu.memref_squeeze %dma_start3A_201 : memref<1x100000xf32, #tpu.memory_space<hbm>> -> memref<100000xf32, #tpu.memory_space<hbm>>
    %dma_start3A_203 = arith.constant 0 : i32
    %dma_start3A_204 = tpu.memref_slice %dma_start3A_202[%dma_start3A_203] : memref<100000xf32, #tpu.memory_space<hbm>> -> memref<100000xf32, #tpu.memory_space<hbm>>
    tpu.enqueue_indirect_dma source(%dma_start3A_204 : memref<100000xf32, #tpu.memory_space<hbm>>) target(%arg36 : memref<128xf32, #tpu.memory_space<vmem>>) offsets(%arg7 : memref<128xi32, #tpu.memory_space<vmem>>) semaphore(%arg60 : memref<!tpu.dma_semaphore, #tpu.memory_space<semaphore_mem>>)
    %dma_start3A_205 = arith.constant 4 : i32
    %dma_start3A_206 = arith.constant 0 : i32
    %dma_start3A_207 = tpu.memref_slice %arg3[%dma_start3A_205, %dma_start3A_206] : memref<12x100000xf32, #tpu.memory_space<hbm>> -> memref<1x100000xf32, #tpu.memory_space<hbm>>
    %dma_start3A_208 = tpu.memref_squeeze %dma_start3A_207 : memref<1x100000xf32, #tpu.memory_space<hbm>> -> memref<100000xf32, #tpu.memory_space<hbm>>
    %dma_start3A_209 = arith.constant 0 : i32
    %dma_start3A_210 = tpu.memref_slice %dma_start3A_208[%dma_start3A_209] : memref<100000xf32, #tpu.memory_space<hbm>> -> memref<100000xf32, #tpu.memory_space<hbm>>
    tpu.enqueue_indirect_dma source(%dma_start3A_210 : memref<100000xf32, #tpu.memory_space<hbm>>) target(%arg37 : memref<128xf32, #tpu.memory_space<vmem>>) offsets(%arg7 : memref<128xi32, #tpu.memory_space<vmem>>) semaphore(%arg60 : memref<!tpu.dma_semaphore, #tpu.memory_space<semaphore_mem>>)
    %dma_start3A_211 = arith.constant 5 : i32
    %dma_start3A_212 = arith.constant 0 : i32
    %dma_start3A_213 = tpu.memref_slice %arg3[%dma_start3A_211, %dma_start3A_212] : memref<12x100000xf32, #tpu.memory_space<hbm>> -> memref<1x100000xf32, #tpu.memory_space<hbm>>
    %dma_start3A_214 = tpu.memref_squeeze %dma_start3A_213 : memref<1x100000xf32, #tpu.memory_space<hbm>> -> memref<100000xf32, #tpu.memory_space<hbm>>
    %dma_start3A_215 = arith.constant 0 : i32
    %dma_start3A_216 = tpu.memref_slice %dma_start3A_214[%dma_start3A_215] : memref<100000xf32, #tpu.memory_space<hbm>> -> memref<100000xf32, #tpu.memory_space<hbm>>
    tpu.enqueue_indirect_dma source(%dma_start3A_216 : memref<100000xf32, #tpu.memory_space<hbm>>) target(%arg38 : memref<128xf32, #tpu.memory_space<vmem>>) offsets(%arg7 : memref<128xi32, #tpu.memory_space<vmem>>) semaphore(%arg60 : memref<!tpu.dma_semaphore, #tpu.memory_space<semaphore_mem>>)
    %dma_start3A_217 = arith.constant 6 : i32
    %dma_start3A_218 = arith.constant 0 : i32
    %dma_start3A_219 = tpu.memref_slice %arg3[%dma_start3A_217, %dma_start3A_218] : memref<12x100000xf32, #tpu.memory_space<hbm>> -> memref<1x100000xf32, #tpu.memory_space<hbm>>
    %dma_start3A_220 = tpu.memref_squeeze %dma_start3A_219 : memref<1x100000xf32, #tpu.memory_space<hbm>> -> memref<100000xf32, #tpu.memory_space<hbm>>
    %dma_start3A_221 = arith.constant 0 : i32
    %dma_start3A_222 = tpu.memref_slice %dma_start3A_220[%dma_start3A_221] : memref<100000xf32, #tpu.memory_space<hbm>> -> memref<100000xf32, #tpu.memory_space<hbm>>
    tpu.enqueue_indirect_dma source(%dma_start3A_222 : memref<100000xf32, #tpu.memory_space<hbm>>) target(%arg39 : memref<128xf32, #tpu.memory_space<vmem>>) offsets(%arg7 : memref<128xi32, #tpu.memory_space<vmem>>) semaphore(%arg60 : memref<!tpu.dma_semaphore, #tpu.memory_space<semaphore_mem>>)
    %dma_start3A_223 = arith.constant 7 : i32
    %dma_start3A_224 = arith.constant 0 : i32
    %dma_start3A_225 = tpu.memref_slice %arg3[%dma_start3A_223, %dma_start3A_224] : memref<12x100000xf32, #tpu.memory_space<hbm>> -> memref<1x100000xf32, #tpu.memory_space<hbm>>
    %dma_start3A_226 = tpu.memref_squeeze %dma_start3A_225 : memref<1x100000xf32, #tpu.memory_space<hbm>> -> memref<100000xf32, #tpu.memory_space<hbm>>
    %dma_start3A_227 = arith.constant 0 : i32
    %dma_start3A_228 = tpu.memref_slice %dma_start3A_226[%dma_start3A_227] : memref<100000xf32, #tpu.memory_space<hbm>> -> memref<100000xf32, #tpu.memory_space<hbm>>
    tpu.enqueue_indirect_dma source(%dma_start3A_228 : memref<100000xf32, #tpu.memory_space<hbm>>) target(%arg40 : memref<128xf32, #tpu.memory_space<vmem>>) offsets(%arg7 : memref<128xi32, #tpu.memory_space<vmem>>) semaphore(%arg60 : memref<!tpu.dma_semaphore, #tpu.memory_space<semaphore_mem>>)
    %dma_start3A_229 = arith.constant 8 : i32
    %dma_start3A_230 = arith.constant 0 : i32
    %dma_start3A_231 = tpu.memref_slice %arg3[%dma_start3A_229, %dma_start3A_230] : memref<12x100000xf32, #tpu.memory_space<hbm>> -> memref<1x100000xf32, #tpu.memory_space<hbm>>
    %dma_start3A_232 = tpu.memref_squeeze %dma_start3A_231 : memref<1x100000xf32, #tpu.memory_space<hbm>> -> memref<100000xf32, #tpu.memory_space<hbm>>
    %dma_start3A_233 = arith.constant 0 : i32
    %dma_start3A_234 = tpu.memref_slice %dma_start3A_232[%dma_start3A_233] : memref<100000xf32, #tpu.memory_space<hbm>> -> memref<100000xf32, #tpu.memory_space<hbm>>
    tpu.enqueue_indirect_dma source(%dma_start3A_234 : memref<100000xf32, #tpu.memory_space<hbm>>) target(%arg41 : memref<128xf32, #tpu.memory_space<vmem>>) offsets(%arg7 : memref<128xi32, #tpu.memory_space<vmem>>) semaphore(%arg60 : memref<!tpu.dma_semaphore, #tpu.memory_space<semaphore_mem>>)
    %dma_start3A_235 = arith.constant 9 : i32
    %dma_start3A_236 = arith.constant 0 : i32
    %dma_start3A_237 = tpu.memref_slice %arg3[%dma_start3A_235, %dma_start3A_236] : memref<12x100000xf32, #tpu.memory_space<hbm>> -> memref<1x100000xf32, #tpu.memory_space<hbm>>
    %dma_start3A_238 = tpu.memref_squeeze %dma_start3A_237 : memref<1x100000xf32, #tpu.memory_space<hbm>> -> memref<100000xf32, #tpu.memory_space<hbm>>
    %dma_start3A_239 = arith.constant 0 : i32
    %dma_start3A_240 = tpu.memref_slice %dma_start3A_238[%dma_start3A_239] : memref<100000xf32, #tpu.memory_space<hbm>> -> memref<100000xf32, #tpu.memory_space<hbm>>
    tpu.enqueue_indirect_dma source(%dma_start3A_240 : memref<100000xf32, #tpu.memory_space<hbm>>) target(%arg42 : memref<128xf32, #tpu.memory_space<vmem>>) offsets(%arg7 : memref<128xi32, #tpu.memory_space<vmem>>) semaphore(%arg60 : memref<!tpu.dma_semaphore, #tpu.memory_space<semaphore_mem>>)
    %dma_start3A_241 = arith.constant 10 : i32
    %dma_start3A_242 = arith.constant 0 : i32
    %dma_start3A_243 = tpu.memref_slice %arg3[%dma_start3A_241, %dma_start3A_242] : memref<12x100000xf32, #tpu.memory_space<hbm>> -> memref<1x100000xf32, #tpu.memory_space<hbm>>
    %dma_start3A_244 = tpu.memref_squeeze %dma_start3A_243 : memref<1x100000xf32, #tpu.memory_space<hbm>> -> memref<100000xf32, #tpu.memory_space<hbm>>
    %dma_start3A_245 = arith.constant 0 : i32
    %dma_start3A_246 = tpu.memref_slice %dma_start3A_244[%dma_start3A_245] : memref<100000xf32, #tpu.memory_space<hbm>> -> memref<100000xf32, #tpu.memory_space<hbm>>
    tpu.enqueue_indirect_dma source(%dma_start3A_246 : memref<100000xf32, #tpu.memory_space<hbm>>) target(%arg43 : memref<128xf32, #tpu.memory_space<vmem>>) offsets(%arg7 : memref<128xi32, #tpu.memory_space<vmem>>) semaphore(%arg60 : memref<!tpu.dma_semaphore, #tpu.memory_space<semaphore_mem>>)
    %dma_start3A_247 = arith.constant 11 : i32
    %dma_start3A_248 = arith.constant 0 : i32
    %dma_start3A_249 = tpu.memref_slice %arg3[%dma_start3A_247, %dma_start3A_248] : memref<12x100000xf32, #tpu.memory_space<hbm>> -> memref<1x100000xf32, #tpu.memory_space<hbm>>
    %dma_start3A_250 = tpu.memref_squeeze %dma_start3A_249 : memref<1x100000xf32, #tpu.memory_space<hbm>> -> memref<100000xf32, #tpu.memory_space<hbm>>
    %dma_start3A_251 = arith.constant 0 : i32
    %dma_start3A_252 = tpu.memref_slice %dma_start3A_250[%dma_start3A_251] : memref<100000xf32, #tpu.memory_space<hbm>> -> memref<100000xf32, #tpu.memory_space<hbm>>
    tpu.enqueue_indirect_dma source(%dma_start3A_252 : memref<100000xf32, #tpu.memory_space<hbm>>) target(%arg44 : memref<128xf32, #tpu.memory_space<vmem>>) offsets(%arg7 : memref<128xi32, #tpu.memory_space<vmem>>) semaphore(%arg60 : memref<!tpu.dma_semaphore, #tpu.memory_space<semaphore_mem>>)
    %dma_wait3A_253 = tpu.memref_slice %arg2[%mul3A_29] : memref<16384xi32, #tpu.memory_space<hbm>> -> memref<128xi32, #tpu.memory_space<hbm>>
    %dma_wait3A_254 = tpu.memref_slice %arg2[%mul3A_29] : memref<16384xi32, #tpu.memory_space<hbm>> -> memref<128xi32, #tpu.memory_space<hbm>>
    tpu.wait_dma2 semaphore(%arg61 : memref<!tpu.dma_semaphore, #tpu.memory_space<semaphore_mem>>) src(%dma_wait3A_254 : memref<128xi32, #tpu.memory_space<hbm>>) dst(%arg8 : memref<128xi32, #tpu.memory_space<vmem>>)
    %dma_start3A_255 = arith.constant 0 : i32
    %dma_start3A_256 = arith.constant 0 : i32
    %dma_start3A_257 = tpu.memref_slice %arg3[%dma_start3A_255, %dma_start3A_256] : memref<12x100000xf32, #tpu.memory_space<hbm>> -> memref<1x100000xf32, #tpu.memory_space<hbm>>
    %dma_start3A_258 = tpu.memref_squeeze %dma_start3A_257 : memref<1x100000xf32, #tpu.memory_space<hbm>> -> memref<100000xf32, #tpu.memory_space<hbm>>
    %dma_start3A_259 = arith.constant 0 : i32
    %dma_start3A_260 = tpu.memref_slice %dma_start3A_258[%dma_start3A_259] : memref<100000xf32, #tpu.memory_space<hbm>> -> memref<100000xf32, #tpu.memory_space<hbm>>
    tpu.enqueue_indirect_dma source(%dma_start3A_260 : memref<100000xf32, #tpu.memory_space<hbm>>) target(%arg45 : memref<128xf32, #tpu.memory_space<vmem>>) offsets(%arg8 : memref<128xi32, #tpu.memory_space<vmem>>) semaphore(%arg61 : memref<!tpu.dma_semaphore, #tpu.memory_space<semaphore_mem>>)
    %dma_start3A_261 = arith.constant 1 : i32
    %dma_start3A_262 = arith.constant 0 : i32
    %dma_start3A_263 = tpu.memref_slice %arg3[%dma_start3A_261, %dma_start3A_262] : memref<12x100000xf32, #tpu.memory_space<hbm>> -> memref<1x100000xf32, #tpu.memory_space<hbm>>
    %dma_start3A_264 = tpu.memref_squeeze %dma_start3A_263 : memref<1x100000xf32, #tpu.memory_space<hbm>> -> memref<100000xf32, #tpu.memory_space<hbm>>
    %dma_start3A_265 = arith.constant 0 : i32
    %dma_start3A_266 = tpu.memref_slice %dma_start3A_264[%dma_start3A_265] : memref<100000xf32, #tpu.memory_space<hbm>> -> memref<100000xf32, #tpu.memory_space<hbm>>
    tpu.enqueue_indirect_dma source(%dma_start3A_266 : memref<100000xf32, #tpu.memory_space<hbm>>) target(%arg46 : memref<128xf32, #tpu.memory_space<vmem>>) offsets(%arg8 : memref<128xi32, #tpu.memory_space<vmem>>) semaphore(%arg61 : memref<!tpu.dma_semaphore, #tpu.memory_space<semaphore_mem>>)
    %dma_start3A_267 = arith.constant 2 : i32
    %dma_start3A_268 = arith.constant 0 : i32
    %dma_start3A_269 = tpu.memref_slice %arg3[%dma_start3A_267, %dma_start3A_268] : memref<12x100000xf32, #tpu.memory_space<hbm>> -> memref<1x100000xf32, #tpu.memory_space<hbm>>
    %dma_start3A_270 = tpu.memref_squeeze %dma_start3A_269 : memref<1x100000xf32, #tpu.memory_space<hbm>> -> memref<100000xf32, #tpu.memory_space<hbm>>
    %dma_start3A_271 = arith.constant 0 : i32
    %dma_start3A_272 = tpu.memref_slice %dma_start3A_270[%dma_start3A_271] : memref<100000xf32, #tpu.memory_space<hbm>> -> memref<100000xf32, #tpu.memory_space<hbm>>
    tpu.enqueue_indirect_dma source(%dma_start3A_272 : memref<100000xf32, #tpu.memory_space<hbm>>) target(%arg47 : memref<128xf32, #tpu.memory_space<vmem>>) offsets(%arg8 : memref<128xi32, #tpu.memory_space<vmem>>) semaphore(%arg61 : memref<!tpu.dma_semaphore, #tpu.memory_space<semaphore_mem>>)
    %dma_start3A_273 = arith.constant 3 : i32
    %dma_start3A_274 = arith.constant 0 : i32
    %dma_start3A_275 = tpu.memref_slice %arg3[%dma_start3A_273, %dma_start3A_274] : memref<12x100000xf32, #tpu.memory_space<hbm>> -> memref<1x100000xf32, #tpu.memory_space<hbm>>
    %dma_start3A_276 = tpu.memref_squeeze %dma_start3A_275 : memref<1x100000xf32, #tpu.memory_space<hbm>> -> memref<100000xf32, #tpu.memory_space<hbm>>
    %dma_start3A_277 = arith.constant 0 : i32
    %dma_start3A_278 = tpu.memref_slice %dma_start3A_276[%dma_start3A_277] : memref<100000xf32, #tpu.memory_space<hbm>> -> memref<100000xf32, #tpu.memory_space<hbm>>
    tpu.enqueue_indirect_dma source(%dma_start3A_278 : memref<100000xf32, #tpu.memory_space<hbm>>) target(%arg48 : memref<128xf32, #tpu.memory_space<vmem>>) offsets(%arg8 : memref<128xi32, #tpu.memory_space<vmem>>) semaphore(%arg61 : memref<!tpu.dma_semaphore, #tpu.memory_space<semaphore_mem>>)
    %dma_start3A_279 = arith.constant 4 : i32
    %dma_start3A_280 = arith.constant 0 : i32
    %dma_start3A_281 = tpu.memref_slice %arg3[%dma_start3A_279, %dma_start3A_280] : memref<12x100000xf32, #tpu.memory_space<hbm>> -> memref<1x100000xf32, #tpu.memory_space<hbm>>
    %dma_start3A_282 = tpu.memref_squeeze %dma_start3A_281 : memref<1x100000xf32, #tpu.memory_space<hbm>> -> memref<100000xf32, #tpu.memory_space<hbm>>
    %dma_start3A_283 = arith.constant 0 : i32
    %dma_start3A_284 = tpu.memref_slice %dma_start3A_282[%dma_start3A_283] : memref<100000xf32, #tpu.memory_space<hbm>> -> memref<100000xf32, #tpu.memory_space<hbm>>
    tpu.enqueue_indirect_dma source(%dma_start3A_284 : memref<100000xf32, #tpu.memory_space<hbm>>) target(%arg49 : memref<128xf32, #tpu.memory_space<vmem>>) offsets(%arg8 : memref<128xi32, #tpu.memory_space<vmem>>) semaphore(%arg61 : memref<!tpu.dma_semaphore, #tpu.memory_space<semaphore_mem>>)
    %dma_start3A_285 = arith.constant 5 : i32
    %dma_start3A_286 = arith.constant 0 : i32
    %dma_start3A_287 = tpu.memref_slice %arg3[%dma_start3A_285, %dma_start3A_286] : memref<12x100000xf32, #tpu.memory_space<hbm>> -> memref<1x100000xf32, #tpu.memory_space<hbm>>
    %dma_start3A_288 = tpu.memref_squeeze %dma_start3A_287 : memref<1x100000xf32, #tpu.memory_space<hbm>> -> memref<100000xf32, #tpu.memory_space<hbm>>
    %dma_start3A_289 = arith.constant 0 : i32
    %dma_start3A_290 = tpu.memref_slice %dma_start3A_288[%dma_start3A_289] : memref<100000xf32, #tpu.memory_space<hbm>> -> memref<100000xf32, #tpu.memory_space<hbm>>
    tpu.enqueue_indirect_dma source(%dma_start3A_290 : memref<100000xf32, #tpu.memory_space<hbm>>) target(%arg50 : memref<128xf32, #tpu.memory_space<vmem>>) offsets(%arg8 : memref<128xi32, #tpu.memory_space<vmem>>) semaphore(%arg61 : memref<!tpu.dma_semaphore, #tpu.memory_space<semaphore_mem>>)
    %dma_start3A_291 = arith.constant 6 : i32
    %dma_start3A_292 = arith.constant 0 : i32
    %dma_start3A_293 = tpu.memref_slice %arg3[%dma_start3A_291, %dma_start3A_292] : memref<12x100000xf32, #tpu.memory_space<hbm>> -> memref<1x100000xf32, #tpu.memory_space<hbm>>
    %dma_start3A_294 = tpu.memref_squeeze %dma_start3A_293 : memref<1x100000xf32, #tpu.memory_space<hbm>> -> memref<100000xf32, #tpu.memory_space<hbm>>
    %dma_start3A_295 = arith.constant 0 : i32
    %dma_start3A_296 = tpu.memref_slice %dma_start3A_294[%dma_start3A_295] : memref<100000xf32, #tpu.memory_space<hbm>> -> memref<100000xf32, #tpu.memory_space<hbm>>
    tpu.enqueue_indirect_dma source(%dma_start3A_296 : memref<100000xf32, #tpu.memory_space<hbm>>) target(%arg51 : memref<128xf32, #tpu.memory_space<vmem>>) offsets(%arg8 : memref<128xi32, #tpu.memory_space<vmem>>) semaphore(%arg61 : memref<!tpu.dma_semaphore, #tpu.memory_space<semaphore_mem>>)
    %dma_start3A_297 = arith.constant 7 : i32
    %dma_start3A_298 = arith.constant 0 : i32
    %dma_start3A_299 = tpu.memref_slice %arg3[%dma_start3A_297, %dma_start3A_298] : memref<12x100000xf32, #tpu.memory_space<hbm>> -> memref<1x100000xf32, #tpu.memory_space<hbm>>
    %dma_start3A_300 = tpu.memref_squeeze %dma_start3A_299 : memref<1x100000xf32, #tpu.memory_space<hbm>> -> memref<100000xf32, #tpu.memory_space<hbm>>
    %dma_start3A_301 = arith.constant 0 : i32
    %dma_start3A_302 = tpu.memref_slice %dma_start3A_300[%dma_start3A_301] : memref<100000xf32, #tpu.memory_space<hbm>> -> memref<100000xf32, #tpu.memory_space<hbm>>
    tpu.enqueue_indirect_dma source(%dma_start3A_302 : memref<100000xf32, #tpu.memory_space<hbm>>) target(%arg52 : memref<128xf32, #tpu.memory_space<vmem>>) offsets(%arg8 : memref<128xi32, #tpu.memory_space<vmem>>) semaphore(%arg61 : memref<!tpu.dma_semaphore, #tpu.memory_space<semaphore_mem>>)
    %dma_start3A_303 = arith.constant 8 : i32
    %dma_start3A_304 = arith.constant 0 : i32
    %dma_start3A_305 = tpu.memref_slice %arg3[%dma_start3A_303, %dma_start3A_304] : memref<12x100000xf32, #tpu.memory_space<hbm>> -> memref<1x100000xf32, #tpu.memory_space<hbm>>
    %dma_start3A_306 = tpu.memref_squeeze %dma_start3A_305 : memref<1x100000xf32, #tpu.memory_space<hbm>> -> memref<100000xf32, #tpu.memory_space<hbm>>
    %dma_start3A_307 = arith.constant 0 : i32
    %dma_start3A_308 = tpu.memref_slice %dma_start3A_306[%dma_start3A_307] : memref<100000xf32, #tpu.memory_space<hbm>> -> memref<100000xf32, #tpu.memory_space<hbm>>
    tpu.enqueue_indirect_dma source(%dma_start3A_308 : memref<100000xf32, #tpu.memory_space<hbm>>) target(%arg53 : memref<128xf32, #tpu.memory_space<vmem>>) offsets(%arg8 : memref<128xi32, #tpu.memory_space<vmem>>) semaphore(%arg61 : memref<!tpu.dma_semaphore, #tpu.memory_space<semaphore_mem>>)
    %dma_start3A_309 = arith.constant 9 : i32
    %dma_start3A_310 = arith.constant 0 : i32
    %dma_start3A_311 = tpu.memref_slice %arg3[%dma_start3A_309, %dma_start3A_310] : memref<12x100000xf32, #tpu.memory_space<hbm>> -> memref<1x100000xf32, #tpu.memory_space<hbm>>
    %dma_start3A_312 = tpu.memref_squeeze %dma_start3A_311 : memref<1x100000xf32, #tpu.memory_space<hbm>> -> memref<100000xf32, #tpu.memory_space<hbm>>
    %dma_start3A_313 = arith.constant 0 : i32
    %dma_start3A_314 = tpu.memref_slice %dma_start3A_312[%dma_start3A_313] : memref<100000xf32, #tpu.memory_space<hbm>> -> memref<100000xf32, #tpu.memory_space<hbm>>
    tpu.enqueue_indirect_dma source(%dma_start3A_314 : memref<100000xf32, #tpu.memory_space<hbm>>) target(%arg54 : memref<128xf32, #tpu.memory_space<vmem>>) offsets(%arg8 : memref<128xi32, #tpu.memory_space<vmem>>) semaphore(%arg61 : memref<!tpu.dma_semaphore, #tpu.memory_space<semaphore_mem>>)
    %dma_start3A_315 = arith.constant 10 : i32
    %dma_start3A_316 = arith.constant 0 : i32
    %dma_start3A_317 = tpu.memref_slice %arg3[%dma_start3A_315, %dma_start3A_316] : memref<12x100000xf32, #tpu.memory_space<hbm>> -> memref<1x100000xf32, #tpu.memory_space<hbm>>
    %dma_start3A_318 = tpu.memref_squeeze %dma_start3A_317 : memref<1x100000xf32, #tpu.memory_space<hbm>> -> memref<100000xf32, #tpu.memory_space<hbm>>
    %dma_start3A_319 = arith.constant 0 : i32
    %dma_start3A_320 = tpu.memref_slice %dma_start3A_318[%dma_start3A_319] : memref<100000xf32, #tpu.memory_space<hbm>> -> memref<100000xf32, #tpu.memory_space<hbm>>
    tpu.enqueue_indirect_dma source(%dma_start3A_320 : memref<100000xf32, #tpu.memory_space<hbm>>) target(%arg55 : memref<128xf32, #tpu.memory_space<vmem>>) offsets(%arg8 : memref<128xi32, #tpu.memory_space<vmem>>) semaphore(%arg61 : memref<!tpu.dma_semaphore, #tpu.memory_space<semaphore_mem>>)
    %dma_start3A_321 = arith.constant 11 : i32
    %dma_start3A_322 = arith.constant 0 : i32
    %dma_start3A_323 = tpu.memref_slice %arg3[%dma_start3A_321, %dma_start3A_322] : memref<12x100000xf32, #tpu.memory_space<hbm>> -> memref<1x100000xf32, #tpu.memory_space<hbm>>
    %dma_start3A_324 = tpu.memref_squeeze %dma_start3A_323 : memref<1x100000xf32, #tpu.memory_space<hbm>> -> memref<100000xf32, #tpu.memory_space<hbm>>
    %dma_start3A_325 = arith.constant 0 : i32
    %dma_start3A_326 = tpu.memref_slice %dma_start3A_324[%dma_start3A_325] : memref<100000xf32, #tpu.memory_space<hbm>> -> memref<100000xf32, #tpu.memory_space<hbm>>
    tpu.enqueue_indirect_dma source(%dma_start3A_326 : memref<100000xf32, #tpu.memory_space<hbm>>) target(%arg56 : memref<128xf32, #tpu.memory_space<vmem>>) offsets(%arg8 : memref<128xi32, #tpu.memory_space<vmem>>) semaphore(%arg61 : memref<!tpu.dma_semaphore, #tpu.memory_space<semaphore_mem>>)
    %mul3A_327 = arith.constant 4 : i32
    %mul3A_328 = arith.muli %add3A, %mul3A_327 : i32
    %add3A_329 = arith.constant 0 : i32
    %add3A_330 = arith.addi %mul3A_328, %add3A_329 : i32
    %dma_wait3A_331 = arith.constant 0 : i32
    %dma_wait3A_332 = arith.constant 0 : i32
    %dma_wait3A_333 = tpu.memref_slice %arg57[%dma_wait3A_332] : memref<6144xf32, #tpu.memory_space<vmem>> -> memref<1536xf32, #tpu.memory_space<vmem>>
    %dma_wait3A_334 = arith.constant 0 : i32
    %dma_wait3A_335 = tpu.memref_slice %arg3[%dma_wait3A_331, %dma_wait3A_334] : memref<12x100000xf32, #tpu.memory_space<hbm>> -> memref<1x100000xf32, #tpu.memory_space<hbm>>
    %dma_wait3A_336 = tpu.memref_squeeze %dma_wait3A_335 : memref<1x100000xf32, #tpu.memory_space<hbm>> -> memref<100000xf32, #tpu.memory_space<hbm>>
    %dma_wait3A_337 = arith.constant 0 : i32
    %dma_wait3A_338 = tpu.memref_slice %dma_wait3A_336[%dma_wait3A_337] : memref<100000xf32, #tpu.memory_space<hbm>> -> memref<1536xf32, #tpu.memory_space<hbm>>
    %dma_wait3A_339 = arith.constant 0 : i32
    %dma_wait3A_340 = tpu.memref_slice %arg57[%dma_wait3A_339] : memref<6144xf32, #tpu.memory_space<vmem>> -> memref<1536xf32, #tpu.memory_space<vmem>>
    %dma_wait3A_341 = arith.constant 0 : i32
    %dma_wait3A_342 = tpu.memref_slice %arg3[%dma_wait3A_331, %dma_wait3A_341] : memref<12x100000xf32, #tpu.memory_space<hbm>> -> memref<1x100000xf32, #tpu.memory_space<hbm>>
    %dma_wait3A_343 = tpu.memref_squeeze %dma_wait3A_342 : memref<1x100000xf32, #tpu.memory_space<hbm>> -> memref<100000xf32, #tpu.memory_space<hbm>>
    %dma_wait3A_344 = arith.constant 0 : i32
    %dma_wait3A_345 = tpu.memref_slice %dma_wait3A_343[%dma_wait3A_344] : memref<100000xf32, #tpu.memory_space<hbm>> -> memref<1536xf32, #tpu.memory_space<hbm>>
    tpu.wait_dma2 semaphore(%arg58 : memref<!tpu.dma_semaphore, #tpu.memory_space<semaphore_mem>>) src(%dma_wait3A_345 : memref<1536xf32, #tpu.memory_space<hbm>>) dst(%dma_wait3A_340 : memref<1536xf32, #tpu.memory_space<vmem>>)
    %mul3A_346 = arith.constant 128 : i32
    %mul3A_347 = arith.muli %add3A_330, %mul3A_346 : i32
    %dma_start3A_348 = arith.constant 0 : i32
    %dma_start3A_349 = arith.constant 0 : i32
    %dma_start3A_350 = tpu.memref_slice %arg4[%dma_start3A_348, %dma_start3A_349] : memref<12x16384xf32, #tpu.memory_space<hbm>> -> memref<1x16384xf32, #tpu.memory_space<hbm>>
    %dma_start3A_351 = tpu.memref_squeeze %dma_start3A_350 : memref<1x16384xf32, #tpu.memory_space<hbm>> -> memref<16384xf32, #tpu.memory_space<hbm>>
    %dma_start3A_352 = tpu.memref_slice %dma_start3A_351[%mul3A_347] : memref<16384xf32, #tpu.memory_space<hbm>> -> memref<128xf32, #tpu.memory_space<hbm>>
    %dma_start3A_353 = arith.constant 0 : i32
    %dma_start3A_354 = tpu.memref_slice %arg4[%dma_start3A_348, %dma_start3A_353] : memref<12x16384xf32, #tpu.memory_space<hbm>> -> memref<1x16384xf32, #tpu.memory_space<hbm>>
    %dma_start3A_355 = tpu.memref_squeeze %dma_start3A_354 : memref<1x16384xf32, #tpu.memory_space<hbm>> -> memref<16384xf32, #tpu.memory_space<hbm>>
    %dma_start3A_356 = tpu.memref_slice %dma_start3A_355[%mul3A_347] : memref<16384xf32, #tpu.memory_space<hbm>> -> memref<128xf32, #tpu.memory_space<hbm>>
    tpu.enqueue_dma source(%arg9 : memref<128xf32, #tpu.memory_space<vmem>>) target(%dma_start3A_356 : memref<128xf32, #tpu.memory_space<hbm>>) target_semaphore(%arg62 : memref<!tpu.dma_semaphore, #tpu.memory_space<semaphore_mem>>)
    %mul3A_357 = arith.constant 128 : i32
    %mul3A_358 = arith.muli %add3A_330, %mul3A_357 : i32
    %dma_start3A_359 = arith.constant 1 : i32
    %dma_start3A_360 = arith.constant 0 : i32
    %dma_start3A_361 = tpu.memref_slice %arg4[%dma_start3A_359, %dma_start3A_360] : memref<12x16384xf32, #tpu.memory_space<hbm>> -> memref<1x16384xf32, #tpu.memory_space<hbm>>
    %dma_start3A_362 = tpu.memref_squeeze %dma_start3A_361 : memref<1x16384xf32, #tpu.memory_space<hbm>> -> memref<16384xf32, #tpu.memory_space<hbm>>
    %dma_start3A_363 = tpu.memref_slice %dma_start3A_362[%mul3A_358] : memref<16384xf32, #tpu.memory_space<hbm>> -> memref<128xf32, #tpu.memory_space<hbm>>
    %dma_start3A_364 = arith.constant 0 : i32
    %dma_start3A_365 = tpu.memref_slice %arg4[%dma_start3A_359, %dma_start3A_364] : memref<12x16384xf32, #tpu.memory_space<hbm>> -> memref<1x16384xf32, #tpu.memory_space<hbm>>
    %dma_start3A_366 = tpu.memref_squeeze %dma_start3A_365 : memref<1x16384xf32, #tpu.memory_space<hbm>> -> memref<16384xf32, #tpu.memory_space<hbm>>
    %dma_start3A_367 = tpu.memref_slice %dma_start3A_366[%mul3A_358] : memref<16384xf32, #tpu.memory_space<hbm>> -> memref<128xf32, #tpu.memory_space<hbm>>
    tpu.enqueue_dma source(%arg10 : memref<128xf32, #tpu.memory_space<vmem>>) target(%dma_start3A_367 : memref<128xf32, #tpu.memory_space<hbm>>) target_semaphore(%arg62 : memref<!tpu.dma_semaphore, #tpu.memory_space<semaphore_mem>>)
    %mul3A_368 = arith.constant 128 : i32
    %mul3A_369 = arith.muli %add3A_330, %mul3A_368 : i32
    %dma_start3A_370 = arith.constant 2 : i32
    %dma_start3A_371 = arith.constant 0 : i32
    %dma_start3A_372 = tpu.memref_slice %arg4[%dma_start3A_370, %dma_start3A_371] : memref<12x16384xf32, #tpu.memory_space<hbm>> -> memref<1x16384xf32, #tpu.memory_space<hbm>>
    %dma_start3A_373 = tpu.memref_squeeze %dma_start3A_372 : memref<1x16384xf32, #tpu.memory_space<hbm>> -> memref<16384xf32, #tpu.memory_space<hbm>>
    %dma_start3A_374 = tpu.memref_slice %dma_start3A_373[%mul3A_369] : memref<16384xf32, #tpu.memory_space<hbm>> -> memref<128xf32, #tpu.memory_space<hbm>>
    %dma_start3A_375 = arith.constant 0 : i32
    %dma_start3A_376 = tpu.memref_slice %arg4[%dma_start3A_370, %dma_start3A_375] : memref<12x16384xf32, #tpu.memory_space<hbm>> -> memref<1x16384xf32, #tpu.memory_space<hbm>>
    %dma_start3A_377 = tpu.memref_squeeze %dma_start3A_376 : memref<1x16384xf32, #tpu.memory_space<hbm>> -> memref<16384xf32, #tpu.memory_space<hbm>>
    %dma_start3A_378 = tpu.memref_slice %dma_start3A_377[%mul3A_369] : memref<16384xf32, #tpu.memory_space<hbm>> -> memref<128xf32, #tpu.memory_space<hbm>>
    tpu.enqueue_dma source(%arg11 : memref<128xf32, #tpu.memory_space<vmem>>) target(%dma_start3A_378 : memref<128xf32, #tpu.memory_space<hbm>>) target_semaphore(%arg62 : memref<!tpu.dma_semaphore, #tpu.memory_space<semaphore_mem>>)
    %mul3A_379 = arith.constant 128 : i32
    %mul3A_380 = arith.muli %add3A_330, %mul3A_379 : i32
    %dma_start3A_381 = arith.constant 3 : i32
    %dma_start3A_382 = arith.constant 0 : i32
    %dma_start3A_383 = tpu.memref_slice %arg4[%dma_start3A_381, %dma_start3A_382] : memref<12x16384xf32, #tpu.memory_space<hbm>> -> memref<1x16384xf32, #tpu.memory_space<hbm>>
    %dma_start3A_384 = tpu.memref_squeeze %dma_start3A_383 : memref<1x16384xf32, #tpu.memory_space<hbm>> -> memref<16384xf32, #tpu.memory_space<hbm>>
    %dma_start3A_385 = tpu.memref_slice %dma_start3A_384[%mul3A_380] : memref<16384xf32, #tpu.memory_space<hbm>> -> memref<128xf32, #tpu.memory_space<hbm>>
    %dma_start3A_386 = arith.constant 0 : i32
    %dma_start3A_387 = tpu.memref_slice %arg4[%dma_start3A_381, %dma_start3A_386] : memref<12x16384xf32, #tpu.memory_space<hbm>> -> memref<1x16384xf32, #tpu.memory_space<hbm>>
    %dma_start3A_388 = tpu.memref_squeeze %dma_start3A_387 : memref<1x16384xf32, #tpu.memory_space<hbm>> -> memref<16384xf32, #tpu.memory_space<hbm>>
    %dma_start3A_389 = tpu.memref_slice %dma_start3A_388[%mul3A_380] : memref<16384xf32, #tpu.memory_space<hbm>> -> memref<128xf32, #tpu.memory_space<hbm>>
    tpu.enqueue_dma source(%arg12 : memref<128xf32, #tpu.memory_space<vmem>>) target(%dma_start3A_389 : memref<128xf32, #tpu.memory_space<hbm>>) target_semaphore(%arg62 : memref<!tpu.dma_semaphore, #tpu.memory_space<semaphore_mem>>)
    %mul3A_390 = arith.constant 128 : i32
    %mul3A_391 = arith.muli %add3A_330, %mul3A_390 : i32
    %dma_start3A_392 = arith.constant 4 : i32
    %dma_start3A_393 = arith.constant 0 : i32
    %dma_start3A_394 = tpu.memref_slice %arg4[%dma_start3A_392, %dma_start3A_393] : memref<12x16384xf32, #tpu.memory_space<hbm>> -> memref<1x16384xf32, #tpu.memory_space<hbm>>
    %dma_start3A_395 = tpu.memref_squeeze %dma_start3A_394 : memref<1x16384xf32, #tpu.memory_space<hbm>> -> memref<16384xf32, #tpu.memory_space<hbm>>
    %dma_start3A_396 = tpu.memref_slice %dma_start3A_395[%mul3A_391] : memref<16384xf32, #tpu.memory_space<hbm>> -> memref<128xf32, #tpu.memory_space<hbm>>
    %dma_start3A_397 = arith.constant 0 : i32
    %dma_start3A_398 = tpu.memref_slice %arg4[%dma_start3A_392, %dma_start3A_397] : memref<12x16384xf32, #tpu.memory_space<hbm>> -> memref<1x16384xf32, #tpu.memory_space<hbm>>
    %dma_start3A_399 = tpu.memref_squeeze %dma_start3A_398 : memref<1x16384xf32, #tpu.memory_space<hbm>> -> memref<16384xf32, #tpu.memory_space<hbm>>
    %dma_start3A_400 = tpu.memref_slice %dma_start3A_399[%mul3A_391] : memref<16384xf32, #tpu.memory_space<hbm>> -> memref<128xf32, #tpu.memory_space<hbm>>
    tpu.enqueue_dma source(%arg13 : memref<128xf32, #tpu.memory_space<vmem>>) target(%dma_start3A_400 : memref<128xf32, #tpu.memory_space<hbm>>) target_semaphore(%arg62 : memref<!tpu.dma_semaphore, #tpu.memory_space<semaphore_mem>>)
    %mul3A_401 = arith.constant 128 : i32
    %mul3A_402 = arith.muli %add3A_330, %mul3A_401 : i32
    %dma_start3A_403 = arith.constant 5 : i32
    %dma_start3A_404 = arith.constant 0 : i32
    %dma_start3A_405 = tpu.memref_slice %arg4[%dma_start3A_403, %dma_start3A_404] : memref<12x16384xf32, #tpu.memory_space<hbm>> -> memref<1x16384xf32, #tpu.memory_space<hbm>>
    %dma_start3A_406 = tpu.memref_squeeze %dma_start3A_405 : memref<1x16384xf32, #tpu.memory_space<hbm>> -> memref<16384xf32, #tpu.memory_space<hbm>>
    %dma_start3A_407 = tpu.memref_slice %dma_start3A_406[%mul3A_402] : memref<16384xf32, #tpu.memory_space<hbm>> -> memref<128xf32, #tpu.memory_space<hbm>>
    %dma_start3A_408 = arith.constant 0 : i32
    %dma_start3A_409 = tpu.memref_slice %arg4[%dma_start3A_403, %dma_start3A_408] : memref<12x16384xf32, #tpu.memory_space<hbm>> -> memref<1x16384xf32, #tpu.memory_space<hbm>>
    %dma_start3A_410 = tpu.memref_squeeze %dma_start3A_409 : memref<1x16384xf32, #tpu.memory_space<hbm>> -> memref<16384xf32, #tpu.memory_space<hbm>>
    %dma_start3A_411 = tpu.memref_slice %dma_start3A_410[%mul3A_402] : memref<16384xf32, #tpu.memory_space<hbm>> -> memref<128xf32, #tpu.memory_space<hbm>>
    tpu.enqueue_dma source(%arg14 : memref<128xf32, #tpu.memory_space<vmem>>) target(%dma_start3A_411 : memref<128xf32, #tpu.memory_space<hbm>>) target_semaphore(%arg62 : memref<!tpu.dma_semaphore, #tpu.memory_space<semaphore_mem>>)
    %mul3A_412 = arith.constant 128 : i32
    %mul3A_413 = arith.muli %add3A_330, %mul3A_412 : i32
    %dma_start3A_414 = arith.constant 6 : i32
    %dma_start3A_415 = arith.constant 0 : i32
    %dma_start3A_416 = tpu.memref_slice %arg4[%dma_start3A_414, %dma_start3A_415] : memref<12x16384xf32, #tpu.memory_space<hbm>> -> memref<1x16384xf32, #tpu.memory_space<hbm>>
    %dma_start3A_417 = tpu.memref_squeeze %dma_start3A_416 : memref<1x16384xf32, #tpu.memory_space<hbm>> -> memref<16384xf32, #tpu.memory_space<hbm>>
    %dma_start3A_418 = tpu.memref_slice %dma_start3A_417[%mul3A_413] : memref<16384xf32, #tpu.memory_space<hbm>> -> memref<128xf32, #tpu.memory_space<hbm>>
    %dma_start3A_419 = arith.constant 0 : i32
    %dma_start3A_420 = tpu.memref_slice %arg4[%dma_start3A_414, %dma_start3A_419] : memref<12x16384xf32, #tpu.memory_space<hbm>> -> memref<1x16384xf32, #tpu.memory_space<hbm>>
    %dma_start3A_421 = tpu.memref_squeeze %dma_start3A_420 : memref<1x16384xf32, #tpu.memory_space<hbm>> -> memref<16384xf32, #tpu.memory_space<hbm>>
    %dma_start3A_422 = tpu.memref_slice %dma_start3A_421[%mul3A_413] : memref<16384xf32, #tpu.memory_space<hbm>> -> memref<128xf32, #tpu.memory_space<hbm>>
    tpu.enqueue_dma source(%arg15 : memref<128xf32, #tpu.memory_space<vmem>>) target(%dma_start3A_422 : memref<128xf32, #tpu.memory_space<hbm>>) target_semaphore(%arg62 : memref<!tpu.dma_semaphore, #tpu.memory_space<semaphore_mem>>)
    %mul3A_423 = arith.constant 128 : i32
    %mul3A_424 = arith.muli %add3A_330, %mul3A_423 : i32
    %dma_start3A_425 = arith.constant 7 : i32
    %dma_start3A_426 = arith.constant 0 : i32
    %dma_start3A_427 = tpu.memref_slice %arg4[%dma_start3A_425, %dma_start3A_426] : memref<12x16384xf32, #tpu.memory_space<hbm>> -> memref<1x16384xf32, #tpu.memory_space<hbm>>
    %dma_start3A_428 = tpu.memref_squeeze %dma_start3A_427 : memref<1x16384xf32, #tpu.memory_space<hbm>> -> memref<16384xf32, #tpu.memory_space<hbm>>
    %dma_start3A_429 = tpu.memref_slice %dma_start3A_428[%mul3A_424] : memref<16384xf32, #tpu.memory_space<hbm>> -> memref<128xf32, #tpu.memory_space<hbm>>
    %dma_start3A_430 = arith.constant 0 : i32
    %dma_start3A_431 = tpu.memref_slice %arg4[%dma_start3A_425, %dma_start3A_430] : memref<12x16384xf32, #tpu.memory_space<hbm>> -> memref<1x16384xf32, #tpu.memory_space<hbm>>
    %dma_start3A_432 = tpu.memref_squeeze %dma_start3A_431 : memref<1x16384xf32, #tpu.memory_space<hbm>> -> memref<16384xf32, #tpu.memory_space<hbm>>
    %dma_start3A_433 = tpu.memref_slice %dma_start3A_432[%mul3A_424] : memref<16384xf32, #tpu.memory_space<hbm>> -> memref<128xf32, #tpu.memory_space<hbm>>
    tpu.enqueue_dma source(%arg16 : memref<128xf32, #tpu.memory_space<vmem>>) target(%dma_start3A_433 : memref<128xf32, #tpu.memory_space<hbm>>) target_semaphore(%arg62 : memref<!tpu.dma_semaphore, #tpu.memory_space<semaphore_mem>>)
    %mul3A_434 = arith.constant 128 : i32
    %mul3A_435 = arith.muli %add3A_330, %mul3A_434 : i32
    %dma_start3A_436 = arith.constant 8 : i32
    %dma_start3A_437 = arith.constant 0 : i32
    %dma_start3A_438 = tpu.memref_slice %arg4[%dma_start3A_436, %dma_start3A_437] : memref<12x16384xf32, #tpu.memory_space<hbm>> -> memref<1x16384xf32, #tpu.memory_space<hbm>>
    %dma_start3A_439 = tpu.memref_squeeze %dma_start3A_438 : memref<1x16384xf32, #tpu.memory_space<hbm>> -> memref<16384xf32, #tpu.memory_space<hbm>>
    %dma_start3A_440 = tpu.memref_slice %dma_start3A_439[%mul3A_435] : memref<16384xf32, #tpu.memory_space<hbm>> -> memref<128xf32, #tpu.memory_space<hbm>>
    %dma_start3A_441 = arith.constant 0 : i32
    %dma_start3A_442 = tpu.memref_slice %arg4[%dma_start3A_436, %dma_start3A_441] : memref<12x16384xf32, #tpu.memory_space<hbm>> -> memref<1x16384xf32, #tpu.memory_space<hbm>>
    %dma_start3A_443 = tpu.memref_squeeze %dma_start3A_442 : memref<1x16384xf32, #tpu.memory_space<hbm>> -> memref<16384xf32, #tpu.memory_space<hbm>>
    %dma_start3A_444 = tpu.memref_slice %dma_start3A_443[%mul3A_435] : memref<16384xf32, #tpu.memory_space<hbm>> -> memref<128xf32, #tpu.memory_space<hbm>>
    tpu.enqueue_dma source(%arg17 : memref<128xf32, #tpu.memory_space<vmem>>) target(%dma_start3A_444 : memref<128xf32, #tpu.memory_space<hbm>>) target_semaphore(%arg62 : memref<!tpu.dma_semaphore, #tpu.memory_space<semaphore_mem>>)
    %mul3A_445 = arith.constant 128 : i32
    %mul3A_446 = arith.muli %add3A_330, %mul3A_445 : i32
    %dma_start3A_447 = arith.constant 9 : i32
    %dma_start3A_448 = arith.constant 0 : i32
    %dma_start3A_449 = tpu.memref_slice %arg4[%dma_start3A_447, %dma_start3A_448] : memref<12x16384xf32, #tpu.memory_space<hbm>> -> memref<1x16384xf32, #tpu.memory_space<hbm>>
    %dma_start3A_450 = tpu.memref_squeeze %dma_start3A_449 : memref<1x16384xf32, #tpu.memory_space<hbm>> -> memref<16384xf32, #tpu.memory_space<hbm>>
    %dma_start3A_451 = tpu.memref_slice %dma_start3A_450[%mul3A_446] : memref<16384xf32, #tpu.memory_space<hbm>> -> memref<128xf32, #tpu.memory_space<hbm>>
    %dma_start3A_452 = arith.constant 0 : i32
    %dma_start3A_453 = tpu.memref_slice %arg4[%dma_start3A_447, %dma_start3A_452] : memref<12x16384xf32, #tpu.memory_space<hbm>> -> memref<1x16384xf32, #tpu.memory_space<hbm>>
    %dma_start3A_454 = tpu.memref_squeeze %dma_start3A_453 : memref<1x16384xf32, #tpu.memory_space<hbm>> -> memref<16384xf32, #tpu.memory_space<hbm>>
    %dma_start3A_455 = tpu.memref_slice %dma_start3A_454[%mul3A_446] : memref<16384xf32, #tpu.memory_space<hbm>> -> memref<128xf32, #tpu.memory_space<hbm>>
    tpu.enqueue_dma source(%arg18 : memref<128xf32, #tpu.memory_space<vmem>>) target(%dma_start3A_455 : memref<128xf32, #tpu.memory_space<hbm>>) target_semaphore(%arg62 : memref<!tpu.dma_semaphore, #tpu.memory_space<semaphore_mem>>)
    %mul3A_456 = arith.constant 128 : i32
    %mul3A_457 = arith.muli %add3A_330, %mul3A_456 : i32
    %dma_start3A_458 = arith.constant 10 : i32
    %dma_start3A_459 = arith.constant 0 : i32
    %dma_start3A_460 = tpu.memref_slice %arg4[%dma_start3A_458, %dma_start3A_459] : memref<12x16384xf32, #tpu.memory_space<hbm>> -> memref<1x16384xf32, #tpu.memory_space<hbm>>
    %dma_start3A_461 = tpu.memref_squeeze %dma_start3A_460 : memref<1x16384xf32, #tpu.memory_space<hbm>> -> memref<16384xf32, #tpu.memory_space<hbm>>
    %dma_start3A_462 = tpu.memref_slice %dma_start3A_461[%mul3A_457] : memref<16384xf32, #tpu.memory_space<hbm>> -> memref<128xf32, #tpu.memory_space<hbm>>
    %dma_start3A_463 = arith.constant 0 : i32
    %dma_start3A_464 = tpu.memref_slice %arg4[%dma_start3A_458, %dma_start3A_463] : memref<12x16384xf32, #tpu.memory_space<hbm>> -> memref<1x16384xf32, #tpu.memory_space<hbm>>
    %dma_start3A_465 = tpu.memref_squeeze %dma_start3A_464 : memref<1x16384xf32, #tpu.memory_space<hbm>> -> memref<16384xf32, #tpu.memory_space<hbm>>
    %dma_start3A_466 = tpu.memref_slice %dma_start3A_465[%mul3A_457] : memref<16384xf32, #tpu.memory_space<hbm>> -> memref<128xf32, #tpu.memory_space<hbm>>
    tpu.enqueue_dma source(%arg19 : memref<128xf32, #tpu.memory_space<vmem>>) target(%dma_start3A_466 : memref<128xf32, #tpu.memory_space<hbm>>) target_semaphore(%arg62 : memref<!tpu.dma_semaphore, #tpu.memory_space<semaphore_mem>>)
    %mul3A_467 = arith.constant 128 : i32
    %mul3A_468 = arith.muli %add3A_330, %mul3A_467 : i32
    %dma_start3A_469 = arith.constant 11 : i32
    %dma_start3A_470 = arith.constant 0 : i32
    %dma_start3A_471 = tpu.memref_slice %arg4[%dma_start3A_469, %dma_start3A_470] : memref<12x16384xf32, #tpu.memory_space<hbm>> -> memref<1x16384xf32, #tpu.memory_space<hbm>>
    %dma_start3A_472 = tpu.memref_squeeze %dma_start3A_471 : memref<1x16384xf32, #tpu.memory_space<hbm>> -> memref<16384xf32, #tpu.memory_space<hbm>>
    %dma_start3A_473 = tpu.memref_slice %dma_start3A_472[%mul3A_468] : memref<16384xf32, #tpu.memory_space<hbm>> -> memref<128xf32, #tpu.memory_space<hbm>>
    %dma_start3A_474 = arith.constant 0 : i32
    %dma_start3A_475 = tpu.memref_slice %arg4[%dma_start3A_469, %dma_start3A_474] : memref<12x16384xf32, #tpu.memory_space<hbm>> -> memref<1x16384xf32, #tpu.memory_space<hbm>>
    %dma_start3A_476 = tpu.memref_squeeze %dma_start3A_475 : memref<1x16384xf32, #tpu.memory_space<hbm>> -> memref<16384xf32, #tpu.memory_space<hbm>>
    %dma_start3A_477 = tpu.memref_slice %dma_start3A_476[%mul3A_468] : memref<16384xf32, #tpu.memory_space<hbm>> -> memref<128xf32, #tpu.memory_space<hbm>>
    tpu.enqueue_dma source(%arg20 : memref<128xf32, #tpu.memory_space<vmem>>) target(%dma_start3A_477 : memref<128xf32, #tpu.memory_space<hbm>>) target_semaphore(%arg62 : memref<!tpu.dma_semaphore, #tpu.memory_space<semaphore_mem>>)
    %mul3A_478 = arith.constant 4 : i32
    %mul3A_479 = arith.muli %add3A, %mul3A_478 : i32
    %add3A_480 = arith.constant 1 : i32
    %add3A_481 = arith.addi %mul3A_479, %add3A_480 : i32
    %dma_wait3A_482 = arith.constant 0 : i32
    %dma_wait3A_483 = arith.constant 0 : i32
    %dma_wait3A_484 = tpu.memref_slice %arg57[%dma_wait3A_483] : memref<6144xf32, #tpu.memory_space<vmem>> -> memref<1536xf32, #tpu.memory_space<vmem>>
    %dma_wait3A_485 = arith.constant 0 : i32
    %dma_wait3A_486 = tpu.memref_slice %arg3[%dma_wait3A_482, %dma_wait3A_485] : memref<12x100000xf32, #tpu.memory_space<hbm>> -> memref<1x100000xf32, #tpu.memory_space<hbm>>
    %dma_wait3A_487 = tpu.memref_squeeze %dma_wait3A_486 : memref<1x100000xf32, #tpu.memory_space<hbm>> -> memref<100000xf32, #tpu.memory_space<hbm>>
    %dma_wait3A_488 = arith.constant 0 : i32
    %dma_wait3A_489 = tpu.memref_slice %dma_wait3A_487[%dma_wait3A_488] : memref<100000xf32, #tpu.memory_space<hbm>> -> memref<1536xf32, #tpu.memory_space<hbm>>
    %dma_wait3A_490 = arith.constant 0 : i32
    %dma_wait3A_491 = tpu.memref_slice %arg57[%dma_wait3A_490] : memref<6144xf32, #tpu.memory_space<vmem>> -> memref<1536xf32, #tpu.memory_space<vmem>>
    %dma_wait3A_492 = arith.constant 0 : i32
    %dma_wait3A_493 = tpu.memref_slice %arg3[%dma_wait3A_482, %dma_wait3A_492] : memref<12x100000xf32, #tpu.memory_space<hbm>> -> memref<1x100000xf32, #tpu.memory_space<hbm>>
    %dma_wait3A_494 = tpu.memref_squeeze %dma_wait3A_493 : memref<1x100000xf32, #tpu.memory_space<hbm>> -> memref<100000xf32, #tpu.memory_space<hbm>>
    %dma_wait3A_495 = arith.constant 0 : i32
    %dma_wait3A_496 = tpu.memref_slice %dma_wait3A_494[%dma_wait3A_495] : memref<100000xf32, #tpu.memory_space<hbm>> -> memref<1536xf32, #tpu.memory_space<hbm>>
    tpu.wait_dma2 semaphore(%arg59 : memref<!tpu.dma_semaphore, #tpu.memory_space<semaphore_mem>>) src(%dma_wait3A_496 : memref<1536xf32, #tpu.memory_space<hbm>>) dst(%dma_wait3A_491 : memref<1536xf32, #tpu.memory_space<vmem>>)
    %mul3A_497 = arith.constant 128 : i32
    %mul3A_498 = arith.muli %add3A_481, %mul3A_497 : i32
    %dma_start3A_499 = arith.constant 0 : i32
    %dma_start3A_500 = arith.constant 0 : i32
    %dma_start3A_501 = tpu.memref_slice %arg4[%dma_start3A_499, %dma_start3A_500] : memref<12x16384xf32, #tpu.memory_space<hbm>> -> memref<1x16384xf32, #tpu.memory_space<hbm>>
    %dma_start3A_502 = tpu.memref_squeeze %dma_start3A_501 : memref<1x16384xf32, #tpu.memory_space<hbm>> -> memref<16384xf32, #tpu.memory_space<hbm>>
    %dma_start3A_503 = tpu.memref_slice %dma_start3A_502[%mul3A_498] : memref<16384xf32, #tpu.memory_space<hbm>> -> memref<128xf32, #tpu.memory_space<hbm>>
    %dma_start3A_504 = arith.constant 0 : i32
    %dma_start3A_505 = tpu.memref_slice %arg4[%dma_start3A_499, %dma_start3A_504] : memref<12x16384xf32, #tpu.memory_space<hbm>> -> memref<1x16384xf32, #tpu.memory_space<hbm>>
    %dma_start3A_506 = tpu.memref_squeeze %dma_start3A_505 : memref<1x16384xf32, #tpu.memory_space<hbm>> -> memref<16384xf32, #tpu.memory_space<hbm>>
    %dma_start3A_507 = tpu.memref_slice %dma_start3A_506[%mul3A_498] : memref<16384xf32, #tpu.memory_space<hbm>> -> memref<128xf32, #tpu.memory_space<hbm>>
    tpu.enqueue_dma source(%arg21 : memref<128xf32, #tpu.memory_space<vmem>>) target(%dma_start3A_507 : memref<128xf32, #tpu.memory_space<hbm>>) target_semaphore(%arg62 : memref<!tpu.dma_semaphore, #tpu.memory_space<semaphore_mem>>)
    %mul3A_508 = arith.constant 128 : i32
    %mul3A_509 = arith.muli %add3A_481, %mul3A_508 : i32
    %dma_start3A_510 = arith.constant 1 : i32
    %dma_start3A_511 = arith.constant 0 : i32
    %dma_start3A_512 = tpu.memref_slice %arg4[%dma_start3A_510, %dma_start3A_511] : memref<12x16384xf32, #tpu.memory_space<hbm>> -> memref<1x16384xf32, #tpu.memory_space<hbm>>
    %dma_start3A_513 = tpu.memref_squeeze %dma_start3A_512 : memref<1x16384xf32, #tpu.memory_space<hbm>> -> memref<16384xf32, #tpu.memory_space<hbm>>
    %dma_start3A_514 = tpu.memref_slice %dma_start3A_513[%mul3A_509] : memref<16384xf32, #tpu.memory_space<hbm>> -> memref<128xf32, #tpu.memory_space<hbm>>
    %dma_start3A_515 = arith.constant 0 : i32
    %dma_start3A_516 = tpu.memref_slice %arg4[%dma_start3A_510, %dma_start3A_515] : memref<12x16384xf32, #tpu.memory_space<hbm>> -> memref<1x16384xf32, #tpu.memory_space<hbm>>
    %dma_start3A_517 = tpu.memref_squeeze %dma_start3A_516 : memref<1x16384xf32, #tpu.memory_space<hbm>> -> memref<16384xf32, #tpu.memory_space<hbm>>
    %dma_start3A_518 = tpu.memref_slice %dma_start3A_517[%mul3A_509] : memref<16384xf32, #tpu.memory_space<hbm>> -> memref<128xf32, #tpu.memory_space<hbm>>
    tpu.enqueue_dma source(%arg22 : memref<128xf32, #tpu.memory_space<vmem>>) target(%dma_start3A_518 : memref<128xf32, #tpu.memory_space<hbm>>) target_semaphore(%arg62 : memref<!tpu.dma_semaphore, #tpu.memory_space<semaphore_mem>>)
    %mul3A_519 = arith.constant 128 : i32
    %mul3A_520 = arith.muli %add3A_481, %mul3A_519 : i32
    %dma_start3A_521 = arith.constant 2 : i32
    %dma_start3A_522 = arith.constant 0 : i32
    %dma_start3A_523 = tpu.memref_slice %arg4[%dma_start3A_521, %dma_start3A_522] : memref<12x16384xf32, #tpu.memory_space<hbm>> -> memref<1x16384xf32, #tpu.memory_space<hbm>>
    %dma_start3A_524 = tpu.memref_squeeze %dma_start3A_523 : memref<1x16384xf32, #tpu.memory_space<hbm>> -> memref<16384xf32, #tpu.memory_space<hbm>>
    %dma_start3A_525 = tpu.memref_slice %dma_start3A_524[%mul3A_520] : memref<16384xf32, #tpu.memory_space<hbm>> -> memref<128xf32, #tpu.memory_space<hbm>>
    %dma_start3A_526 = arith.constant 0 : i32
    %dma_start3A_527 = tpu.memref_slice %arg4[%dma_start3A_521, %dma_start3A_526] : memref<12x16384xf32, #tpu.memory_space<hbm>> -> memref<1x16384xf32, #tpu.memory_space<hbm>>
    %dma_start3A_528 = tpu.memref_squeeze %dma_start3A_527 : memref<1x16384xf32, #tpu.memory_space<hbm>> -> memref<16384xf32, #tpu.memory_space<hbm>>
    %dma_start3A_529 = tpu.memref_slice %dma_start3A_528[%mul3A_520] : memref<16384xf32, #tpu.memory_space<hbm>> -> memref<128xf32, #tpu.memory_space<hbm>>
    tpu.enqueue_dma source(%arg23 : memref<128xf32, #tpu.memory_space<vmem>>) target(%dma_start3A_529 : memref<128xf32, #tpu.memory_space<hbm>>) target_semaphore(%arg62 : memref<!tpu.dma_semaphore, #tpu.memory_space<semaphore_mem>>)
    %mul3A_530 = arith.constant 128 : i32
    %mul3A_531 = arith.muli %add3A_481, %mul3A_530 : i32
    %dma_start3A_532 = arith.constant 3 : i32
    %dma_start3A_533 = arith.constant 0 : i32
    %dma_start3A_534 = tpu.memref_slice %arg4[%dma_start3A_532, %dma_start3A_533] : memref<12x16384xf32, #tpu.memory_space<hbm>> -> memref<1x16384xf32, #tpu.memory_space<hbm>>
    %dma_start3A_535 = tpu.memref_squeeze %dma_start3A_534 : memref<1x16384xf32, #tpu.memory_space<hbm>> -> memref<16384xf32, #tpu.memory_space<hbm>>
    %dma_start3A_536 = tpu.memref_slice %dma_start3A_535[%mul3A_531] : memref<16384xf32, #tpu.memory_space<hbm>> -> memref<128xf32, #tpu.memory_space<hbm>>
    %dma_start3A_537 = arith.constant 0 : i32
    %dma_start3A_538 = tpu.memref_slice %arg4[%dma_start3A_532, %dma_start3A_537] : memref<12x16384xf32, #tpu.memory_space<hbm>> -> memref<1x16384xf32, #tpu.memory_space<hbm>>
    %dma_start3A_539 = tpu.memref_squeeze %dma_start3A_538 : memref<1x16384xf32, #tpu.memory_space<hbm>> -> memref<16384xf32, #tpu.memory_space<hbm>>
    %dma_start3A_540 = tpu.memref_slice %dma_start3A_539[%mul3A_531] : memref<16384xf32, #tpu.memory_space<hbm>> -> memref<128xf32, #tpu.memory_space<hbm>>
    tpu.enqueue_dma source(%arg24 : memref<128xf32, #tpu.memory_space<vmem>>) target(%dma_start3A_540 : memref<128xf32, #tpu.memory_space<hbm>>) target_semaphore(%arg62 : memref<!tpu.dma_semaphore, #tpu.memory_space<semaphore_mem>>)
    %mul3A_541 = arith.constant 128 : i32
    %mul3A_542 = arith.muli %add3A_481, %mul3A_541 : i32
    %dma_start3A_543 = arith.constant 4 : i32
    %dma_start3A_544 = arith.constant 0 : i32
    %dma_start3A_545 = tpu.memref_slice %arg4[%dma_start3A_543, %dma_start3A_544] : memref<12x16384xf32, #tpu.memory_space<hbm>> -> memref<1x16384xf32, #tpu.memory_space<hbm>>
    %dma_start3A_546 = tpu.memref_squeeze %dma_start3A_545 : memref<1x16384xf32, #tpu.memory_space<hbm>> -> memref<16384xf32, #tpu.memory_space<hbm>>
    %dma_start3A_547 = tpu.memref_slice %dma_start3A_546[%mul3A_542] : memref<16384xf32, #tpu.memory_space<hbm>> -> memref<128xf32, #tpu.memory_space<hbm>>
    %dma_start3A_548 = arith.constant 0 : i32
    %dma_start3A_549 = tpu.memref_slice %arg4[%dma_start3A_543, %dma_start3A_548] : memref<12x16384xf32, #tpu.memory_space<hbm>> -> memref<1x16384xf32, #tpu.memory_space<hbm>>
    %dma_start3A_550 = tpu.memref_squeeze %dma_start3A_549 : memref<1x16384xf32, #tpu.memory_space<hbm>> -> memref<16384xf32, #tpu.memory_space<hbm>>
    %dma_start3A_551 = tpu.memref_slice %dma_start3A_550[%mul3A_542] : memref<16384xf32, #tpu.memory_space<hbm>> -> memref<128xf32, #tpu.memory_space<hbm>>
    tpu.enqueue_dma source(%arg25 : memref<128xf32, #tpu.memory_space<vmem>>) target(%dma_start3A_551 : memref<128xf32, #tpu.memory_space<hbm>>) target_semaphore(%arg62 : memref<!tpu.dma_semaphore, #tpu.memory_space<semaphore_mem>>)
    %mul3A_552 = arith.constant 128 : i32
    %mul3A_553 = arith.muli %add3A_481, %mul3A_552 : i32
    %dma_start3A_554 = arith.constant 5 : i32
    %dma_start3A_555 = arith.constant 0 : i32
    %dma_start3A_556 = tpu.memref_slice %arg4[%dma_start3A_554, %dma_start3A_555] : memref<12x16384xf32, #tpu.memory_space<hbm>> -> memref<1x16384xf32, #tpu.memory_space<hbm>>
    %dma_start3A_557 = tpu.memref_squeeze %dma_start3A_556 : memref<1x16384xf32, #tpu.memory_space<hbm>> -> memref<16384xf32, #tpu.memory_space<hbm>>
    %dma_start3A_558 = tpu.memref_slice %dma_start3A_557[%mul3A_553] : memref<16384xf32, #tpu.memory_space<hbm>> -> memref<128xf32, #tpu.memory_space<hbm>>
    %dma_start3A_559 = arith.constant 0 : i32
    %dma_start3A_560 = tpu.memref_slice %arg4[%dma_start3A_554, %dma_start3A_559] : memref<12x16384xf32, #tpu.memory_space<hbm>> -> memref<1x16384xf32, #tpu.memory_space<hbm>>
    %dma_start3A_561 = tpu.memref_squeeze %dma_start3A_560 : memref<1x16384xf32, #tpu.memory_space<hbm>> -> memref<16384xf32, #tpu.memory_space<hbm>>
    %dma_start3A_562 = tpu.memref_slice %dma_start3A_561[%mul3A_553] : memref<16384xf32, #tpu.memory_space<hbm>> -> memref<128xf32, #tpu.memory_space<hbm>>
    tpu.enqueue_dma source(%arg26 : memref<128xf32, #tpu.memory_space<vmem>>) target(%dma_start3A_562 : memref<128xf32, #tpu.memory_space<hbm>>) target_semaphore(%arg62 : memref<!tpu.dma_semaphore, #tpu.memory_space<semaphore_mem>>)
    %mul3A_563 = arith.constant 128 : i32
    %mul3A_564 = arith.muli %add3A_481, %mul3A_563 : i32
    %dma_start3A_565 = arith.constant 6 : i32
    %dma_start3A_566 = arith.constant 0 : i32
    %dma_start3A_567 = tpu.memref_slice %arg4[%dma_start3A_565, %dma_start3A_566] : memref<12x16384xf32, #tpu.memory_space<hbm>> -> memref<1x16384xf32, #tpu.memory_space<hbm>>
    %dma_start3A_568 = tpu.memref_squeeze %dma_start3A_567 : memref<1x16384xf32, #tpu.memory_space<hbm>> -> memref<16384xf32, #tpu.memory_space<hbm>>
    %dma_start3A_569 = tpu.memref_slice %dma_start3A_568[%mul3A_564] : memref<16384xf32, #tpu.memory_space<hbm>> -> memref<128xf32, #tpu.memory_space<hbm>>
    %dma_start3A_570 = arith.constant 0 : i32
    %dma_start3A_571 = tpu.memref_slice %arg4[%dma_start3A_565, %dma_start3A_570] : memref<12x16384xf32, #tpu.memory_space<hbm>> -> memref<1x16384xf32, #tpu.memory_space<hbm>>
    %dma_start3A_572 = tpu.memref_squeeze %dma_start3A_571 : memref<1x16384xf32, #tpu.memory_space<hbm>> -> memref<16384xf32, #tpu.memory_space<hbm>>
    %dma_start3A_573 = tpu.memref_slice %dma_start3A_572[%mul3A_564] : memref<16384xf32, #tpu.memory_space<hbm>> -> memref<128xf32, #tpu.memory_space<hbm>>
    tpu.enqueue_dma source(%arg27 : memref<128xf32, #tpu.memory_space<vmem>>) target(%dma_start3A_573 : memref<128xf32, #tpu.memory_space<hbm>>) target_semaphore(%arg62 : memref<!tpu.dma_semaphore, #tpu.memory_space<semaphore_mem>>)
    %mul3A_574 = arith.constant 128 : i32
    %mul3A_575 = arith.muli %add3A_481, %mul3A_574 : i32
    %dma_start3A_576 = arith.constant 7 : i32
    %dma_start3A_577 = arith.constant 0 : i32
    %dma_start3A_578 = tpu.memref_slice %arg4[%dma_start3A_576, %dma_start3A_577] : memref<12x16384xf32, #tpu.memory_space<hbm>> -> memref<1x16384xf32, #tpu.memory_space<hbm>>
    %dma_start3A_579 = tpu.memref_squeeze %dma_start3A_578 : memref<1x16384xf32, #tpu.memory_space<hbm>> -> memref<16384xf32, #tpu.memory_space<hbm>>
    %dma_start3A_580 = tpu.memref_slice %dma_start3A_579[%mul3A_575] : memref<16384xf32, #tpu.memory_space<hbm>> -> memref<128xf32, #tpu.memory_space<hbm>>
    %dma_start3A_581 = arith.constant 0 : i32
    %dma_start3A_582 = tpu.memref_slice %arg4[%dma_start3A_576, %dma_start3A_581] : memref<12x16384xf32, #tpu.memory_space<hbm>> -> memref<1x16384xf32, #tpu.memory_space<hbm>>
    %dma_start3A_583 = tpu.memref_squeeze %dma_start3A_582 : memref<1x16384xf32, #tpu.memory_space<hbm>> -> memref<16384xf32, #tpu.memory_space<hbm>>
    %dma_start3A_584 = tpu.memref_slice %dma_start3A_583[%mul3A_575] : memref<16384xf32, #tpu.memory_space<hbm>> -> memref<128xf32, #tpu.memory_space<hbm>>
    tpu.enqueue_dma source(%arg28 : memref<128xf32, #tpu.memory_space<vmem>>) target(%dma_start3A_584 : memref<128xf32, #tpu.memory_space<hbm>>) target_semaphore(%arg62 : memref<!tpu.dma_semaphore, #tpu.memory_space<semaphore_mem>>)
    %mul3A_585 = arith.constant 128 : i32
    %mul3A_586 = arith.muli %add3A_481, %mul3A_585 : i32
    %dma_start3A_587 = arith.constant 8 : i32
    %dma_start3A_588 = arith.constant 0 : i32
    %dma_start3A_589 = tpu.memref_slice %arg4[%dma_start3A_587, %dma_start3A_588] : memref<12x16384xf32, #tpu.memory_space<hbm>> -> memref<1x16384xf32, #tpu.memory_space<hbm>>
    %dma_start3A_590 = tpu.memref_squeeze %dma_start3A_589 : memref<1x16384xf32, #tpu.memory_space<hbm>> -> memref<16384xf32, #tpu.memory_space<hbm>>
    %dma_start3A_591 = tpu.memref_slice %dma_start3A_590[%mul3A_586] : memref<16384xf32, #tpu.memory_space<hbm>> -> memref<128xf32, #tpu.memory_space<hbm>>
    %dma_start3A_592 = arith.constant 0 : i32
    %dma_start3A_593 = tpu.memref_slice %arg4[%dma_start3A_587, %dma_start3A_592] : memref<12x16384xf32, #tpu.memory_space<hbm>> -> memref<1x16384xf32, #tpu.memory_space<hbm>>
    %dma_start3A_594 = tpu.memref_squeeze %dma_start3A_593 : memref<1x16384xf32, #tpu.memory_space<hbm>> -> memref<16384xf32, #tpu.memory_space<hbm>>
    %dma_start3A_595 = tpu.memref_slice %dma_start3A_594[%mul3A_586] : memref<16384xf32, #tpu.memory_space<hbm>> -> memref<128xf32, #tpu.memory_space<hbm>>
    tpu.enqueue_dma source(%arg29 : memref<128xf32, #tpu.memory_space<vmem>>) target(%dma_start3A_595 : memref<128xf32, #tpu.memory_space<hbm>>) target_semaphore(%arg62 : memref<!tpu.dma_semaphore, #tpu.memory_space<semaphore_mem>>)
    %mul3A_596 = arith.constant 128 : i32
    %mul3A_597 = arith.muli %add3A_481, %mul3A_596 : i32
    %dma_start3A_598 = arith.constant 9 : i32
    %dma_start3A_599 = arith.constant 0 : i32
    %dma_start3A_600 = tpu.memref_slice %arg4[%dma_start3A_598, %dma_start3A_599] : memref<12x16384xf32, #tpu.memory_space<hbm>> -> memref<1x16384xf32, #tpu.memory_space<hbm>>
    %dma_start3A_601 = tpu.memref_squeeze %dma_start3A_600 : memref<1x16384xf32, #tpu.memory_space<hbm>> -> memref<16384xf32, #tpu.memory_space<hbm>>
    %dma_start3A_602 = tpu.memref_slice %dma_start3A_601[%mul3A_597] : memref<16384xf32, #tpu.memory_space<hbm>> -> memref<128xf32, #tpu.memory_space<hbm>>
    %dma_start3A_603 = arith.constant 0 : i32
    %dma_start3A_604 = tpu.memref_slice %arg4[%dma_start3A_598, %dma_start3A_603] : memref<12x16384xf32, #tpu.memory_space<hbm>> -> memref<1x16384xf32, #tpu.memory_space<hbm>>
    %dma_start3A_605 = tpu.memref_squeeze %dma_start3A_604 : memref<1x16384xf32, #tpu.memory_space<hbm>> -> memref<16384xf32, #tpu.memory_space<hbm>>
    %dma_start3A_606 = tpu.memref_slice %dma_start3A_605[%mul3A_597] : memref<16384xf32, #tpu.memory_space<hbm>> -> memref<128xf32, #tpu.memory_space<hbm>>
    tpu.enqueue_dma source(%arg30 : memref<128xf32, #tpu.memory_space<vmem>>) target(%dma_start3A_606 : memref<128xf32, #tpu.memory_space<hbm>>) target_semaphore(%arg62 : memref<!tpu.dma_semaphore, #tpu.memory_space<semaphore_mem>>)
    %mul3A_607 = arith.constant 128 : i32
    %mul3A_608 = arith.muli %add3A_481, %mul3A_607 : i32
    %dma_start3A_609 = arith.constant 10 : i32
    %dma_start3A_610 = arith.constant 0 : i32
    %dma_start3A_611 = tpu.memref_slice %arg4[%dma_start3A_609, %dma_start3A_610] : memref<12x16384xf32, #tpu.memory_space<hbm>> -> memref<1x16384xf32, #tpu.memory_space<hbm>>
    %dma_start3A_612 = tpu.memref_squeeze %dma_start3A_611 : memref<1x16384xf32, #tpu.memory_space<hbm>> -> memref<16384xf32, #tpu.memory_space<hbm>>
    %dma_start3A_613 = tpu.memref_slice %dma_start3A_612[%mul3A_608] : memref<16384xf32, #tpu.memory_space<hbm>> -> memref<128xf32, #tpu.memory_space<hbm>>
    %dma_start3A_614 = arith.constant 0 : i32
    %dma_start3A_615 = tpu.memref_slice %arg4[%dma_start3A_609, %dma_start3A_614] : memref<12x16384xf32, #tpu.memory_space<hbm>> -> memref<1x16384xf32, #tpu.memory_space<hbm>>
    %dma_start3A_616 = tpu.memref_squeeze %dma_start3A_615 : memref<1x16384xf32, #tpu.memory_space<hbm>> -> memref<16384xf32, #tpu.memory_space<hbm>>
    %dma_start3A_617 = tpu.memref_slice %dma_start3A_616[%mul3A_608] : memref<16384xf32, #tpu.memory_space<hbm>> -> memref<128xf32, #tpu.memory_space<hbm>>
    tpu.enqueue_dma source(%arg31 : memref<128xf32, #tpu.memory_space<vmem>>) target(%dma_start3A_617 : memref<128xf32, #tpu.memory_space<hbm>>) target_semaphore(%arg62 : memref<!tpu.dma_semaphore, #tpu.memory_space<semaphore_mem>>)
    %mul3A_618 = arith.constant 128 : i32
    %mul3A_619 = arith.muli %add3A_481, %mul3A_618 : i32
    %dma_start3A_620 = arith.constant 11 : i32
    %dma_start3A_621 = arith.constant 0 : i32
    %dma_start3A_622 = tpu.memref_slice %arg4[%dma_start3A_620, %dma_start3A_621] : memref<12x16384xf32, #tpu.memory_space<hbm>> -> memref<1x16384xf32, #tpu.memory_space<hbm>>
    %dma_start3A_623 = tpu.memref_squeeze %dma_start3A_622 : memref<1x16384xf32, #tpu.memory_space<hbm>> -> memref<16384xf32, #tpu.memory_space<hbm>>
    %dma_start3A_624 = tpu.memref_slice %dma_start3A_623[%mul3A_619] : memref<16384xf32, #tpu.memory_space<hbm>> -> memref<128xf32, #tpu.memory_space<hbm>>
    %dma_start3A_625 = arith.constant 0 : i32
    %dma_start3A_626 = tpu.memref_slice %arg4[%dma_start3A_620, %dma_start3A_625] : memref<12x16384xf32, #tpu.memory_space<hbm>> -> memref<1x16384xf32, #tpu.memory_space<hbm>>
    %dma_start3A_627 = tpu.memref_squeeze %dma_start3A_626 : memref<1x16384xf32, #tpu.memory_space<hbm>> -> memref<16384xf32, #tpu.memory_space<hbm>>
    %dma_start3A_628 = tpu.memref_slice %dma_start3A_627[%mul3A_619] : memref<16384xf32, #tpu.memory_space<hbm>> -> memref<128xf32, #tpu.memory_space<hbm>>
    tpu.enqueue_dma source(%arg32 : memref<128xf32, #tpu.memory_space<vmem>>) target(%dma_start3A_628 : memref<128xf32, #tpu.memory_space<hbm>>) target_semaphore(%arg62 : memref<!tpu.dma_semaphore, #tpu.memory_space<semaphore_mem>>)
    %mul3A_629 = arith.constant 4 : i32
    %mul3A_630 = arith.muli %add3A, %mul3A_629 : i32
    %add3A_631 = arith.constant 2 : i32
    %add3A_632 = arith.addi %mul3A_630, %add3A_631 : i32
    %dma_wait3A_633 = arith.constant 0 : i32
    %dma_wait3A_634 = arith.constant 0 : i32
    %dma_wait3A_635 = tpu.memref_slice %arg57[%dma_wait3A_634] : memref<6144xf32, #tpu.memory_space<vmem>> -> memref<1536xf32, #tpu.memory_space<vmem>>
    %dma_wait3A_636 = arith.constant 0 : i32
    %dma_wait3A_637 = tpu.memref_slice %arg3[%dma_wait3A_633, %dma_wait3A_636] : memref<12x100000xf32, #tpu.memory_space<hbm>> -> memref<1x100000xf32, #tpu.memory_space<hbm>>
    %dma_wait3A_638 = tpu.memref_squeeze %dma_wait3A_637 : memref<1x100000xf32, #tpu.memory_space<hbm>> -> memref<100000xf32, #tpu.memory_space<hbm>>
    %dma_wait3A_639 = arith.constant 0 : i32
    %dma_wait3A_640 = tpu.memref_slice %dma_wait3A_638[%dma_wait3A_639] : memref<100000xf32, #tpu.memory_space<hbm>> -> memref<1536xf32, #tpu.memory_space<hbm>>
    %dma_wait3A_641 = arith.constant 0 : i32
    %dma_wait3A_642 = tpu.memref_slice %arg57[%dma_wait3A_641] : memref<6144xf32, #tpu.memory_space<vmem>> -> memref<1536xf32, #tpu.memory_space<vmem>>
    %dma_wait3A_643 = arith.constant 0 : i32
    %dma_wait3A_644 = tpu.memref_slice %arg3[%dma_wait3A_633, %dma_wait3A_643] : memref<12x100000xf32, #tpu.memory_space<hbm>> -> memref<1x100000xf32, #tpu.memory_space<hbm>>
    %dma_wait3A_645 = tpu.memref_squeeze %dma_wait3A_644 : memref<1x100000xf32, #tpu.memory_space<hbm>> -> memref<100000xf32, #tpu.memory_space<hbm>>
    %dma_wait3A_646 = arith.constant 0 : i32
    %dma_wait3A_647 = tpu.memref_slice %dma_wait3A_645[%dma_wait3A_646] : memref<100000xf32, #tpu.memory_space<hbm>> -> memref<1536xf32, #tpu.memory_space<hbm>>
    tpu.wait_dma2 semaphore(%arg60 : memref<!tpu.dma_semaphore, #tpu.memory_space<semaphore_mem>>) src(%dma_wait3A_647 : memref<1536xf32, #tpu.memory_space<hbm>>) dst(%dma_wait3A_642 : memref<1536xf32, #tpu.memory_space<vmem>>)
    %mul3A_648 = arith.constant 128 : i32
    %mul3A_649 = arith.muli %add3A_632, %mul3A_648 : i32
    %dma_start3A_650 = arith.constant 0 : i32
    %dma_start3A_651 = arith.constant 0 : i32
    %dma_start3A_652 = tpu.memref_slice %arg4[%dma_start3A_650, %dma_start3A_651] : memref<12x16384xf32, #tpu.memory_space<hbm>> -> memref<1x16384xf32, #tpu.memory_space<hbm>>
    %dma_start3A_653 = tpu.memref_squeeze %dma_start3A_652 : memref<1x16384xf32, #tpu.memory_space<hbm>> -> memref<16384xf32, #tpu.memory_space<hbm>>
    %dma_start3A_654 = tpu.memref_slice %dma_start3A_653[%mul3A_649] : memref<16384xf32, #tpu.memory_space<hbm>> -> memref<128xf32, #tpu.memory_space<hbm>>
    %dma_start3A_655 = arith.constant 0 : i32
    %dma_start3A_656 = tpu.memref_slice %arg4[%dma_start3A_650, %dma_start3A_655] : memref<12x16384xf32, #tpu.memory_space<hbm>> -> memref<1x16384xf32, #tpu.memory_space<hbm>>
    %dma_start3A_657 = tpu.memref_squeeze %dma_start3A_656 : memref<1x16384xf32, #tpu.memory_space<hbm>> -> memref<16384xf32, #tpu.memory_space<hbm>>
    %dma_start3A_658 = tpu.memref_slice %dma_start3A_657[%mul3A_649] : memref<16384xf32, #tpu.memory_space<hbm>> -> memref<128xf32, #tpu.memory_space<hbm>>
    tpu.enqueue_dma source(%arg33 : memref<128xf32, #tpu.memory_space<vmem>>) target(%dma_start3A_658 : memref<128xf32, #tpu.memory_space<hbm>>) target_semaphore(%arg62 : memref<!tpu.dma_semaphore, #tpu.memory_space<semaphore_mem>>)
    %mul3A_659 = arith.constant 128 : i32
    %mul3A_660 = arith.muli %add3A_632, %mul3A_659 : i32
    %dma_start3A_661 = arith.constant 1 : i32
    %dma_start3A_662 = arith.constant 0 : i32
    %dma_start3A_663 = tpu.memref_slice %arg4[%dma_start3A_661, %dma_start3A_662] : memref<12x16384xf32, #tpu.memory_space<hbm>> -> memref<1x16384xf32, #tpu.memory_space<hbm>>
    %dma_start3A_664 = tpu.memref_squeeze %dma_start3A_663 : memref<1x16384xf32, #tpu.memory_space<hbm>> -> memref<16384xf32, #tpu.memory_space<hbm>>
    %dma_start3A_665 = tpu.memref_slice %dma_start3A_664[%mul3A_660] : memref<16384xf32, #tpu.memory_space<hbm>> -> memref<128xf32, #tpu.memory_space<hbm>>
    %dma_start3A_666 = arith.constant 0 : i32
    %dma_start3A_667 = tpu.memref_slice %arg4[%dma_start3A_661, %dma_start3A_666] : memref<12x16384xf32, #tpu.memory_space<hbm>> -> memref<1x16384xf32, #tpu.memory_space<hbm>>
    %dma_start3A_668 = tpu.memref_squeeze %dma_start3A_667 : memref<1x16384xf32, #tpu.memory_space<hbm>> -> memref<16384xf32, #tpu.memory_space<hbm>>
    %dma_start3A_669 = tpu.memref_slice %dma_start3A_668[%mul3A_660] : memref<16384xf32, #tpu.memory_space<hbm>> -> memref<128xf32, #tpu.memory_space<hbm>>
    tpu.enqueue_dma source(%arg34 : memref<128xf32, #tpu.memory_space<vmem>>) target(%dma_start3A_669 : memref<128xf32, #tpu.memory_space<hbm>>) target_semaphore(%arg62 : memref<!tpu.dma_semaphore, #tpu.memory_space<semaphore_mem>>)
    %mul3A_670 = arith.constant 128 : i32
    %mul3A_671 = arith.muli %add3A_632, %mul3A_670 : i32
    %dma_start3A_672 = arith.constant 2 : i32
    %dma_start3A_673 = arith.constant 0 : i32
    %dma_start3A_674 = tpu.memref_slice %arg4[%dma_start3A_672, %dma_start3A_673] : memref<12x16384xf32, #tpu.memory_space<hbm>> -> memref<1x16384xf32, #tpu.memory_space<hbm>>
    %dma_start3A_675 = tpu.memref_squeeze %dma_start3A_674 : memref<1x16384xf32, #tpu.memory_space<hbm>> -> memref<16384xf32, #tpu.memory_space<hbm>>
    %dma_start3A_676 = tpu.memref_slice %dma_start3A_675[%mul3A_671] : memref<16384xf32, #tpu.memory_space<hbm>> -> memref<128xf32, #tpu.memory_space<hbm>>
    %dma_start3A_677 = arith.constant 0 : i32
    %dma_start3A_678 = tpu.memref_slice %arg4[%dma_start3A_672, %dma_start3A_677] : memref<12x16384xf32, #tpu.memory_space<hbm>> -> memref<1x16384xf32, #tpu.memory_space<hbm>>
    %dma_start3A_679 = tpu.memref_squeeze %dma_start3A_678 : memref<1x16384xf32, #tpu.memory_space<hbm>> -> memref<16384xf32, #tpu.memory_space<hbm>>
    %dma_start3A_680 = tpu.memref_slice %dma_start3A_679[%mul3A_671] : memref<16384xf32, #tpu.memory_space<hbm>> -> memref<128xf32, #tpu.memory_space<hbm>>
    tpu.enqueue_dma source(%arg35 : memref<128xf32, #tpu.memory_space<vmem>>) target(%dma_start3A_680 : memref<128xf32, #tpu.memory_space<hbm>>) target_semaphore(%arg62 : memref<!tpu.dma_semaphore, #tpu.memory_space<semaphore_mem>>)
    %mul3A_681 = arith.constant 128 : i32
    %mul3A_682 = arith.muli %add3A_632, %mul3A_681 : i32
    %dma_start3A_683 = arith.constant 3 : i32
    %dma_start3A_684 = arith.constant 0 : i32
    %dma_start3A_685 = tpu.memref_slice %arg4[%dma_start3A_683, %dma_start3A_684] : memref<12x16384xf32, #tpu.memory_space<hbm>> -> memref<1x16384xf32, #tpu.memory_space<hbm>>
    %dma_start3A_686 = tpu.memref_squeeze %dma_start3A_685 : memref<1x16384xf32, #tpu.memory_space<hbm>> -> memref<16384xf32, #tpu.memory_space<hbm>>
    %dma_start3A_687 = tpu.memref_slice %dma_start3A_686[%mul3A_682] : memref<16384xf32, #tpu.memory_space<hbm>> -> memref<128xf32, #tpu.memory_space<hbm>>
    %dma_start3A_688 = arith.constant 0 : i32
    %dma_start3A_689 = tpu.memref_slice %arg4[%dma_start3A_683, %dma_start3A_688] : memref<12x16384xf32, #tpu.memory_space<hbm>> -> memref<1x16384xf32, #tpu.memory_space<hbm>>
    %dma_start3A_690 = tpu.memref_squeeze %dma_start3A_689 : memref<1x16384xf32, #tpu.memory_space<hbm>> -> memref<16384xf32, #tpu.memory_space<hbm>>
    %dma_start3A_691 = tpu.memref_slice %dma_start3A_690[%mul3A_682] : memref<16384xf32, #tpu.memory_space<hbm>> -> memref<128xf32, #tpu.memory_space<hbm>>
    tpu.enqueue_dma source(%arg36 : memref<128xf32, #tpu.memory_space<vmem>>) target(%dma_start3A_691 : memref<128xf32, #tpu.memory_space<hbm>>) target_semaphore(%arg62 : memref<!tpu.dma_semaphore, #tpu.memory_space<semaphore_mem>>)
    %mul3A_692 = arith.constant 128 : i32
    %mul3A_693 = arith.muli %add3A_632, %mul3A_692 : i32
    %dma_start3A_694 = arith.constant 4 : i32
    %dma_start3A_695 = arith.constant 0 : i32
    %dma_start3A_696 = tpu.memref_slice %arg4[%dma_start3A_694, %dma_start3A_695] : memref<12x16384xf32, #tpu.memory_space<hbm>> -> memref<1x16384xf32, #tpu.memory_space<hbm>>
    %dma_start3A_697 = tpu.memref_squeeze %dma_start3A_696 : memref<1x16384xf32, #tpu.memory_space<hbm>> -> memref<16384xf32, #tpu.memory_space<hbm>>
    %dma_start3A_698 = tpu.memref_slice %dma_start3A_697[%mul3A_693] : memref<16384xf32, #tpu.memory_space<hbm>> -> memref<128xf32, #tpu.memory_space<hbm>>
    %dma_start3A_699 = arith.constant 0 : i32
    %dma_start3A_700 = tpu.memref_slice %arg4[%dma_start3A_694, %dma_start3A_699] : memref<12x16384xf32, #tpu.memory_space<hbm>> -> memref<1x16384xf32, #tpu.memory_space<hbm>>
    %dma_start3A_701 = tpu.memref_squeeze %dma_start3A_700 : memref<1x16384xf32, #tpu.memory_space<hbm>> -> memref<16384xf32, #tpu.memory_space<hbm>>
    %dma_start3A_702 = tpu.memref_slice %dma_start3A_701[%mul3A_693] : memref<16384xf32, #tpu.memory_space<hbm>> -> memref<128xf32, #tpu.memory_space<hbm>>
    tpu.enqueue_dma source(%arg37 : memref<128xf32, #tpu.memory_space<vmem>>) target(%dma_start3A_702 : memref<128xf32, #tpu.memory_space<hbm>>) target_semaphore(%arg62 : memref<!tpu.dma_semaphore, #tpu.memory_space<semaphore_mem>>)
    %mul3A_703 = arith.constant 128 : i32
    %mul3A_704 = arith.muli %add3A_632, %mul3A_703 : i32
    %dma_start3A_705 = arith.constant 5 : i32
    %dma_start3A_706 = arith.constant 0 : i32
    %dma_start3A_707 = tpu.memref_slice %arg4[%dma_start3A_705, %dma_start3A_706] : memref<12x16384xf32, #tpu.memory_space<hbm>> -> memref<1x16384xf32, #tpu.memory_space<hbm>>
    %dma_start3A_708 = tpu.memref_squeeze %dma_start3A_707 : memref<1x16384xf32, #tpu.memory_space<hbm>> -> memref<16384xf32, #tpu.memory_space<hbm>>
    %dma_start3A_709 = tpu.memref_slice %dma_start3A_708[%mul3A_704] : memref<16384xf32, #tpu.memory_space<hbm>> -> memref<128xf32, #tpu.memory_space<hbm>>
    %dma_start3A_710 = arith.constant 0 : i32
    %dma_start3A_711 = tpu.memref_slice %arg4[%dma_start3A_705, %dma_start3A_710] : memref<12x16384xf32, #tpu.memory_space<hbm>> -> memref<1x16384xf32, #tpu.memory_space<hbm>>
    %dma_start3A_712 = tpu.memref_squeeze %dma_start3A_711 : memref<1x16384xf32, #tpu.memory_space<hbm>> -> memref<16384xf32, #tpu.memory_space<hbm>>
    %dma_start3A_713 = tpu.memref_slice %dma_start3A_712[%mul3A_704] : memref<16384xf32, #tpu.memory_space<hbm>> -> memref<128xf32, #tpu.memory_space<hbm>>
    tpu.enqueue_dma source(%arg38 : memref<128xf32, #tpu.memory_space<vmem>>) target(%dma_start3A_713 : memref<128xf32, #tpu.memory_space<hbm>>) target_semaphore(%arg62 : memref<!tpu.dma_semaphore, #tpu.memory_space<semaphore_mem>>)
    %mul3A_714 = arith.constant 128 : i32
    %mul3A_715 = arith.muli %add3A_632, %mul3A_714 : i32
    %dma_start3A_716 = arith.constant 6 : i32
    %dma_start3A_717 = arith.constant 0 : i32
    %dma_start3A_718 = tpu.memref_slice %arg4[%dma_start3A_716, %dma_start3A_717] : memref<12x16384xf32, #tpu.memory_space<hbm>> -> memref<1x16384xf32, #tpu.memory_space<hbm>>
    %dma_start3A_719 = tpu.memref_squeeze %dma_start3A_718 : memref<1x16384xf32, #tpu.memory_space<hbm>> -> memref<16384xf32, #tpu.memory_space<hbm>>
    %dma_start3A_720 = tpu.memref_slice %dma_start3A_719[%mul3A_715] : memref<16384xf32, #tpu.memory_space<hbm>> -> memref<128xf32, #tpu.memory_space<hbm>>
    %dma_start3A_721 = arith.constant 0 : i32
    %dma_start3A_722 = tpu.memref_slice %arg4[%dma_start3A_716, %dma_start3A_721] : memref<12x16384xf32, #tpu.memory_space<hbm>> -> memref<1x16384xf32, #tpu.memory_space<hbm>>
    %dma_start3A_723 = tpu.memref_squeeze %dma_start3A_722 : memref<1x16384xf32, #tpu.memory_space<hbm>> -> memref<16384xf32, #tpu.memory_space<hbm>>
    %dma_start3A_724 = tpu.memref_slice %dma_start3A_723[%mul3A_715] : memref<16384xf32, #tpu.memory_space<hbm>> -> memref<128xf32, #tpu.memory_space<hbm>>
    tpu.enqueue_dma source(%arg39 : memref<128xf32, #tpu.memory_space<vmem>>) target(%dma_start3A_724 : memref<128xf32, #tpu.memory_space<hbm>>) target_semaphore(%arg62 : memref<!tpu.dma_semaphore, #tpu.memory_space<semaphore_mem>>)
    %mul3A_725 = arith.constant 128 : i32
    %mul3A_726 = arith.muli %add3A_632, %mul3A_725 : i32
    %dma_start3A_727 = arith.constant 7 : i32
    %dma_start3A_728 = arith.constant 0 : i32
    %dma_start3A_729 = tpu.memref_slice %arg4[%dma_start3A_727, %dma_start3A_728] : memref<12x16384xf32, #tpu.memory_space<hbm>> -> memref<1x16384xf32, #tpu.memory_space<hbm>>
    %dma_start3A_730 = tpu.memref_squeeze %dma_start3A_729 : memref<1x16384xf32, #tpu.memory_space<hbm>> -> memref<16384xf32, #tpu.memory_space<hbm>>
    %dma_start3A_731 = tpu.memref_slice %dma_start3A_730[%mul3A_726] : memref<16384xf32, #tpu.memory_space<hbm>> -> memref<128xf32, #tpu.memory_space<hbm>>
    %dma_start3A_732 = arith.constant 0 : i32
    %dma_start3A_733 = tpu.memref_slice %arg4[%dma_start3A_727, %dma_start3A_732] : memref<12x16384xf32, #tpu.memory_space<hbm>> -> memref<1x16384xf32, #tpu.memory_space<hbm>>
    %dma_start3A_734 = tpu.memref_squeeze %dma_start3A_733 : memref<1x16384xf32, #tpu.memory_space<hbm>> -> memref<16384xf32, #tpu.memory_space<hbm>>
    %dma_start3A_735 = tpu.memref_slice %dma_start3A_734[%mul3A_726] : memref<16384xf32, #tpu.memory_space<hbm>> -> memref<128xf32, #tpu.memory_space<hbm>>
    tpu.enqueue_dma source(%arg40 : memref<128xf32, #tpu.memory_space<vmem>>) target(%dma_start3A_735 : memref<128xf32, #tpu.memory_space<hbm>>) target_semaphore(%arg62 : memref<!tpu.dma_semaphore, #tpu.memory_space<semaphore_mem>>)
    %mul3A_736 = arith.constant 128 : i32
    %mul3A_737 = arith.muli %add3A_632, %mul3A_736 : i32
    %dma_start3A_738 = arith.constant 8 : i32
    %dma_start3A_739 = arith.constant 0 : i32
    %dma_start3A_740 = tpu.memref_slice %arg4[%dma_start3A_738, %dma_start3A_739] : memref<12x16384xf32, #tpu.memory_space<hbm>> -> memref<1x16384xf32, #tpu.memory_space<hbm>>
    %dma_start3A_741 = tpu.memref_squeeze %dma_start3A_740 : memref<1x16384xf32, #tpu.memory_space<hbm>> -> memref<16384xf32, #tpu.memory_space<hbm>>
    %dma_start3A_742 = tpu.memref_slice %dma_start3A_741[%mul3A_737] : memref<16384xf32, #tpu.memory_space<hbm>> -> memref<128xf32, #tpu.memory_space<hbm>>
    %dma_start3A_743 = arith.constant 0 : i32
    %dma_start3A_744 = tpu.memref_slice %arg4[%dma_start3A_738, %dma_start3A_743] : memref<12x16384xf32, #tpu.memory_space<hbm>> -> memref<1x16384xf32, #tpu.memory_space<hbm>>
    %dma_start3A_745 = tpu.memref_squeeze %dma_start3A_744 : memref<1x16384xf32, #tpu.memory_space<hbm>> -> memref<16384xf32, #tpu.memory_space<hbm>>
    %dma_start3A_746 = tpu.memref_slice %dma_start3A_745[%mul3A_737] : memref<16384xf32, #tpu.memory_space<hbm>> -> memref<128xf32, #tpu.memory_space<hbm>>
    tpu.enqueue_dma source(%arg41 : memref<128xf32, #tpu.memory_space<vmem>>) target(%dma_start3A_746 : memref<128xf32, #tpu.memory_space<hbm>>) target_semaphore(%arg62 : memref<!tpu.dma_semaphore, #tpu.memory_space<semaphore_mem>>)
    %mul3A_747 = arith.constant 128 : i32
    %mul3A_748 = arith.muli %add3A_632, %mul3A_747 : i32
    %dma_start3A_749 = arith.constant 9 : i32
    %dma_start3A_750 = arith.constant 0 : i32
    %dma_start3A_751 = tpu.memref_slice %arg4[%dma_start3A_749, %dma_start3A_750] : memref<12x16384xf32, #tpu.memory_space<hbm>> -> memref<1x16384xf32, #tpu.memory_space<hbm>>
    %dma_start3A_752 = tpu.memref_squeeze %dma_start3A_751 : memref<1x16384xf32, #tpu.memory_space<hbm>> -> memref<16384xf32, #tpu.memory_space<hbm>>
    %dma_start3A_753 = tpu.memref_slice %dma_start3A_752[%mul3A_748] : memref<16384xf32, #tpu.memory_space<hbm>> -> memref<128xf32, #tpu.memory_space<hbm>>
    %dma_start3A_754 = arith.constant 0 : i32
    %dma_start3A_755 = tpu.memref_slice %arg4[%dma_start3A_749, %dma_start3A_754] : memref<12x16384xf32, #tpu.memory_space<hbm>> -> memref<1x16384xf32, #tpu.memory_space<hbm>>
    %dma_start3A_756 = tpu.memref_squeeze %dma_start3A_755 : memref<1x16384xf32, #tpu.memory_space<hbm>> -> memref<16384xf32, #tpu.memory_space<hbm>>
    %dma_start3A_757 = tpu.memref_slice %dma_start3A_756[%mul3A_748] : memref<16384xf32, #tpu.memory_space<hbm>> -> memref<128xf32, #tpu.memory_space<hbm>>
    tpu.enqueue_dma source(%arg42 : memref<128xf32, #tpu.memory_space<vmem>>) target(%dma_start3A_757 : memref<128xf32, #tpu.memory_space<hbm>>) target_semaphore(%arg62 : memref<!tpu.dma_semaphore, #tpu.memory_space<semaphore_mem>>)
    %mul3A_758 = arith.constant 128 : i32
    %mul3A_759 = arith.muli %add3A_632, %mul3A_758 : i32
    %dma_start3A_760 = arith.constant 10 : i32
    %dma_start3A_761 = arith.constant 0 : i32
    %dma_start3A_762 = tpu.memref_slice %arg4[%dma_start3A_760, %dma_start3A_761] : memref<12x16384xf32, #tpu.memory_space<hbm>> -> memref<1x16384xf32, #tpu.memory_space<hbm>>
    %dma_start3A_763 = tpu.memref_squeeze %dma_start3A_762 : memref<1x16384xf32, #tpu.memory_space<hbm>> -> memref<16384xf32, #tpu.memory_space<hbm>>
    %dma_start3A_764 = tpu.memref_slice %dma_start3A_763[%mul3A_759] : memref<16384xf32, #tpu.memory_space<hbm>> -> memref<128xf32, #tpu.memory_space<hbm>>
    %dma_start3A_765 = arith.constant 0 : i32
    %dma_start3A_766 = tpu.memref_slice %arg4[%dma_start3A_760, %dma_start3A_765] : memref<12x16384xf32, #tpu.memory_space<hbm>> -> memref<1x16384xf32, #tpu.memory_space<hbm>>
    %dma_start3A_767 = tpu.memref_squeeze %dma_start3A_766 : memref<1x16384xf32, #tpu.memory_space<hbm>> -> memref<16384xf32, #tpu.memory_space<hbm>>
    %dma_start3A_768 = tpu.memref_slice %dma_start3A_767[%mul3A_759] : memref<16384xf32, #tpu.memory_space<hbm>> -> memref<128xf32, #tpu.memory_space<hbm>>
    tpu.enqueue_dma source(%arg43 : memref<128xf32, #tpu.memory_space<vmem>>) target(%dma_start3A_768 : memref<128xf32, #tpu.memory_space<hbm>>) target_semaphore(%arg62 : memref<!tpu.dma_semaphore, #tpu.memory_space<semaphore_mem>>)
    %mul3A_769 = arith.constant 128 : i32
    %mul3A_770 = arith.muli %add3A_632, %mul3A_769 : i32
    %dma_start3A_771 = arith.constant 11 : i32
    %dma_start3A_772 = arith.constant 0 : i32
    %dma_start3A_773 = tpu.memref_slice %arg4[%dma_start3A_771, %dma_start3A_772] : memref<12x16384xf32, #tpu.memory_space<hbm>> -> memref<1x16384xf32, #tpu.memory_space<hbm>>
    %dma_start3A_774 = tpu.memref_squeeze %dma_start3A_773 : memref<1x16384xf32, #tpu.memory_space<hbm>> -> memref<16384xf32, #tpu.memory_space<hbm>>
    %dma_start3A_775 = tpu.memref_slice %dma_start3A_774[%mul3A_770] : memref<16384xf32, #tpu.memory_space<hbm>> -> memref<128xf32, #tpu.memory_space<hbm>>
    %dma_start3A_776 = arith.constant 0 : i32
    %dma_start3A_777 = tpu.memref_slice %arg4[%dma_start3A_771, %dma_start3A_776] : memref<12x16384xf32, #tpu.memory_space<hbm>> -> memref<1x16384xf32, #tpu.memory_space<hbm>>
    %dma_start3A_778 = tpu.memref_squeeze %dma_start3A_777 : memref<1x16384xf32, #tpu.memory_space<hbm>> -> memref<16384xf32, #tpu.memory_space<hbm>>
    %dma_start3A_779 = tpu.memref_slice %dma_start3A_778[%mul3A_770] : memref<16384xf32, #tpu.memory_space<hbm>> -> memref<128xf32, #tpu.memory_space<hbm>>
    tpu.enqueue_dma source(%arg44 : memref<128xf32, #tpu.memory_space<vmem>>) target(%dma_start3A_779 : memref<128xf32, #tpu.memory_space<hbm>>) target_semaphore(%arg62 : memref<!tpu.dma_semaphore, #tpu.memory_space<semaphore_mem>>)
    %mul3A_780 = arith.constant 4 : i32
    %mul3A_781 = arith.muli %add3A, %mul3A_780 : i32
    %add3A_782 = arith.constant 3 : i32
    %add3A_783 = arith.addi %mul3A_781, %add3A_782 : i32
    %dma_wait3A_784 = arith.constant 0 : i32
    %dma_wait3A_785 = arith.constant 0 : i32
    %dma_wait3A_786 = tpu.memref_slice %arg57[%dma_wait3A_785] : memref<6144xf32, #tpu.memory_space<vmem>> -> memref<1536xf32, #tpu.memory_space<vmem>>
    %dma_wait3A_787 = arith.constant 0 : i32
    %dma_wait3A_788 = tpu.memref_slice %arg3[%dma_wait3A_784, %dma_wait3A_787] : memref<12x100000xf32, #tpu.memory_space<hbm>> -> memref<1x100000xf32, #tpu.memory_space<hbm>>
    %dma_wait3A_789 = tpu.memref_squeeze %dma_wait3A_788 : memref<1x100000xf32, #tpu.memory_space<hbm>> -> memref<100000xf32, #tpu.memory_space<hbm>>
    %dma_wait3A_790 = arith.constant 0 : i32
    %dma_wait3A_791 = tpu.memref_slice %dma_wait3A_789[%dma_wait3A_790] : memref<100000xf32, #tpu.memory_space<hbm>> -> memref<1536xf32, #tpu.memory_space<hbm>>
    %dma_wait3A_792 = arith.constant 0 : i32
    %dma_wait3A_793 = tpu.memref_slice %arg57[%dma_wait3A_792] : memref<6144xf32, #tpu.memory_space<vmem>> -> memref<1536xf32, #tpu.memory_space<vmem>>
    %dma_wait3A_794 = arith.constant 0 : i32
    %dma_wait3A_795 = tpu.memref_slice %arg3[%dma_wait3A_784, %dma_wait3A_794] : memref<12x100000xf32, #tpu.memory_space<hbm>> -> memref<1x100000xf32, #tpu.memory_space<hbm>>
    %dma_wait3A_796 = tpu.memref_squeeze %dma_wait3A_795 : memref<1x100000xf32, #tpu.memory_space<hbm>> -> memref<100000xf32, #tpu.memory_space<hbm>>
    %dma_wait3A_797 = arith.constant 0 : i32
    %dma_wait3A_798 = tpu.memref_slice %dma_wait3A_796[%dma_wait3A_797] : memref<100000xf32, #tpu.memory_space<hbm>> -> memref<1536xf32, #tpu.memory_space<hbm>>
    tpu.wait_dma2 semaphore(%arg61 : memref<!tpu.dma_semaphore, #tpu.memory_space<semaphore_mem>>) src(%dma_wait3A_798 : memref<1536xf32, #tpu.memory_space<hbm>>) dst(%dma_wait3A_793 : memref<1536xf32, #tpu.memory_space<vmem>>)
    %mul3A_799 = arith.constant 128 : i32
    %mul3A_800 = arith.muli %add3A_783, %mul3A_799 : i32
    %dma_start3A_801 = arith.constant 0 : i32
    %dma_start3A_802 = arith.constant 0 : i32
    %dma_start3A_803 = tpu.memref_slice %arg4[%dma_start3A_801, %dma_start3A_802] : memref<12x16384xf32, #tpu.memory_space<hbm>> -> memref<1x16384xf32, #tpu.memory_space<hbm>>
    %dma_start3A_804 = tpu.memref_squeeze %dma_start3A_803 : memref<1x16384xf32, #tpu.memory_space<hbm>> -> memref<16384xf32, #tpu.memory_space<hbm>>
    %dma_start3A_805 = tpu.memref_slice %dma_start3A_804[%mul3A_800] : memref<16384xf32, #tpu.memory_space<hbm>> -> memref<128xf32, #tpu.memory_space<hbm>>
    %dma_start3A_806 = arith.constant 0 : i32
    %dma_start3A_807 = tpu.memref_slice %arg4[%dma_start3A_801, %dma_start3A_806] : memref<12x16384xf32, #tpu.memory_space<hbm>> -> memref<1x16384xf32, #tpu.memory_space<hbm>>
    %dma_start3A_808 = tpu.memref_squeeze %dma_start3A_807 : memref<1x16384xf32, #tpu.memory_space<hbm>> -> memref<16384xf32, #tpu.memory_space<hbm>>
    %dma_start3A_809 = tpu.memref_slice %dma_start3A_808[%mul3A_800] : memref<16384xf32, #tpu.memory_space<hbm>> -> memref<128xf32, #tpu.memory_space<hbm>>
    tpu.enqueue_dma source(%arg45 : memref<128xf32, #tpu.memory_space<vmem>>) target(%dma_start3A_809 : memref<128xf32, #tpu.memory_space<hbm>>) target_semaphore(%arg62 : memref<!tpu.dma_semaphore, #tpu.memory_space<semaphore_mem>>)
    %mul3A_810 = arith.constant 128 : i32
    %mul3A_811 = arith.muli %add3A_783, %mul3A_810 : i32
    %dma_start3A_812 = arith.constant 1 : i32
    %dma_start3A_813 = arith.constant 0 : i32
    %dma_start3A_814 = tpu.memref_slice %arg4[%dma_start3A_812, %dma_start3A_813] : memref<12x16384xf32, #tpu.memory_space<hbm>> -> memref<1x16384xf32, #tpu.memory_space<hbm>>
    %dma_start3A_815 = tpu.memref_squeeze %dma_start3A_814 : memref<1x16384xf32, #tpu.memory_space<hbm>> -> memref<16384xf32, #tpu.memory_space<hbm>>
    %dma_start3A_816 = tpu.memref_slice %dma_start3A_815[%mul3A_811] : memref<16384xf32, #tpu.memory_space<hbm>> -> memref<128xf32, #tpu.memory_space<hbm>>
    %dma_start3A_817 = arith.constant 0 : i32
    %dma_start3A_818 = tpu.memref_slice %arg4[%dma_start3A_812, %dma_start3A_817] : memref<12x16384xf32, #tpu.memory_space<hbm>> -> memref<1x16384xf32, #tpu.memory_space<hbm>>
    %dma_start3A_819 = tpu.memref_squeeze %dma_start3A_818 : memref<1x16384xf32, #tpu.memory_space<hbm>> -> memref<16384xf32, #tpu.memory_space<hbm>>
    %dma_start3A_820 = tpu.memref_slice %dma_start3A_819[%mul3A_811] : memref<16384xf32, #tpu.memory_space<hbm>> -> memref<128xf32, #tpu.memory_space<hbm>>
    tpu.enqueue_dma source(%arg46 : memref<128xf32, #tpu.memory_space<vmem>>) target(%dma_start3A_820 : memref<128xf32, #tpu.memory_space<hbm>>) target_semaphore(%arg62 : memref<!tpu.dma_semaphore, #tpu.memory_space<semaphore_mem>>)
    %mul3A_821 = arith.constant 128 : i32
    %mul3A_822 = arith.muli %add3A_783, %mul3A_821 : i32
    %dma_start3A_823 = arith.constant 2 : i32
    %dma_start3A_824 = arith.constant 0 : i32
    %dma_start3A_825 = tpu.memref_slice %arg4[%dma_start3A_823, %dma_start3A_824] : memref<12x16384xf32, #tpu.memory_space<hbm>> -> memref<1x16384xf32, #tpu.memory_space<hbm>>
    %dma_start3A_826 = tpu.memref_squeeze %dma_start3A_825 : memref<1x16384xf32, #tpu.memory_space<hbm>> -> memref<16384xf32, #tpu.memory_space<hbm>>
    %dma_start3A_827 = tpu.memref_slice %dma_start3A_826[%mul3A_822] : memref<16384xf32, #tpu.memory_space<hbm>> -> memref<128xf32, #tpu.memory_space<hbm>>
    %dma_start3A_828 = arith.constant 0 : i32
    %dma_start3A_829 = tpu.memref_slice %arg4[%dma_start3A_823, %dma_start3A_828] : memref<12x16384xf32, #tpu.memory_space<hbm>> -> memref<1x16384xf32, #tpu.memory_space<hbm>>
    %dma_start3A_830 = tpu.memref_squeeze %dma_start3A_829 : memref<1x16384xf32, #tpu.memory_space<hbm>> -> memref<16384xf32, #tpu.memory_space<hbm>>
    %dma_start3A_831 = tpu.memref_slice %dma_start3A_830[%mul3A_822] : memref<16384xf32, #tpu.memory_space<hbm>> -> memref<128xf32, #tpu.memory_space<hbm>>
    tpu.enqueue_dma source(%arg47 : memref<128xf32, #tpu.memory_space<vmem>>) target(%dma_start3A_831 : memref<128xf32, #tpu.memory_space<hbm>>) target_semaphore(%arg62 : memref<!tpu.dma_semaphore, #tpu.memory_space<semaphore_mem>>)
    %mul3A_832 = arith.constant 128 : i32
    %mul3A_833 = arith.muli %add3A_783, %mul3A_832 : i32
    %dma_start3A_834 = arith.constant 3 : i32
    %dma_start3A_835 = arith.constant 0 : i32
    %dma_start3A_836 = tpu.memref_slice %arg4[%dma_start3A_834, %dma_start3A_835] : memref<12x16384xf32, #tpu.memory_space<hbm>> -> memref<1x16384xf32, #tpu.memory_space<hbm>>
    %dma_start3A_837 = tpu.memref_squeeze %dma_start3A_836 : memref<1x16384xf32, #tpu.memory_space<hbm>> -> memref<16384xf32, #tpu.memory_space<hbm>>
    %dma_start3A_838 = tpu.memref_slice %dma_start3A_837[%mul3A_833] : memref<16384xf32, #tpu.memory_space<hbm>> -> memref<128xf32, #tpu.memory_space<hbm>>
    %dma_start3A_839 = arith.constant 0 : i32
    %dma_start3A_840 = tpu.memref_slice %arg4[%dma_start3A_834, %dma_start3A_839] : memref<12x16384xf32, #tpu.memory_space<hbm>> -> memref<1x16384xf32, #tpu.memory_space<hbm>>
    %dma_start3A_841 = tpu.memref_squeeze %dma_start3A_840 : memref<1x16384xf32, #tpu.memory_space<hbm>> -> memref<16384xf32, #tpu.memory_space<hbm>>
    %dma_start3A_842 = tpu.memref_slice %dma_start3A_841[%mul3A_833] : memref<16384xf32, #tpu.memory_space<hbm>> -> memref<128xf32, #tpu.memory_space<hbm>>
    tpu.enqueue_dma source(%arg48 : memref<128xf32, #tpu.memory_space<vmem>>) target(%dma_start3A_842 : memref<128xf32, #tpu.memory_space<hbm>>) target_semaphore(%arg62 : memref<!tpu.dma_semaphore, #tpu.memory_space<semaphore_mem>>)
    %mul3A_843 = arith.constant 128 : i32
    %mul3A_844 = arith.muli %add3A_783, %mul3A_843 : i32
    %dma_start3A_845 = arith.constant 4 : i32
    %dma_start3A_846 = arith.constant 0 : i32
    %dma_start3A_847 = tpu.memref_slice %arg4[%dma_start3A_845, %dma_start3A_846] : memref<12x16384xf32, #tpu.memory_space<hbm>> -> memref<1x16384xf32, #tpu.memory_space<hbm>>
    %dma_start3A_848 = tpu.memref_squeeze %dma_start3A_847 : memref<1x16384xf32, #tpu.memory_space<hbm>> -> memref<16384xf32, #tpu.memory_space<hbm>>
    %dma_start3A_849 = tpu.memref_slice %dma_start3A_848[%mul3A_844] : memref<16384xf32, #tpu.memory_space<hbm>> -> memref<128xf32, #tpu.memory_space<hbm>>
    %dma_start3A_850 = arith.constant 0 : i32
    %dma_start3A_851 = tpu.memref_slice %arg4[%dma_start3A_845, %dma_start3A_850] : memref<12x16384xf32, #tpu.memory_space<hbm>> -> memref<1x16384xf32, #tpu.memory_space<hbm>>
    %dma_start3A_852 = tpu.memref_squeeze %dma_start3A_851 : memref<1x16384xf32, #tpu.memory_space<hbm>> -> memref<16384xf32, #tpu.memory_space<hbm>>
    %dma_start3A_853 = tpu.memref_slice %dma_start3A_852[%mul3A_844] : memref<16384xf32, #tpu.memory_space<hbm>> -> memref<128xf32, #tpu.memory_space<hbm>>
    tpu.enqueue_dma source(%arg49 : memref<128xf32, #tpu.memory_space<vmem>>) target(%dma_start3A_853 : memref<128xf32, #tpu.memory_space<hbm>>) target_semaphore(%arg62 : memref<!tpu.dma_semaphore, #tpu.memory_space<semaphore_mem>>)
    %mul3A_854 = arith.constant 128 : i32
    %mul3A_855 = arith.muli %add3A_783, %mul3A_854 : i32
    %dma_start3A_856 = arith.constant 5 : i32
    %dma_start3A_857 = arith.constant 0 : i32
    %dma_start3A_858 = tpu.memref_slice %arg4[%dma_start3A_856, %dma_start3A_857] : memref<12x16384xf32, #tpu.memory_space<hbm>> -> memref<1x16384xf32, #tpu.memory_space<hbm>>
    %dma_start3A_859 = tpu.memref_squeeze %dma_start3A_858 : memref<1x16384xf32, #tpu.memory_space<hbm>> -> memref<16384xf32, #tpu.memory_space<hbm>>
    %dma_start3A_860 = tpu.memref_slice %dma_start3A_859[%mul3A_855] : memref<16384xf32, #tpu.memory_space<hbm>> -> memref<128xf32, #tpu.memory_space<hbm>>
    %dma_start3A_861 = arith.constant 0 : i32
    %dma_start3A_862 = tpu.memref_slice %arg4[%dma_start3A_856, %dma_start3A_861] : memref<12x16384xf32, #tpu.memory_space<hbm>> -> memref<1x16384xf32, #tpu.memory_space<hbm>>
    %dma_start3A_863 = tpu.memref_squeeze %dma_start3A_862 : memref<1x16384xf32, #tpu.memory_space<hbm>> -> memref<16384xf32, #tpu.memory_space<hbm>>
    %dma_start3A_864 = tpu.memref_slice %dma_start3A_863[%mul3A_855] : memref<16384xf32, #tpu.memory_space<hbm>> -> memref<128xf32, #tpu.memory_space<hbm>>
    tpu.enqueue_dma source(%arg50 : memref<128xf32, #tpu.memory_space<vmem>>) target(%dma_start3A_864 : memref<128xf32, #tpu.memory_space<hbm>>) target_semaphore(%arg62 : memref<!tpu.dma_semaphore, #tpu.memory_space<semaphore_mem>>)
    %mul3A_865 = arith.constant 128 : i32
    %mul3A_866 = arith.muli %add3A_783, %mul3A_865 : i32
    %dma_start3A_867 = arith.constant 6 : i32
    %dma_start3A_868 = arith.constant 0 : i32
    %dma_start3A_869 = tpu.memref_slice %arg4[%dma_start3A_867, %dma_start3A_868] : memref<12x16384xf32, #tpu.memory_space<hbm>> -> memref<1x16384xf32, #tpu.memory_space<hbm>>
    %dma_start3A_870 = tpu.memref_squeeze %dma_start3A_869 : memref<1x16384xf32, #tpu.memory_space<hbm>> -> memref<16384xf32, #tpu.memory_space<hbm>>
    %dma_start3A_871 = tpu.memref_slice %dma_start3A_870[%mul3A_866] : memref<16384xf32, #tpu.memory_space<hbm>> -> memref<128xf32, #tpu.memory_space<hbm>>
    %dma_start3A_872 = arith.constant 0 : i32
    %dma_start3A_873 = tpu.memref_slice %arg4[%dma_start3A_867, %dma_start3A_872] : memref<12x16384xf32, #tpu.memory_space<hbm>> -> memref<1x16384xf32, #tpu.memory_space<hbm>>
    %dma_start3A_874 = tpu.memref_squeeze %dma_start3A_873 : memref<1x16384xf32, #tpu.memory_space<hbm>> -> memref<16384xf32, #tpu.memory_space<hbm>>
    %dma_start3A_875 = tpu.memref_slice %dma_start3A_874[%mul3A_866] : memref<16384xf32, #tpu.memory_space<hbm>> -> memref<128xf32, #tpu.memory_space<hbm>>
    tpu.enqueue_dma source(%arg51 : memref<128xf32, #tpu.memory_space<vmem>>) target(%dma_start3A_875 : memref<128xf32, #tpu.memory_space<hbm>>) target_semaphore(%arg62 : memref<!tpu.dma_semaphore, #tpu.memory_space<semaphore_mem>>)
    %mul3A_876 = arith.constant 128 : i32
    %mul3A_877 = arith.muli %add3A_783, %mul3A_876 : i32
    %dma_start3A_878 = arith.constant 7 : i32
    %dma_start3A_879 = arith.constant 0 : i32
    %dma_start3A_880 = tpu.memref_slice %arg4[%dma_start3A_878, %dma_start3A_879] : memref<12x16384xf32, #tpu.memory_space<hbm>> -> memref<1x16384xf32, #tpu.memory_space<hbm>>
    %dma_start3A_881 = tpu.memref_squeeze %dma_start3A_880 : memref<1x16384xf32, #tpu.memory_space<hbm>> -> memref<16384xf32, #tpu.memory_space<hbm>>
    %dma_start3A_882 = tpu.memref_slice %dma_start3A_881[%mul3A_877] : memref<16384xf32, #tpu.memory_space<hbm>> -> memref<128xf32, #tpu.memory_space<hbm>>
    %dma_start3A_883 = arith.constant 0 : i32
    %dma_start3A_884 = tpu.memref_slice %arg4[%dma_start3A_878, %dma_start3A_883] : memref<12x16384xf32, #tpu.memory_space<hbm>> -> memref<1x16384xf32, #tpu.memory_space<hbm>>
    %dma_start3A_885 = tpu.memref_squeeze %dma_start3A_884 : memref<1x16384xf32, #tpu.memory_space<hbm>> -> memref<16384xf32, #tpu.memory_space<hbm>>
    %dma_start3A_886 = tpu.memref_slice %dma_start3A_885[%mul3A_877] : memref<16384xf32, #tpu.memory_space<hbm>> -> memref<128xf32, #tpu.memory_space<hbm>>
    tpu.enqueue_dma source(%arg52 : memref<128xf32, #tpu.memory_space<vmem>>) target(%dma_start3A_886 : memref<128xf32, #tpu.memory_space<hbm>>) target_semaphore(%arg62 : memref<!tpu.dma_semaphore, #tpu.memory_space<semaphore_mem>>)
    %mul3A_887 = arith.constant 128 : i32
    %mul3A_888 = arith.muli %add3A_783, %mul3A_887 : i32
    %dma_start3A_889 = arith.constant 8 : i32
    %dma_start3A_890 = arith.constant 0 : i32
    %dma_start3A_891 = tpu.memref_slice %arg4[%dma_start3A_889, %dma_start3A_890] : memref<12x16384xf32, #tpu.memory_space<hbm>> -> memref<1x16384xf32, #tpu.memory_space<hbm>>
    %dma_start3A_892 = tpu.memref_squeeze %dma_start3A_891 : memref<1x16384xf32, #tpu.memory_space<hbm>> -> memref<16384xf32, #tpu.memory_space<hbm>>
    %dma_start3A_893 = tpu.memref_slice %dma_start3A_892[%mul3A_888] : memref<16384xf32, #tpu.memory_space<hbm>> -> memref<128xf32, #tpu.memory_space<hbm>>
    %dma_start3A_894 = arith.constant 0 : i32
    %dma_start3A_895 = tpu.memref_slice %arg4[%dma_start3A_889, %dma_start3A_894] : memref<12x16384xf32, #tpu.memory_space<hbm>> -> memref<1x16384xf32, #tpu.memory_space<hbm>>
    %dma_start3A_896 = tpu.memref_squeeze %dma_start3A_895 : memref<1x16384xf32, #tpu.memory_space<hbm>> -> memref<16384xf32, #tpu.memory_space<hbm>>
    %dma_start3A_897 = tpu.memref_slice %dma_start3A_896[%mul3A_888] : memref<16384xf32, #tpu.memory_space<hbm>> -> memref<128xf32, #tpu.memory_space<hbm>>
    tpu.enqueue_dma source(%arg53 : memref<128xf32, #tpu.memory_space<vmem>>) target(%dma_start3A_897 : memref<128xf32, #tpu.memory_space<hbm>>) target_semaphore(%arg62 : memref<!tpu.dma_semaphore, #tpu.memory_space<semaphore_mem>>)
    %mul3A_898 = arith.constant 128 : i32
    %mul3A_899 = arith.muli %add3A_783, %mul3A_898 : i32
    %dma_start3A_900 = arith.constant 9 : i32
    %dma_start3A_901 = arith.constant 0 : i32
    %dma_start3A_902 = tpu.memref_slice %arg4[%dma_start3A_900, %dma_start3A_901] : memref<12x16384xf32, #tpu.memory_space<hbm>> -> memref<1x16384xf32, #tpu.memory_space<hbm>>
    %dma_start3A_903 = tpu.memref_squeeze %dma_start3A_902 : memref<1x16384xf32, #tpu.memory_space<hbm>> -> memref<16384xf32, #tpu.memory_space<hbm>>
    %dma_start3A_904 = tpu.memref_slice %dma_start3A_903[%mul3A_899] : memref<16384xf32, #tpu.memory_space<hbm>> -> memref<128xf32, #tpu.memory_space<hbm>>
    %dma_start3A_905 = arith.constant 0 : i32
    %dma_start3A_906 = tpu.memref_slice %arg4[%dma_start3A_900, %dma_start3A_905] : memref<12x16384xf32, #tpu.memory_space<hbm>> -> memref<1x16384xf32, #tpu.memory_space<hbm>>
    %dma_start3A_907 = tpu.memref_squeeze %dma_start3A_906 : memref<1x16384xf32, #tpu.memory_space<hbm>> -> memref<16384xf32, #tpu.memory_space<hbm>>
    %dma_start3A_908 = tpu.memref_slice %dma_start3A_907[%mul3A_899] : memref<16384xf32, #tpu.memory_space<hbm>> -> memref<128xf32, #tpu.memory_space<hbm>>
    tpu.enqueue_dma source(%arg54 : memref<128xf32, #tpu.memory_space<vmem>>) target(%dma_start3A_908 : memref<128xf32, #tpu.memory_space<hbm>>) target_semaphore(%arg62 : memref<!tpu.dma_semaphore, #tpu.memory_space<semaphore_mem>>)
    %mul3A_909 = arith.constant 128 : i32
    %mul3A_910 = arith.muli %add3A_783, %mul3A_909 : i32
    %dma_start3A_911 = arith.constant 10 : i32
    %dma_start3A_912 = arith.constant 0 : i32
    %dma_start3A_913 = tpu.memref_slice %arg4[%dma_start3A_911, %dma_start3A_912] : memref<12x16384xf32, #tpu.memory_space<hbm>> -> memref<1x16384xf32, #tpu.memory_space<hbm>>
    %dma_start3A_914 = tpu.memref_squeeze %dma_start3A_913 : memref<1x16384xf32, #tpu.memory_space<hbm>> -> memref<16384xf32, #tpu.memory_space<hbm>>
    %dma_start3A_915 = tpu.memref_slice %dma_start3A_914[%mul3A_910] : memref<16384xf32, #tpu.memory_space<hbm>> -> memref<128xf32, #tpu.memory_space<hbm>>
    %dma_start3A_916 = arith.constant 0 : i32
    %dma_start3A_917 = tpu.memref_slice %arg4[%dma_start3A_911, %dma_start3A_916] : memref<12x16384xf32, #tpu.memory_space<hbm>> -> memref<1x16384xf32, #tpu.memory_space<hbm>>
    %dma_start3A_918 = tpu.memref_squeeze %dma_start3A_917 : memref<1x16384xf32, #tpu.memory_space<hbm>> -> memref<16384xf32, #tpu.memory_space<hbm>>
    %dma_start3A_919 = tpu.memref_slice %dma_start3A_918[%mul3A_910] : memref<16384xf32, #tpu.memory_space<hbm>> -> memref<128xf32, #tpu.memory_space<hbm>>
    tpu.enqueue_dma source(%arg55 : memref<128xf32, #tpu.memory_space<vmem>>) target(%dma_start3A_919 : memref<128xf32, #tpu.memory_space<hbm>>) target_semaphore(%arg62 : memref<!tpu.dma_semaphore, #tpu.memory_space<semaphore_mem>>)
    %mul3A_920 = arith.constant 128 : i32
    %mul3A_921 = arith.muli %add3A_783, %mul3A_920 : i32
    %dma_start3A_922 = arith.constant 11 : i32
    %dma_start3A_923 = arith.constant 0 : i32
    %dma_start3A_924 = tpu.memref_slice %arg4[%dma_start3A_922, %dma_start3A_923] : memref<12x16384xf32, #tpu.memory_space<hbm>> -> memref<1x16384xf32, #tpu.memory_space<hbm>>
    %dma_start3A_925 = tpu.memref_squeeze %dma_start3A_924 : memref<1x16384xf32, #tpu.memory_space<hbm>> -> memref<16384xf32, #tpu.memory_space<hbm>>
    %dma_start3A_926 = tpu.memref_slice %dma_start3A_925[%mul3A_921] : memref<16384xf32, #tpu.memory_space<hbm>> -> memref<128xf32, #tpu.memory_space<hbm>>
    %dma_start3A_927 = arith.constant 0 : i32
    %dma_start3A_928 = tpu.memref_slice %arg4[%dma_start3A_922, %dma_start3A_927] : memref<12x16384xf32, #tpu.memory_space<hbm>> -> memref<1x16384xf32, #tpu.memory_space<hbm>>
    %dma_start3A_929 = tpu.memref_squeeze %dma_start3A_928 : memref<1x16384xf32, #tpu.memory_space<hbm>> -> memref<16384xf32, #tpu.memory_space<hbm>>
    %dma_start3A_930 = tpu.memref_slice %dma_start3A_929[%mul3A_921] : memref<16384xf32, #tpu.memory_space<hbm>> -> memref<128xf32, #tpu.memory_space<hbm>>
    tpu.enqueue_dma source(%arg56 : memref<128xf32, #tpu.memory_space<vmem>>) target(%dma_start3A_930 : memref<128xf32, #tpu.memory_space<hbm>>) target_semaphore(%arg62 : memref<!tpu.dma_semaphore, #tpu.memory_space<semaphore_mem>>)
    %dma_wait3A_931 = arith.constant 0 : i32
    %dma_wait3A_932 = arith.constant 0 : i32
    %dma_wait3A_933 = tpu.memref_slice %arg57[%dma_wait3A_932] : memref<6144xf32, #tpu.memory_space<vmem>> -> memref<6144xf32, #tpu.memory_space<vmem>>
    %dma_wait3A_934 = arith.constant 0 : i32
    %dma_wait3A_935 = tpu.memref_slice %arg3[%dma_wait3A_931, %dma_wait3A_934] : memref<12x100000xf32, #tpu.memory_space<hbm>> -> memref<1x100000xf32, #tpu.memory_space<hbm>>
    %dma_wait3A_936 = tpu.memref_squeeze %dma_wait3A_935 : memref<1x100000xf32, #tpu.memory_space<hbm>> -> memref<100000xf32, #tpu.memory_space<hbm>>
    %dma_wait3A_937 = arith.constant 0 : i32
    %dma_wait3A_938 = tpu.memref_slice %dma_wait3A_936[%dma_wait3A_937] : memref<100000xf32, #tpu.memory_space<hbm>> -> memref<6144xf32, #tpu.memory_space<hbm>>
    %dma_wait3A_939 = arith.constant 0 : i32
    %dma_wait3A_940 = tpu.memref_slice %arg57[%dma_wait3A_939] : memref<6144xf32, #tpu.memory_space<vmem>> -> memref<6144xf32, #tpu.memory_space<vmem>>
    %dma_wait3A_941 = arith.constant 0 : i32
    %dma_wait3A_942 = tpu.memref_slice %arg3[%dma_wait3A_931, %dma_wait3A_941] : memref<12x100000xf32, #tpu.memory_space<hbm>> -> memref<1x100000xf32, #tpu.memory_space<hbm>>
    %dma_wait3A_943 = tpu.memref_squeeze %dma_wait3A_942 : memref<1x100000xf32, #tpu.memory_space<hbm>> -> memref<100000xf32, #tpu.memory_space<hbm>>
    %dma_wait3A_944 = arith.constant 0 : i32
    %dma_wait3A_945 = tpu.memref_slice %dma_wait3A_943[%dma_wait3A_944] : memref<100000xf32, #tpu.memory_space<hbm>> -> memref<6144xf32, #tpu.memory_space<hbm>>
    tpu.wait_dma2 semaphore(%arg62 : memref<!tpu.dma_semaphore, #tpu.memory_space<semaphore_mem>>) src(%dma_wait3A_945 : memref<6144xf32, #tpu.memory_space<hbm>>) dst(%dma_wait3A_940 : memref<6144xf32, #tpu.memory_space<vmem>>)
    return
  }
}

</mosaic_0001>

<sc_bundles>
// kernel: kernel.3.cloned.1.call-start
scs
__scs_entry_jumppad:
0x0: {  	(pc) =	sbr.rel $0x88, $3  }
0x1: {  	(tag) =	ssettag $0x0;
	lr =	simm.s32 $0x1  }
0x2: {  	[smem:$0x3F9F] =	sst lr;
	_ =	strace $0xD0000000  }
0x3: {  	_ = 	snop  }
0x4: {  	_ = 	snop  }
0x5: {  	_ = 	snop  }
0x6: {  	_ = 	snop  }
0x7: {  	_ = 	snop  }
__scs_overlays_trampoline_lowered:
0x8: {  	[smem:$0x3FAE] =	sst s0  }
0x9: {  	[smem:$0x3FAF] =	sst s1  }
0xa: {  	[smem:$0x3FB0] =	sst s2  }
0xb: {  	[smem:$0x3FB1] =	sst s3  }
0xc: {  	[smem:$0x3FB2] =	sst s4  }
0xd: {  	[smem:$0x3FB3] =	sst s5  }
0xe: {  	[smem:$0x3FB4] =	sst s6  }
0xf: {  	[smem:$0x3FB5] =	sst s7  }
0x10: {  	[smem:$0x3FB6] =	sst s8  }
0x11: {  	[smem:$0x3FB7] =	sst s9;
	s0 =	simm.s32 @!p0 $0x0  }
0x12: {  	s1 =	sld [smem:$0x3F9D];
	s0 =	simm.s32 @p0 $0x1  }
0x13: {  	[smem:$0x3FB8] =	sst s0;
	s0 =	simm.s32 @!p1 $0x0  }
0x14: {  	s2 =	sld [smem:$0x3F9C];
	s0 =	simm.s32 @p1 $0x1  }
0x15: {  	[smem:$0x3FB9] =	sst s0;
	s0 =	simm.s32 @!p2 $0x0  }
0x16: {  	s3 =	sld [smem:$0x3FDB];
	s0 =	simm.s32 @p2 $0x1  }
0x17: {  	s4 =	simm.s32 $0x1BF5;
	[smem:$0x3FBB] =	sst s0  }
0x18: {  	s0 =	sld [smem:$0x3F9E];
	_ =	swait.ge [sflag:s4], $0x0  }
0x19: {  	s7 =	sld [smem:$0x3F9F]  }
0x1a: {  	s8 =	sadd.s32 $0xFFFFE003, lr  }
0x1b: {  	s9 =	sadd.s32 $0xFFFFFEF7, lr;
	s5 =	simm.s32 $0xFFFFFFFF;
	p2 =	slt.u32 s8, $0xFFFFF086  }
0x1c: {  	p1 =	slt.u32 s9, $0xF7A;
	s5 =	simm.s32 @!p2 $0x0  }
0x1d: {  	s5 =	simm.s32 @p1 $0x1;
	p0 =	seq.s32 s7, s2  }
0x1e: {  	s7 =	smul.u32 @!p0 $0xF7A, s2;
	p2 =	seq.s32 @!p0 s5, $0x0  }
0x1f: {  	s9 =	smul.u32 $0xF7A, s1;
	s8 =	simm.s32 @!p0 $0x1BF5;
	p2 =	por !p2, p0  }
0x20: {  	[sflag:s8] =	ssyncset.s32 @!p0 $0xFFFFF086;
	s6 =	sadd.s32 @!p0 s3, s7;
	s7 =	simm.s32 @!p0 $0x108  }
0x21: {  	s3 =	sadd.s32 s3, s9;
	s6 =	sadd.s32 @!p0 $0x88, s6;
	s7 =	simm.s32 @p2 $0x1082  }
0x22: {  	[simem:s7], [sflag:s8] =	dma.local @!p0 [hbm:s6], $0xF7A  }
0x23: {  	s9 =	sor.u32 $0xD0000000, s2;
	s6 =	simm.s32 $0x108;
	_ =	swait.ge @!p0 [sflag:s8], $0x0  }
0x24: {  	s3 =	sadd.s32 $0x88, s3;
	s6 =	simm.s32 @!p1 $0x1082;
	[sflag:s4] =	ssyncset.s32 $0xFFFFF086  }
0x25: {  	[simem:s6], [sflag:s4] =	dma.local [hbm:s3], $0xF7A  }
0x26: {  	[smem:$0x3F9F] =	sst s1;
	(tag) =	ssettag s2;
	_ =	strace s9  }
0x27: {  	s1 =	sld [smem:$0x3FAF]  }
0x28: {  	s2 =	sld [smem:$0x3FB0]  }
0x29: {  	s4 =	sld [smem:$0x3FB2]  }
0x2a: {  	p0 =	seq.s32 s5, $0x0;
	s5 =	sld [smem:$0x3FB3]  }
0x2b: {  	s6 =	sld [smem:$0x3FB4]  }
0x2c: {  	s7 =	sld [smem:$0x3FB5]  }
0x2d: {  	s3 =	simm.s32 $0x108;
	s8 =	sld [smem:$0x3FB6]  }
0x2e: {  	s3 =	simm.s32 @!p0 $0x1082;
	s9 =	sld [smem:$0x3FB7]  }
0x2f: {  	lr =	sadd.s32 s0, s3;
	s0 =	sld [smem:$0x3FAE]  }
0x30: {  	s3 =	sld [smem:$0x3FB1]  }
0x31: {  	[smem:$0x3FBA] =	sst s10  }
0x32: {  	s10 =	sld [smem:$0x3FB8];
	_ =	sdelay $0x3  }
0x33: {  	p0 =	seq.s32 s10, $0x1;
	s10 =	sld [smem:$0x3FBA];
	_ =	sdelay $0x3  }
0x34: {  	[smem:$0x3FBA] =	sst s10  }
0x35: {  	s10 =	sld [smem:$0x3FB9];
	_ =	sdelay $0x3  }
0x36: {  	p1 =	seq.s32 s10, $0x1;
	s10 =	sld [smem:$0x3FBA];
	_ =	sdelay $0x3  }
0x37: {  	[smem:$0x3FBA] =	sst s10  }
0x38: {  	s10 =	sld [smem:$0x3FBB]  }
0x39: {  	_ = 	snop;
	(pc) =	sbr.ind lr, $3  }
0x3a: {  	_ = 	snop  }
0x3b: {  	_ = 	snop  }
0x3c: {  	p2 =	seq.s32 s10, $0x1;
	s10 =	sld [smem:$0x3FBA]  }
0x3d: {  	_ =	shalt  }
0x3e: {  	_ =	shalt  }
0x3f: {  	_ =	shalt  }
0x40: {  	_ =	shalt  }
0x41: {  	_ =	shalt  }
0x42: {  	_ =	shalt  }
0x43: {  	_ =	shalt  }
0x44: {  	_ =	shalt  }
0x45: {  	_ =	shalt  }
0x46: {  	_ =	shalt  }
0x47: {  	_ =	shalt  }
0x48: {  	_ =	shalt  }
0x49: {  	_ =	shalt  }
0x4a: {  	_ =	shalt  }
0x4b: {  	_ =	shalt  }
0x4c: {  	_ =	shalt  }
0x4d: {  	_ =	shalt  }
0x4e: {  	_ =	shalt  }
0x4f: {  	_ =	shalt  }
0x50: {  	_ =	shalt  }
0x51: {  	_ =	shalt  }
0x52: {  	_ =	shalt  }
0x53: {  	_ =	shalt  }
0x54: {  	_ =	shalt  }
0x55: {  	_ =	shalt  }
0x56: {  	_ =	shalt  }
0x57: {  	_ =	shalt  }
0x58: {  	_ =	shalt  }
0x59: {  	_ =	shalt  }
0x5a: {  	_ =	shalt  }
0x5b: {  	_ =	shalt  }
0x5c: {  	_ =	shalt  }
0x5d: {  	_ =	shalt  }
0x5e: {  	_ =	shalt  }
0x5f: {  	_ =	shalt  }
0x60: {  	_ =	shalt  }
0x61: {  	_ =	shalt  }
0x62: {  	_ =	shalt  }
0x63: {  	_ =	shalt  }
0x64: {  	_ =	shalt  }
0x65: {  	_ =	shalt  }
0x66: {  	_ =	shalt  }
0x67: {  	_ =	shalt  }
0x68: {  	_ =	shalt  }
0x69: {  	_ =	shalt  }
0x6a: {  	_ =	shalt  }
0x6b: {  	_ =	shalt  }
0x6c: {  	_ =	shalt  }
0x6d: {  	_ =	shalt  }
0x6e: {  	_ =	shalt  }
0x6f: {  	_ =	shalt  }
0x70: {  	_ =	shalt  }
0x71: {  	_ =	shalt  }
0x72: {  	_ =	shalt  }
0x73: {  	_ =	shalt  }
0x74: {  	_ =	shalt  }
0x75: {  	_ =	shalt  }
0x76: {  	_ =	shalt  }
0x77: {  	_ =	shalt  }
0x78: {  	_ =	shalt  }
0x79: {  	_ =	shalt  }
0x7a: {  	_ =	shalt  }
0x7b: {  	_ =	shalt  }
0x7c: {  	_ =	shalt  }
0x7d: {  	_ =	shalt  }
0x7e: {  	_ =	shalt  }
0x7f: {  	_ =	shalt  }
0x80: {  	_ =	shalt  }
0x81: {  	_ =	shalt  }
0x82: {  	_ =	shalt  }
0x83: {  	_ =	shalt  }
0x84: {  	_ =	shalt  }
0x85: {  	_ =	shalt  }
0x86: {  	_ =	shalt  }
0x87: {  	_ =	shalt  }
.Lfunc_end0:
.L_simem_size_0:
called_computation_lowered:
.L_overlay_start_0:
0x88: {  	s2 =	sld [smem:$0x3FD9]  }
0x89: {  	s3 =	sld [smem:$0x3FFE];
	_ =	sdelay $0x1  }
0x8a: {  	s1 =	srdreg.scid  }
0x8b: {  	s0 =	sand.u32 $0x1, s1  }
0x8c: {  	s17 =	sshll.u32 s0, $0xA;
	s2 =	sadd.s32 s3, s2  }
0x8d: {  	s2 =	sadd.s32 s2, s17  }
0x8e: {  	[smem:$0x3FC6] =	sst s2  }
0x8f: {  	_ = 	snop  }
0x90: {  	s2 =	sld [smem:$0x3FC9];
	(tm) =	ssettm $0x1  }
0x91: {  	s18 =	sld [smem:$0x3FFB];
	_ =	sdelay $0x3  }
0x92: {  	_ =	strace s18  }
0x93: {  	s3 =	sld [smem:$0x3FFC];
	_ =	sdelay $0x3  }
0x94: {  	_ =	strace s3  }
0x95: {  	s3 =	sld [smem:$0x3FFD];
	_ =	sdelay $0x3  }
0x96: {  	_ =	strace s3  }
0x97: {  	_ =	strace $0x8FFFFFFF  }
0x98: {  	s19 =	sld [smem:$0x3FDB];
	_ =	sdelay $0x1  }
0x99: {  	s4 =	simm.s32 $_scs_section_size  }
0x9a: {  	s5 =	simm.s32 $_size__tile_overlayer_lowered;
	s6 =	simm.s32 $_tile_overlayer_lowered  }
0x9b: {  	s22 =	simm.s32 $0x1BFF;
	s21 =	sshll.u32 s6, $0x1;
	s3 =	sadd.s32 s4, s19  }
0x9c: {  	s7 =	simm.s32 $0x0;
	s20 =	sshll.u32 s5, $0x1;
	s5 =	sadd.s32 s21, s3  }
0x9d: {  	[timem:s7], [sflag:s22] =	dma.local [hbm:s5], s20  }
0x9e: {  	_ =	swait.ge [sflag:s22], s20  }
0x9f: {  	s4 =	ssub.s32 $0x0, s20;
	[sflag:s22] =	ssyncset.done $0x0  }
0xa0: {  	[sflag:s22] =	ssyncadd.s32 s4;
	_ =	sdelay $0x1  }
0xa1: {  	s23 =	simm.s32 $0x1B8B  }
0xa2: {  	_ =	swait.ge [sflag:s23], $0x1  }
0xa3: {  	[sflag:s23] =	ssyncset.done $0x0  }
0xa4: {  	s25 =	simm.s32 $0x1B8E;
	s24 =	sld [smem:$0x3FFE];
	[sflag:s23] =	ssyncadd.s32 $0xFFFFFFFF  }
0xa5: {  	s26 =	simm.s32 $execute0_lowered;
	[smem:$0x3FD2] =	sst s25  }
0xa6: {  	s5 =	sshll.u32 s26, $0x1;
	_ =	strace $0x80000046;
	[dreg:$0x1] =	wrdreg $0xFFFFFFFF  }
0xa7: {  	s28 =	simm.s32 $_size_execute0_lowered;
	s3 =	sadd.s32 s3, s5;
	[dreg:$0x0] =	wrdreg $0x0  }
0xa8: {  	s5 =	sshll.u32 s28, $0x1;
	[dreg:$0x2] =	wrdreg s3  }
0xa9: {  	[dreg:$0x3] =	wrdreg s5  }
0xaa: {  	[dreg:$0x4] =	wrdreg $0xC0  }
0xab: {  	_ =	task [dreg:s7], $0x5FFFF  }
0xac: {  	[dreg:$0x1] =	wrdreg $0xFFFFFFFF  }
0xad: {  	[dreg:$0x0] =	wrdreg $0x60  }
0xae: {  	[dreg:$0x2] =	wrdreg s2  }
0xaf: {  	[dreg:$0x3] =	wrdreg s24  }
0xb0: {  	[dreg:$0x4] =	wrdreg $0x9  }
0xb1: {  	_ =	task.clear_ibuf [dreg:s7], $0x5FFFF;
	_ =	strace $0x90000046  }
0xb2: {  	s29 =	simm.s32 $0x9;
	_ =	strace $0x80000048  }
0xb3: {  	_ =	swait.ge [sflag:s29], $0x1  }
0xb4: {  	[sflag:s29] =	ssyncadd.s32 $0xFFFFFFFF  }
0xb5: {  	_ =	strace $0x90000048  }
0xb6: {  	_ =	sfence  }
0xb7: {  	s30 =	sld [smem:$0x0];
	_ =	sdelay $0x2  }
0xb8: {  	s31 =	sshll.u32 s1, $0xD;
	s1 =	sshrl.u32 s1, $0x2  }
0xb9: {  	s3 =	sand.u32 $0x4000, s31;
	s1 =	sadd.s32 s1, s30  }
0xba: {  	s0 =	sor.u32 s3, s0;
	s1 =	sshll.u32 s1, $0x11  }
0xbb: {  	s0 =	sor.u32 s1, s0  }
0xbc: {  	s0 =	sadd.s32 $0x8F2B, s0  }
0xbd: {  	[sflag:s0] =	ssyncadd.remote.s32 $0x1  }
0xbe: {  	_ =	sfence.sel $0xFFFF  }
0xbf: {  	[dreg:$0x0] =	wrdreg $0xFFFFFFFF;
	(pc) =	sbr.abs _section_cstart, $3  }
0xc0: {  	[dreg:$0x1] =	wrdreg $0xFFFFFFFF  }
0xc1: {  	_ =	task.clear_ibuf [dreg:s7], $0x2FFFF;
	_ =	strace $0x9FFFFFFF  }
0xc2: {  	(tm) =	ssettm $0x7FFFFFFF  }
0xc3: {  	_ =	shalt  }
tec
execute0_lowered:
.L_overlay_start_1:
0x0: {  	(tag) =	ssettag $0x1  }
0x1: {  	s0 =	rddreg [dreg:$0x0]  }
0x2: {  	s3 =	rddreg [dreg:$0x1];
	s1 =	srdreg.scid  }
0x3: {  	s2 =	simm.s32 $0x0;
	s5 =	stileid.u32;
	p0 =	por $0x0, $0x0  }
0x4: {  	s28 =	simm.s32 $0x900;
	s30 =	simm.s32 $0xB80;
	s4 =	sand.u32 $0x1, s1  }
0x5: {  	[smem:$0x7FF] =	sst s2;
	s5 =	sshll.u32 s5, $0x7;
	s19 =	sadd.s32 $0x400, s3  }
0x6: {  	s11 =	sadd.s32 $0x24E00, s3;
	s13 =	sadd.s32 $0x34D4, s3;
	s14 =	sadd.s32 $0x65A8, s3  }
0x7: {  	s23 =	sadd.s32 $0x967C, s3;
	s25 =	sadd.s32 $0xC750, s3;
	s26 =	sadd.s32 $0xF824, s3  }
0x8: {  	s12 =	sadd.s32 $0x128F8, s3;
	_ =	strace $0x80000047;
	[dreg:$0xb] =	wrdreg s13  }
0x9: {  	s16 =	sadd.s32 $0x18AA0, s3;
	s20 =	sadd.s32 $0x25600, s3;
	[dreg:$0xc] =	wrdreg s14  }
0xa: {  	s24 =	sadd.s32 $0x21D1C, s3;
	s22 =	sadd.s32 $0x25E00, s3;
	[smem:$0x7F3] =	sst s20  }
0xb: {  	s31 =	sadd.s32 $0x26600, s3;
	s6 =	sshll.u32 s4, $0x6;
	[smem:$0x7F4] =	sst s22  }
0xc: {  	s4 =	ssub.s32 $0x2, s4;
	[smem:$0x7F5] =	sst s31;
	s20 =	sadd.s32 $0x28600, s3  }
0xd: {  	s13 =	sadd.s32 $0x1EC48, s3;
	s22 =	sadd.s32 $0x29600, s3;
	[smem:$0x7F9] =	sst s20  }
0xe: {  	s31 =	sadd.s32 $0x2A600, s3;
	s18 =	sor.u32 s6, s5;
	[smem:$0x7FB] =	sst s22  }
0xf: {  	s10 =	sshrl.u32 s4, $0x1;
	[smem:$0x7FD] =	sst s31;
	s22 =	simm.s32 $0xD00  }
0x10: {  	s20 =	simm.s32 $0xF00;
	s5 =	sadd.s32 s0, s18;
	s8 =	sor.u32 $0x10, s18  }
0x11: {  	s9 =	sor.u32 $0x20, s18;
	s15 =	sadd.s32 s11, s18;
	[dreg:$0x3] =	wrdreg s5  }
0x12: {  	s4 =	ssub.s32 s4, s10;
	s10 =	sadd.s32 $0x26E00, s3;
	[dreg:$0x7] =	wrdreg s15  }
0x13: {  	s17 =	sor.u32 $0x30, s18;
	s6 =	sadd.s32 s0, s8;
	[smem:$0x7F6] =	sst s10  }
0x14: {  	s7 =	sadd.s32 s0, s9;
	s0 =	sadd.s32 s0, s17;
	[dreg:$0x4] =	wrdreg s6  }
0x15: {  	s21 =	sadd.s32 s11, s8;
	s29 =	sadd.s32 s11, s9;
	[dreg:$0x5] =	wrdreg s7  }
0x16: {  	s5 =	sadd.s32 s11, s17;
	s11 =	sadd.s32 $0x27600, s3;
	[dreg:$0x6] =	wrdreg s0  }
0x17: {  	s14 =	smax.u32 s4, $0x1;
	s15 =	sadd.s32 $0x27E00, s3;
	[dreg:$0x8] =	wrdreg s21  }
0x18: {  	s4 =	simm.s32 $0x100;
	s10 =	simm.s32 $0x1;
	[dreg:$0x9] =	wrdreg s29  }
0x19: {  	s7 =	sadd.s32 $0x159CC, s3;
	[dreg:$0xa] =	wrdreg s5;
	p1 =	sne.s32 s14, $0x1  }
.Ltmp0:
0x1a: {  	s6 =	sadd.s32 $0x1BB74, s3;
	[smem:$0x7F7] =	sst s11;
	(pc) =	sbr.rel @!p1 .LBB2_5-.Ltmp0, $4  }
0x1b: {  	[smem:$0x7F8] =	sst s15;
	s21 =	sadd.s32 $0x28E00, s3;
	s29 =	sadd.s32 $0x29E00, s3  }
0x1c: {  	s0 =	sadd.s32 $0xFFFFFFFF, s14;
	s14 =	simm.s32 $0x80;
	s11 =	simm.s32 $0x180  }
0x1d: {  	s15 =	simm.s32 $0x500;
	s3 =	simm.s32 $0xE00;
	[smem:$0x7FA] =	sst s21  }
0x1e: {  	s5 =	simm.s32 $0x5;
	[smem:$0x7FC] =	sst s29;
	s21 =	simm.s32 $0x3  }
0x1f: {  	[smem:$0x7F2] =	sst s0  }
0x20: {  	s29 =	rddreg [dreg:$0x3]  }
0x21: {  	[tilespmem:s2], [sflag:$0x1] =	stream.linear.gather [hbm4b:s29+s2], $0x80, $0x38;
	[tilespmem:$0x1A00] =	vst v63  }
0x22: {  	s5 =	rddreg [dreg:$0x4]  }
0x23: {  	[tilespmem:s14], [sflag:$0x2] =	stream.linear.gather [hbm4b:s5+s2], $0x80, $0x38;
	[tilespmem:$0x1A00] =	vst v63  }
0x24: {  	s31 =	rddreg [dreg:$0x5]  }
0x25: {  	[tilespmem:s4], [sflag:$0x3] =	stream.linear.gather [hbm4b:s31+s2], $0x80, $0x38;
	[tilespmem:$0x1A00] =	vst v63  }
0x26: {  	s1 =	rddreg [dreg:$0x6]  }
0x27: {  	[tilespmem:s11], [sflag:$0x4] =	stream.linear.gather [hbm4b:s1+s2], $0x80, $0x38;
	[tilespmem:$0x1A00] =	vst v63  }
0x28: {  	_ =	swait.ge [sflag:s10], $0x80  }
0x29: {  	[sflag:s10] =	ssyncset.done $0x0  }
0x2a: {  	[sflag:s10] =	ssyncadd.s32 $0xFFFFFF80;
	s10 =	simm.s32 $0x200  }
0x2b: {  	[tilespmem:s10], [sflag:$0x1] =	stream.indirect.gather [hbm4b:s19+s14], $0x1, s2, s14, $0xb8;
	[tilespmem:$0x1A00] =	vst v63  }
0x2c: {  	s1 =	simm.s32 $0x280;
	s0 =	rddreg [dreg:$0xb]  }
0x2d: {  	[tilespmem:s1], [sflag:$0x1] =	stream.indirect.gather [hbm4b:s0+s14], $0x1, s2, s14, $0xb8;
	[tilespmem:$0x1A00] =	vst v63  }
0x2e: {  	s29 =	simm.s32 $0x300;
	s5 =	rddreg [dreg:$0xc]  }
0x2f: {  	[tilespmem:s29], [sflag:$0x1] =	stream.indirect.gather [hbm4b:s5+s14], $0x1, s2, s14, $0xb8;
	[tilespmem:$0x1A00] =	vst v63  }
0x30: {  	s31 =	simm.s32 $0x380  }
0x31: {  	[tilespmem:s31], [sflag:$0x1] =	stream.indirect.gather [hbm4b:s23+s14], $0x1, s2, s14, $0xb8;
	[tilespmem:$0x1A00] =	vst v63  }
0x32: {  	s10 =	simm.s32 $0x400  }
0x33: {  	[tilespmem:s10], [sflag:$0x1] =	stream.indirect.gather [hbm4b:s25+s14], $0x1, s2, s14, $0xb8;
	[tilespmem:$0x1A00] =	vst v63  }
0x34: {  	s29 =	simm.s32 $0x480  }
0x35: {  	[tilespmem:s29], [sflag:$0x1] =	stream.indirect.gather [hbm4b:s26+s14], $0x1, s2, s14, $0xb8;
	[tilespmem:$0x1A00] =	vst v63  }
0x36: {  	_ = 	snop  }
0x37: {  	[tilespmem:s15], [sflag:$0x1] =	stream.indirect.gather [hbm4b:s12+s14], $0x1, s2, s14, $0xb8;
	[tilespmem:$0x1A00] =	vst v63  }
0x38: {  	s15 =	simm.s32 $0x580  }
0x39: {  	[tilespmem:s15], [sflag:$0x1] =	stream.indirect.gather [hbm4b:s7+s14], $0x1, s2, s14, $0xb8;
	[tilespmem:$0x1A00] =	vst v63  }
0x3a: {  	s31 =	simm.s32 $0x600  }
0x3b: {  	[tilespmem:s31], [sflag:$0x1] =	stream.indirect.gather [hbm4b:s16+s14], $0x1, s2, s14, $0xb8;
	[tilespmem:$0x1A00] =	vst v63  }
0x3c: {  	s31 =	simm.s32 $0x680  }
0x3d: {  	[tilespmem:s31], [sflag:$0x1] =	stream.indirect.gather [hbm4b:s6+s14], $0x1, s2, s14, $0xb8;
	[tilespmem:$0x1A00] =	vst v63  }
0x3e: {  	s1 =	simm.s32 $0x700  }
0x3f: {  	[tilespmem:s1], [sflag:$0x1] =	stream.indirect.gather [hbm4b:s13+s14], $0x1, s2, s14, $0xb8;
	[tilespmem:$0x1A00] =	vst v63  }
0x40: {  	s29 =	simm.s32 $0x2;
	s31 =	simm.s32 $0x780  }
0x41: {  	[tilespmem:s31], [sflag:$0x1] =	stream.indirect.gather [hbm4b:s24+s14], $0x1, s2, s14, $0xb8;
	[tilespmem:$0x1A00] =	vst v63  }
0x42: {  	_ =	swait.ge [sflag:s29], $0x80  }
0x43: {  	[sflag:s29] =	ssyncset.done $0x0  }
0x44: {  	s10 =	simm.s32 $0x800;
	[sflag:s29] =	ssyncadd.s32 $0xFFFFFF80  }
0x45: {  	[tilespmem:s10], [sflag:$0x2] =	stream.indirect.gather [hbm4b:s19+s14], $0x1, s14, s14, $0xb8;
	[tilespmem:$0x1A00] =	vst v63  }
0x46: {  	s1 =	simm.s32 $0x880  }
0x47: {  	[tilespmem:s1], [sflag:$0x2] =	stream.indirect.gather [hbm4b:s0+s14], $0x1, s14, s14, $0xb8;
	[tilespmem:$0x1A00] =	vst v63  }
0x48: {  	_ = 	snop  }
0x49: {  	[tilespmem:s28], [sflag:$0x2] =	stream.indirect.gather [hbm4b:s5+s14], $0x1, s14, s14, $0xb8;
	[tilespmem:$0x1A00] =	vst v63  }
0x4a: {  	s10 =	simm.s32 $0x980  }
0x4b: {  	[tilespmem:s10], [sflag:$0x2] =	stream.indirect.gather [hbm4b:s23+s14], $0x1, s14, s14, $0xb8;
	[tilespmem:$0x1A00] =	vst v63  }
0x4c: {  	s15 =	simm.s32 $0xA00  }
0x4d: {  	[tilespmem:s15], [sflag:$0x2] =	stream.indirect.gather [hbm4b:s25+s14], $0x1, s14, s14, $0xb8;
	[tilespmem:$0x1A00] =	vst v63  }
0x4e: {  	s28 =	simm.s32 $0xA80  }
0x4f: {  	[tilespmem:s28], [sflag:$0x2] =	stream.indirect.gather [hbm4b:s26+s14], $0x1, s14, s14, $0xb8;
	[tilespmem:$0x1A00] =	vst v63  }
0x50: {  	s29 =	simm.s32 $0xB00  }
0x51: {  	[tilespmem:s29], [sflag:$0x2] =	stream.indirect.gather [hbm4b:s12+s14], $0x1, s14, s14, $0xb8;
	[tilespmem:$0x1A00] =	vst v63  }
0x52: {  	_ = 	snop  }
0x53: {  	[tilespmem:s30], [sflag:$0x2] =	stream.indirect.gather [hbm4b:s7+s14], $0x1, s14, s14, $0xb8;
	[tilespmem:$0x1A00] =	vst v63  }
0x54: {  	s30 =	simm.s32 $0xC00  }
0x55: {  	[tilespmem:s30], [sflag:$0x2] =	stream.indirect.gather [hbm4b:s16+s14], $0x1, s14, s14, $0xb8;
	[tilespmem:$0x1A00] =	vst v63  }
0x56: {  	s31 =	simm.s32 $0xC80  }
0x57: {  	[tilespmem:s31], [sflag:$0x2] =	stream.indirect.gather [hbm4b:s6+s14], $0x1, s14, s14, $0xb8;
	[tilespmem:$0x1A00] =	vst v63  }
0x58: {  	_ = 	snop  }
0x59: {  	[tilespmem:s22], [sflag:$0x2] =	stream.indirect.gather [hbm4b:s13+s14], $0x1, s14, s14, $0xb8;
	[tilespmem:$0x1A00] =	vst v63  }
0x5a: {  	s1 =	simm.s32 $0xD80  }
0x5b: {  	[tilespmem:s1], [sflag:$0x2] =	stream.indirect.gather [hbm4b:s24+s14], $0x1, s14, s14, $0xb8;
	[tilespmem:$0x1A00] =	vst v63  }
0x5c: {  	_ =	swait.ge [sflag:s21], $0x80  }
0x5d: {  	[sflag:s21] =	ssyncset.done $0x0  }
0x5e: {  	[sflag:s21] =	ssyncadd.s32 $0xFFFFFF80  }
0x5f: {  	[tilespmem:s3], [sflag:$0x3] =	stream.indirect.gather [hbm4b:s19+s14], $0x1, s4, s14, $0xb8;
	[tilespmem:$0x1A00] =	vst v63  }
0x60: {  	s22 =	smov.u32 s6;
	s6 =	simm.s32 $0xE80  }
0x61: {  	[tilespmem:s6], [sflag:$0x3] =	stream.indirect.gather [hbm4b:s0+s14], $0x1, s4, s14, $0xb8;
	[tilespmem:$0x1A00] =	vst v63  }
0x62: {  	_ = 	snop  }
0x63: {  	[tilespmem:s20], [sflag:$0x3] =	stream.indirect.gather [hbm4b:s5+s14], $0x1, s4, s14, $0xb8;
	[tilespmem:$0x1A00] =	vst v63  }
0x64: {  	s20 =	simm.s32 $0xF80  }
0x65: {  	[tilespmem:s20], [sflag:$0x3] =	stream.indirect.gather [hbm4b:s23+s14], $0x1, s4, s14, $0xb8;
	[tilespmem:$0x1A00] =	vst v63  }
0x66: {  	s10 =	simm.s32 $0x1000  }
0x67: {  	[tilespmem:s10], [sflag:$0x3] =	stream.indirect.gather [hbm4b:s25+s14], $0x1, s4, s14, $0xb8;
	[tilespmem:$0x1A00] =	vst v63  }
0x68: {  	s31 =	simm.s32 $0x1080  }
0x69: {  	[tilespmem:s31], [sflag:$0x3] =	stream.indirect.gather [hbm4b:s26+s14], $0x1, s4, s14, $0xb8;
	[tilespmem:$0x1A00] =	vst v63  }
0x6a: {  	s15 =	simm.s32 $0x1100  }
0x6b: {  	[tilespmem:s15], [sflag:$0x3] =	stream.indirect.gather [hbm4b:s12+s14], $0x1, s4, s14, $0xb8;
	[tilespmem:$0x1A00] =	vst v63  }
0x6c: {  	s29 =	simm.s32 $0x1180  }
0x6d: {  	[tilespmem:s29], [sflag:$0x3] =	stream.indirect.gather [hbm4b:s7+s14], $0x1, s4, s14, $0xb8;
	[tilespmem:$0x1A00] =	vst v63  }
0x6e: {  	s3 =	simm.s32 $0x1200  }
0x6f: {  	[tilespmem:s3], [sflag:$0x3] =	stream.indirect.gather [hbm4b:s16+s14], $0x1, s4, s14, $0xb8;
	[tilespmem:$0x1A00] =	vst v63  }
0x70: {  	s29 =	simm.s32 $0x1280  }
0x71: {  	[tilespmem:s29], [sflag:$0x3] =	stream.indirect.gather [hbm4b:s22+s14], $0x1, s4, s14, $0xb8;
	[tilespmem:$0x1A00] =	vst v63  }
0x72: {  	s6 =	simm.s32 $0x1300  }
0x73: {  	[tilespmem:s6], [sflag:$0x3] =	stream.indirect.gather [hbm4b:s13+s14], $0x1, s4, s14, $0xb8;
	[tilespmem:$0x1A00] =	vst v63  }
0x74: {  	s28 =	simm.s32 $0x1380;
	s15 =	simm.s32 $0x4  }
0x75: {  	[tilespmem:s28], [sflag:$0x3] =	stream.indirect.gather [hbm4b:s24+s14], $0x1, s4, s14, $0xb8;
	[tilespmem:$0x1A00] =	vst v63  }
0x76: {  	_ =	swait.ge [sflag:s15], $0x80  }
0x77: {  	[sflag:s15] =	ssyncset.done $0x0  }
0x78: {  	s10 =	simm.s32 $0x1400;
	[sflag:s15] =	ssyncadd.s32 $0xFFFFFF80  }
0x79: {  	[tilespmem:s10], [sflag:$0x4] =	stream.indirect.gather [hbm4b:s19+s14], $0x1, s11, s14, $0xb8;
	[tilespmem:$0x1A00] =	vst v63  }
0x7a: {  	[dreg:$0x13] =	wrdreg s19;
	s19 =	simm.s32 $0x1480  }
0x7b: {  	[tilespmem:s19], [sflag:$0x4] =	stream.indirect.gather [hbm4b:s0+s14], $0x1, s11, s14, $0xb8;
	[tilespmem:$0x1A00] =	vst v63  }
0x7c: {  	s28 =	simm.s32 $0x1500  }
0x7d: {  	[tilespmem:s28], [sflag:$0x4] =	stream.indirect.gather [hbm4b:s5+s14], $0x1, s11, s14, $0xb8;
	[tilespmem:$0x1A00] =	vst v63  }
0x7e: {  	s19 =	simm.s32 $0x1580  }
0x7f: {  	[tilespmem:s19], [sflag:$0x4] =	stream.indirect.gather [hbm4b:s23+s14], $0x1, s11, s14, $0xb8;
	[tilespmem:$0x1A00] =	vst v63  }
0x80: {  	s1 =	simm.s32 $0x1600  }
0x81: {  	[tilespmem:s1], [sflag:$0x4] =	stream.indirect.gather [hbm4b:s25+s14], $0x1, s11, s14, $0xb8;
	[tilespmem:$0x1A00] =	vst v63  }
0x82: {  	s3 =	simm.s32 $0x1680  }
0x83: {  	[tilespmem:s3], [sflag:$0x4] =	stream.indirect.gather [hbm4b:s26+s14], $0x1, s11, s14, $0xb8;
	[tilespmem:$0x1A00] =	vst v63  }
0x84: {  	[dreg:$0xd] =	wrdreg s12;
	s5 =	simm.s32 $0x1700  }
0x85: {  	[tilespmem:s5], [sflag:$0x4] =	stream.indirect.gather [hbm4b:s12+s14], $0x1, s11, s14, $0xb8;
	[tilespmem:$0x1A00] =	vst v63  }
0x86: {  	s6 =	simm.s32 $0x1780;
	[dreg:$0xf] =	wrdreg s7  }
0x87: {  	[tilespmem:s6], [sflag:$0x4] =	stream.indirect.gather [hbm4b:s7+s14], $0x1, s11, s14, $0xb8;
	[tilespmem:$0x1A00] =	vst v63  }
0x88: {  	[dreg:$0xe] =	wrdreg s16;
	s7 =	simm.s32 $0x1800  }
0x89: {  	[tilespmem:s7], [sflag:$0x4] =	stream.indirect.gather [hbm4b:s16+s14], $0x1, s11, s14, $0xb8;
	[tilespmem:$0x1A00] =	vst v63  }
0x8a: {  	[dreg:$0x10] =	wrdreg s22;
	s10 =	simm.s32 $0x1880  }
0x8b: {  	[tilespmem:s10], [sflag:$0x4] =	stream.indirect.gather [hbm4b:s22+s14], $0x1, s11, s14, $0xb8;
	[tilespmem:$0x1A00] =	vst v63  }
0x8c: {  	[dreg:$0x11] =	wrdreg s13;
	s12 =	simm.s32 $0x1900  }
0x8d: {  	[tilespmem:s12], [sflag:$0x4] =	stream.indirect.gather [hbm4b:s13+s14], $0x1, s11, s14, $0xb8;
	[tilespmem:$0x1A00] =	vst v63  }
0x8e: {  	[dreg:$0x12] =	wrdreg s24;
	s16 =	simm.s32 $0x1980;
	s22 =	simm.s32 $0x1  }
0x8f: {  	[tilespmem:s16], [sflag:$0x4] =	stream.indirect.gather [hbm4b:s24+s14], $0x1, s11, s14, $0xb8;
	[tilespmem:$0x1A00] =	vst v63  }
0x90: {  	_ =	swait.ge [sflag:s22], $0x600  }
0x91: {  	s24 =	rddreg [dreg:$0x7]  }
0x92: {  	s28 =	simm.s32 $0x1;
	[sflag:s22] =	ssyncset.done $0x0;
	s22 =	sld [smem:$0x7F3]  }
0x93: {  	s3 =	simm.s32 $0x200;
	s16 =	sld [smem:$0x7F4];
	[sflag:s28] =	ssyncadd.s32 $0xFFFFFA00  }
0x94: {  	[hbm4b:s24+s2] =	stream.linear.scatter [tilespmem:s3], [sflag:$0x5], $0x80, $0x38;
	[tilespmem:$0x1A00] =	vst v63  }
0x95: {  	s6 =	simm.s32 $0x280;
	s5 =	sadd.s32 s18, s22  }
0x96: {  	[hbm4b:s5+s2] =	stream.linear.scatter [tilespmem:s6], [sflag:$0x5], $0x80, $0x38;
	[tilespmem:$0x1A00] =	vst v63  }
0x97: {  	s10 =	simm.s32 $0x300;
	s1 =	sld [smem:$0x7F5];
	s7 =	sadd.s32 s18, s16  }
0x98: {  	[hbm4b:s7+s2] =	stream.linear.scatter [tilespmem:s10], [sflag:$0x5], $0x80, $0x38;
	[tilespmem:$0x1A00] =	vst v63  }
0x99: {  	s10 =	sld [smem:$0x7F6]  }
0x9a: {  	s13 =	simm.s32 $0x380;
	s12 =	sadd.s32 s18, s1  }
0x9b: {  	[hbm4b:s12+s2] =	stream.linear.scatter [tilespmem:s13], [sflag:$0x5], $0x80, $0x38;
	[tilespmem:$0x1A00] =	vst v63  }
0x9c: {  	s24 =	sadd.s32 s18, s10  }
0x9d: {  	s28 =	simm.s32 $0x400;
	[dreg:$0x17] =	wrdreg s24  }
0x9e: {  	[hbm4b:s24+s2] =	stream.linear.scatter [tilespmem:s28], [sflag:$0x5], $0x80, $0x38;
	[tilespmem:$0x1A00] =	vst v63  }
0x9f: {  	s24 =	sld [smem:$0x7F7];
	_ =	sdelay $0x1  }
0xa0: {  	s3 =	sld [smem:$0x7F9]  }
0xa1: {  	[dreg:$0x14] =	wrdreg s5;
	s5 =	sadd.s32 s18, s24  }
0xa2: {  	s6 =	simm.s32 $0x480;
	[dreg:$0x18] =	wrdreg s5  }
0xa3: {  	[hbm4b:s5+s2] =	stream.linear.scatter [tilespmem:s6], [sflag:$0x5], $0x80, $0x38;
	[tilespmem:$0x1A00] =	vst v63  }
0xa4: {  	s5 =	sld [smem:$0x7F8]  }
0xa5: {  	[dreg:$0x15] =	wrdreg s7  }
0xa6: {  	[dreg:$0x16] =	wrdreg s12  }
0xa7: {  	s12 =	simm.s32 $0x500;
	s13 =	sadd.s32 s18, s3;
	s7 =	sadd.s32 s18, s5  }
0xa8: {  	[hbm4b:s7+s2] =	stream.linear.scatter [tilespmem:s12], [sflag:$0x5], $0x80, $0x38;
	[tilespmem:$0x1A00] =	vst v63  }
0xa9: {  	[dreg:$0x1a] =	wrdreg s13;
	s28 =	simm.s32 $0x580  }
0xaa: {  	[hbm4b:s13+s2] =	stream.linear.scatter [tilespmem:s28], [sflag:$0x5], $0x80, $0x38;
	[tilespmem:$0x1A00] =	vst v63  }
0xab: {  	s13 =	sld [smem:$0x7FA];
	_ =	sdelay $0x2  }
0xac: {  	[dreg:$0x19] =	wrdreg s7;
	s7 =	simm.s32 $0x600;
	s6 =	sadd.s32 s18, s13  }
0xad: {  	[hbm4b:s6+s2] =	stream.linear.scatter [tilespmem:s7], [sflag:$0x5], $0x80, $0x38;
	[tilespmem:$0x1A00] =	vst v63  }
0xae: {  	s7 =	sld [smem:$0x7FB];
	_ =	sdelay $0x2  }
0xaf: {  	s12 =	sadd.s32 s18, s7  }
0xb0: {  	s28 =	simm.s32 $0x680;
	[dreg:$0x1c] =	wrdreg s12  }
0xb1: {  	[hbm4b:s12+s2] =	stream.linear.scatter [tilespmem:s28], [sflag:$0x5], $0x80, $0x38;
	[tilespmem:$0x1A00] =	vst v63  }
0xb2: {  	s12 =	sld [smem:$0x7FC];
	_ =	sdelay $0x2  }
0xb3: {  	[dreg:$0x1b] =	wrdreg s6;
	s6 =	sadd.s32 s18, s12  }
0xb4: {  	s28 =	simm.s32 $0x700;
	[dreg:$0x1d] =	wrdreg s6  }
0xb5: {  	[hbm4b:s6+s2] =	stream.linear.scatter [tilespmem:s28], [sflag:$0x5], $0x80, $0x38;
	[tilespmem:$0x1A00] =	vst v63  }
0xb6: {  	s6 =	sld [smem:$0x7FD];
	_ =	sdelay $0x2  }
0xb7: {  	[smem:$0x7CE] =	sst s18;
	s28 =	simm.s32 $0x780;
	s18 =	sadd.s32 s18, s6  }
0xb8: {  	[hbm4b:s18+s2] =	stream.linear.scatter [tilespmem:s28], [sflag:$0x5], $0x80, $0x38;
	[tilespmem:$0x1A00] =	vst v63  }
0xb9: {  	[dreg:$0x1e] =	wrdreg s18;
	s28 =	simm.s32 $0x2  }
0xba: {  	_ =	swait.ge [sflag:s28], $0x600  }
0xbb: {  	s18 =	sadd.s32 s8, s22;
	[sflag:s28] =	ssyncset.done $0x0;
	s28 =	simm.s32 $0x2  }
0xbc: {  	s0 =	rddreg [dreg:$0x8];
	[sflag:s28] =	ssyncadd.s32 $0xFFFFFA00;
	s28 =	simm.s32 $0x800  }
0xbd: {  	[hbm4b:s0+s2] =	stream.linear.scatter [tilespmem:s28], [sflag:$0x5], $0x80, $0x38;
	[tilespmem:$0x1A00] =	vst v63  }
0xbe: {  	[dreg:$0x1f] =	wrdreg s18;
	s28 =	simm.s32 $0x880  }
0xbf: {  	[hbm4b:s18+s2] =	stream.linear.scatter [tilespmem:s28], [sflag:$0x5], $0x80, $0x38;
	[tilespmem:$0x1A00] =	vst v63  }
0xc0: {  	[smem:$0x7D8] =	sst s8;
	s18 =	sadd.s32 s8, s16;
	s28 =	simm.s32 $0x900  }
0xc1: {  	[hbm4b:s18+s2] =	stream.linear.scatter [tilespmem:s28], [sflag:$0x5], $0x80, $0x38;
	[tilespmem:$0x1A00] =	vst v63  }
0xc2: {  	[smem:$0x7CF] =	sst s18;
	s18 =	sadd.s32 s8, s1;
	s28 =	simm.s32 $0x980  }
0xc3: {  	[hbm4b:s18+s2] =	stream.linear.scatter [tilespmem:s28], [sflag:$0x5], $0x80, $0x38;
	[tilespmem:$0x1A00] =	vst v63  }
0xc4: {  	[smem:$0x7D0] =	sst s18;
	s18 =	sadd.s32 s8, s10;
	s28 =	simm.s32 $0xA00  }
0xc5: {  	[hbm4b:s18+s2] =	stream.linear.scatter [tilespmem:s28], [sflag:$0x5], $0x80, $0x38;
	[tilespmem:$0x1A00] =	vst v63  }
0xc6: {  	[smem:$0x7D1] =	sst s18;
	s18 =	sadd.s32 s8, s24;
	s28 =	simm.s32 $0xA80  }
0xc7: {  	[hbm4b:s18+s2] =	stream.linear.scatter [tilespmem:s28], [sflag:$0x5], $0x80, $0x38;
	[tilespmem:$0x1A00] =	vst v63  }
0xc8: {  	[smem:$0x7D2] =	sst s18;
	s18 =	sadd.s32 s8, s5;
	s28 =	simm.s32 $0xB00  }
0xc9: {  	[hbm4b:s18+s2] =	stream.linear.scatter [tilespmem:s28], [sflag:$0x5], $0x80, $0x38;
	[tilespmem:$0x1A00] =	vst v63  }
0xca: {  	[smem:$0x7D3] =	sst s18;
	s18 =	sadd.s32 s8, s3;
	s28 =	simm.s32 $0xB80  }
0xcb: {  	[hbm4b:s18+s2] =	stream.linear.scatter [tilespmem:s28], [sflag:$0x5], $0x80, $0x38;
	[tilespmem:$0x1A00] =	vst v63  }
0xcc: {  	[smem:$0x7D4] =	sst s18;
	s18 =	sadd.s32 s8, s13  }
0xcd: {  	[hbm4b:s18+s2] =	stream.linear.scatter [tilespmem:s30], [sflag:$0x5], $0x80, $0x38;
	[tilespmem:$0x1A00] =	vst v63  }
0xce: {  	s28 =	sadd.s32 s8, s7;
	[smem:$0x7D5] =	sst s18;
	s30 =	simm.s32 $0xC80  }
0xcf: {  	[hbm4b:s28+s2] =	stream.linear.scatter [tilespmem:s30], [sflag:$0x5], $0x80, $0x38;
	[tilespmem:$0x1A00] =	vst v63  }
0xd0: {  	[smem:$0x7D6] =	sst s28;
	s28 =	sadd.s32 s8, s12  }
0xd1: {  	s30 =	simm.s32 $0xD00;
	s8 =	sadd.s32 s8, s6;
	[smem:$0x7D7] =	sst s28  }
0xd2: {  	[hbm4b:s28+s2] =	stream.linear.scatter [tilespmem:s30], [sflag:$0x5], $0x80, $0x38;
	[tilespmem:$0x1A00] =	vst v63  }
0xd3: {  	s21 =	simm.s32 $0x3;
	s18 =	simm.s32 $0xD80;
	[smem:$0x7D9] =	sst s8  }
0xd4: {  	[hbm4b:s8+s2] =	stream.linear.scatter [tilespmem:s18], [sflag:$0x5], $0x80, $0x38;
	[tilespmem:$0x1A00] =	vst v63  }
0xd5: {  	_ =	swait.ge [sflag:s21], $0x600  }
0xd6: {  	s8 =	sadd.s32 s9, s22;
	s28 =	rddreg [dreg:$0x9];
	[sflag:s21] =	ssyncset.done $0x0  }
0xd7: {  	s30 =	simm.s32 $0xE00;
	[smem:$0x7DA] =	sst s8;
	[sflag:s21] =	ssyncadd.s32 $0xFFFFFA00  }
0xd8: {  	[hbm4b:s28+s2] =	stream.linear.scatter [tilespmem:s30], [sflag:$0x5], $0x80, $0x38;
	[tilespmem:$0x1A00] =	vst v63  }
0xd9: {  	s18 =	simm.s32 $0xE80;
	[smem:$0x7E4] =	sst s9;
	s21 =	sadd.s32 s9, s16  }
0xda: {  	[hbm4b:s8+s2] =	stream.linear.scatter [tilespmem:s18], [sflag:$0x5], $0x80, $0x38;
	[tilespmem:$0x1A00] =	vst v63  }
0xdb: {  	[smem:$0x7DB] =	sst s21;
	s28 =	simm.s32 $0xF00;
	s30 =	sadd.s32 s9, s1  }
0xdc: {  	[hbm4b:s21+s2] =	stream.linear.scatter [tilespmem:s28], [sflag:$0x5], $0x80, $0x38;
	[tilespmem:$0x1A00] =	vst v63  }
0xdd: {  	[smem:$0x7DC] =	sst s30;
	s8 =	sadd.s32 s9, s10  }
0xde: {  	[hbm4b:s30+s2] =	stream.linear.scatter [tilespmem:s20], [sflag:$0x5], $0x80, $0x38;
	[tilespmem:$0x1A00] =	vst v63  }
0xdf: {  	s18 =	simm.s32 $0x1000;
	[smem:$0x7DD] =	sst s8;
	s21 =	sadd.s32 s9, s5  }
0xe0: {  	[hbm4b:s8+s2] =	stream.linear.scatter [tilespmem:s18], [sflag:$0x5], $0x80, $0x38;
	[tilespmem:$0x1A00] =	vst v63  }
0xe1: {  	[smem:$0x7DF] =	sst s21;
	s20 =	sadd.s32 s9, s24  }
0xe2: {  	[hbm4b:s20+s2] =	stream.linear.scatter [tilespmem:s31], [sflag:$0x5], $0x80, $0x38;
	[tilespmem:$0x1A00] =	vst v63  }
0xe3: {  	s28 =	simm.s32 $0x1100;
	s30 =	sadd.s32 s9, s3;
	[smem:$0x7DE] =	sst s20  }
0xe4: {  	[hbm4b:s21+s2] =	stream.linear.scatter [tilespmem:s28], [sflag:$0x5], $0x80, $0x38;
	[tilespmem:$0x1A00] =	vst v63  }
0xe5: {  	[smem:$0x7E0] =	sst s30;
	s18 =	sadd.s32 s9, s13;
	s31 =	simm.s32 $0x1180  }
0xe6: {  	[hbm4b:s30+s2] =	stream.linear.scatter [tilespmem:s31], [sflag:$0x5], $0x80, $0x38;
	[tilespmem:$0x1A00] =	vst v63  }
0xe7: {  	[smem:$0x7E1] =	sst s18;
	s20 =	simm.s32 $0x1200;
	s21 =	sadd.s32 s9, s7  }
0xe8: {  	[hbm4b:s18+s2] =	stream.linear.scatter [tilespmem:s20], [sflag:$0x5], $0x80, $0x38;
	[tilespmem:$0x1A00] =	vst v63  }
0xe9: {  	s28 =	sadd.s32 s9, s12;
	[smem:$0x7E2] =	sst s21  }
0xea: {  	[hbm4b:s21+s2] =	stream.linear.scatter [tilespmem:s29], [sflag:$0x5], $0x80, $0x38;
	[tilespmem:$0x1A00] =	vst v63  }
0xeb: {  	[smem:$0x7E3] =	sst s28;
	s30 =	sadd.s32 s9, s6;
	s29 =	simm.s32 $0x1300  }
0xec: {  	[hbm4b:s28+s2] =	stream.linear.scatter [tilespmem:s29], [sflag:$0x5], $0x80, $0x38;
	[tilespmem:$0x1A00] =	vst v63  }
0xed: {  	s31 =	simm.s32 $0x1380;
	[smem:$0x7E5] =	sst s30  }
0xee: {  	[hbm4b:s30+s2] =	stream.linear.scatter [tilespmem:s31], [sflag:$0x5], $0x80, $0x38;
	[tilespmem:$0x1A00] =	vst v63  }
0xef: {  	s18 =	simm.s32 $0x1400;
	_ =	swait.ge [sflag:s15], $0x600  }
0xf0: {  	s20 =	sadd.s32 s17, s22;
	s9 =	rddreg [dreg:$0xa];
	[sflag:s15] =	ssyncset.done $0x0  }
0xf1: {  	s22 =	sadd.s32 s17, s16;
	[smem:$0x7E6] =	sst s20;
	[sflag:s15] =	ssyncadd.s32 $0xFFFFFA00  }
0xf2: {  	[hbm4b:s9+s2] =	stream.linear.scatter [tilespmem:s18], [sflag:$0x5], $0x80, $0x38;
	[tilespmem:$0x1A00] =	vst v63  }
0xf3: {  	s21 =	simm.s32 $0x1480;
	s29 =	sadd.s32 s17, s1;
	[smem:$0x7E7] =	sst s22  }
0xf4: {  	[hbm4b:s20+s2] =	stream.linear.scatter [tilespmem:s21], [sflag:$0x5], $0x80, $0x38;
	[tilespmem:$0x1A00] =	vst v63  }
0xf5: {  	s28 =	simm.s32 $0x1500;
	s30 =	sadd.s32 s17, s10;
	[smem:$0x7E8] =	sst s29  }
0xf6: {  	[hbm4b:s22+s2] =	stream.linear.scatter [tilespmem:s28], [sflag:$0x5], $0x80, $0x38;
	[tilespmem:$0x1A00] =	vst v63  }
0xf7: {  	s1 =	sadd.s32 s17, s24;
	[smem:$0x7E9] =	sst s30  }
0xf8: {  	[hbm4b:s29+s2] =	stream.linear.scatter [tilespmem:s19], [sflag:$0x5], $0x80, $0x38;
	[tilespmem:$0x1A00] =	vst v63  }
0xf9: {  	s31 =	simm.s32 $0x1600;
	[smem:$0x7EA] =	sst s1  }
0xfa: {  	[hbm4b:s30+s2] =	stream.linear.scatter [tilespmem:s31], [sflag:$0x5], $0x80, $0x38;
	[tilespmem:$0x1A00] =	vst v63  }
0xfb: {  	s8 =	simm.s32 $0x1680;
	[smem:$0x7F0] =	sst s17;
	s15 =	sadd.s32 s17, s3  }
0xfc: {  	[hbm4b:s1+s2] =	stream.linear.scatter [tilespmem:s8], [sflag:$0x5], $0x80, $0x38;
	[tilespmem:$0x1A00] =	vst v63  }
0xfd: {  	s10 =	simm.s32 $0x1700;
	s9 =	sadd.s32 s17, s5;
	[smem:$0x7EC] =	sst s15  }
0xfe: {  	[hbm4b:s9+s2] =	stream.linear.scatter [tilespmem:s10], [sflag:$0x5], $0x80, $0x38;
	[tilespmem:$0x1A00] =	vst v63  }
0xff: {  	s16 =	simm.s32 $0x1780;
	s24 =	simm.s32 $0x1900;
	[smem:$0x7EB] =	sst s9  }
0x100: {  	[hbm4b:s15+s2] =	stream.linear.scatter [tilespmem:s16], [sflag:$0x5], $0x80, $0x38;
	[tilespmem:$0x1A00] =	vst v63  }
0x101: {  	s18 =	sadd.s32 s17, s13;
	s19 =	simm.s32 $0x1800;
	s30 =	sld [smem:$0x7F2]  }
0x102: {  	[hbm4b:s18+s2] =	stream.linear.scatter [tilespmem:s19], [sflag:$0x5], $0x80, $0x38;
	[tilespmem:$0x1A00] =	vst v63  }
0x103: {  	[smem:$0x7ED] =	sst s18;
	s20 =	sadd.s32 s17, s7;
	s21 =	simm.s32 $0x1880  }
0x104: {  	[hbm4b:s20+s2] =	stream.linear.scatter [tilespmem:s21], [sflag:$0x5], $0x80, $0x38;
	[tilespmem:$0x1A00] =	vst v63  }
0x105: {  	[smem:$0x7EE] =	sst s20;
	s22 =	sadd.s32 s17, s12;
	p1 =	sne.s32 s30, $0x1  }
0x106: {  	[hbm4b:s22+s2] =	stream.linear.scatter [tilespmem:s24], [sflag:$0x5], $0x80, $0x38;
	[tilespmem:$0x1A00] =	vst v63  }
.Ltmp1:
0x107: {  	s28 =	sadd.s32 s17, s6;
	[smem:$0x7EF] =	sst s22;
	(pc) =	sbr.rel @!p1 .LBB2_6-.Ltmp1, $4  }
0x108: {  	[smem:$0x7F1] =	sst s28;
	s29 =	simm.s32 $0x1980;
	s31 =	simm.s32 $0x5  }
0x109: {  	[hbm4b:s28+s2] =	stream.linear.scatter [tilespmem:s29], [sflag:$0x5], $0x80, $0x38;
	[tilespmem:$0x1A00] =	vst v63  }
0x10a: {  	p0 =	por $0x1, $0x1;
	_ =	swait.ge [sflag:s31], $0x1800  }
0x10b: {  	s0 =	simm.s32 $0x5;
	s16 =	sadd.s32 $0xFFFFFFFF, s30;
	[sflag:s31] =	ssyncset.done $0x0  }
0x10c: {  	s22 =	simm.s32 $0x1;
	s6 =	simm.s32 $0x200  }
0x10d: {  	s8 =	simm.s32 $0x280;
	s7 =	simm.s32 $0x300;
	s10 =	simm.s32 $0x380  }
0x10e: {  	s9 =	simm.s32 $0x400;
	s24 =	simm.s32 $0x480;
	s12 =	simm.s32 $0x600  }
0x10f: {  	s13 =	simm.s32 $0x700;
	s28 =	simm.s32 $0x2;
	s29 =	simm.s32 $0x3  }
.LBB2_3:
0x110: {  	s17 =	rddreg [dreg:$0x3];
	[sflag:s0] =	ssyncadd.s32 $0xFFFFE800  }
0x111: {  	[tilespmem:s2], [sflag:$0x1] =	stream.linear.gather [hbm4b:s17+s2], $0x80, $0x38;
	[tilespmem:$0x1A00] =	vst v63  }
0x112: {  	s3 =	rddreg [dreg:$0x4]  }
0x113: {  	[tilespmem:s14], [sflag:$0x2] =	stream.linear.gather [hbm4b:s3+s2], $0x80, $0x38;
	[tilespmem:$0x1A00] =	vst v63  }
0x114: {  	s5 =	rddreg [dreg:$0x5]  }
0x115: {  	[tilespmem:s4], [sflag:$0x3] =	stream.linear.gather [hbm4b:s5+s2], $0x80, $0x38;
	[tilespmem:$0x1A00] =	vst v63  }
0x116: {  	s15 =	rddreg [dreg:$0x6]  }
0x117: {  	[tilespmem:s11], [sflag:$0x4] =	stream.linear.gather [hbm4b:s15+s2], $0x80, $0x38;
	[tilespmem:$0x1A00] =	vst v63  }
0x118: {  	_ =	swait.ge [sflag:s22], $0x80  }
0x119: {  	[sflag:s22] =	ssyncset.done $0x0  }
0x11a: {  	s30 =	rddreg [dreg:$0x13];
	[sflag:s22] =	ssyncadd.s32 $0xFFFFFF80  }
0x11b: {  	[tilespmem:s6], [sflag:$0x1] =	stream.indirect.gather [hbm4b:s30+s14], $0x1, s2, s14, $0xb8;
	[tilespmem:$0x1A00] =	vst v63  }
0x11c: {  	s0 =	rddreg [dreg:$0xb]  }
0x11d: {  	[tilespmem:s8], [sflag:$0x1] =	stream.indirect.gather [hbm4b:s0+s14], $0x1, s2, s14, $0xb8;
	[tilespmem:$0x1A00] =	vst v63  }
0x11e: {  	s5 =	rddreg [dreg:$0xc]  }
0x11f: {  	[tilespmem:s7], [sflag:$0x1] =	stream.indirect.gather [hbm4b:s5+s14], $0x1, s2, s14, $0xb8;
	[tilespmem:$0x1A00] =	vst v63  }
0x120: {  	_ = 	snop  }
0x121: {  	[tilespmem:s10], [sflag:$0x1] =	stream.indirect.gather [hbm4b:s23+s14], $0x1, s2, s14, $0xb8;
	[tilespmem:$0x1A00] =	vst v63  }
0x122: {  	_ = 	snop  }
0x123: {  	[tilespmem:s9], [sflag:$0x1] =	stream.indirect.gather [hbm4b:s25+s14], $0x1, s2, s14, $0xb8;
	[tilespmem:$0x1A00] =	vst v63  }
0x124: {  	_ = 	snop  }
0x125: {  	[tilespmem:s24], [sflag:$0x1] =	stream.indirect.gather [hbm4b:s26+s14], $0x1, s2, s14, $0xb8;
	[tilespmem:$0x1A00] =	vst v63  }
0x126: {  	s17 =	simm.s32 $0x500;
	s19 =	rddreg [dreg:$0xd]  }
0x127: {  	[tilespmem:s17], [sflag:$0x1] =	stream.indirect.gather [hbm4b:s19+s14], $0x1, s2, s14, $0xb8;
	[tilespmem:$0x1A00] =	vst v63  }
0x128: {  	s1 =	simm.s32 $0x580;
	s15 =	rddreg [dreg:$0xf]  }
0x129: {  	[tilespmem:s1], [sflag:$0x1] =	stream.indirect.gather [hbm4b:s15+s14], $0x1, s2, s14, $0xb8;
	[tilespmem:$0x1A00] =	vst v63  }
0x12a: {  	s1 =	rddreg [dreg:$0xe]  }
0x12b: {  	[tilespmem:s12], [sflag:$0x1] =	stream.indirect.gather [hbm4b:s1+s14], $0x1, s2, s14, $0xb8;
	[tilespmem:$0x1A00] =	vst v63  }
0x12c: {  	s3 =	simm.s32 $0x680;
	s31 =	rddreg [dreg:$0x10]  }
0x12d: {  	[tilespmem:s3], [sflag:$0x1] =	stream.indirect.gather [hbm4b:s31+s14], $0x1, s2, s14, $0xb8;
	[tilespmem:$0x1A00] =	vst v63  }
0x12e: {  	s20 =	rddreg [dreg:$0x11]  }
0x12f: {  	[tilespmem:s13], [sflag:$0x1] =	stream.indirect.gather [hbm4b:s20+s14], $0x1, s2, s14, $0xb8;
	[tilespmem:$0x1A00] =	vst v63  }
0x130: {  	s18 =	simm.s32 $0x780;
	s21 =	rddreg [dreg:$0x12]  }
0x131: {  	[tilespmem:s18], [sflag:$0x1] =	stream.indirect.gather [hbm4b:s21+s14], $0x1, s2, s14, $0xb8;
	[tilespmem:$0x1A00] =	vst v63  }
0x132: {  	_ =	swait.ge [sflag:s28], $0x80  }
0x133: {  	[sflag:s28] =	ssyncset.done $0x0  }
0x134: {  	s18 =	simm.s32 $0x800;
	[sflag:s28] =	ssyncadd.s32 $0xFFFFFF80  }
0x135: {  	[tilespmem:s18], [sflag:$0x2] =	stream.indirect.gather [hbm4b:s30+s14], $0x1, s14, s14, $0xb8;
	[tilespmem:$0x1A00] =	vst v63  }
0x136: {  	s18 =	simm.s32 $0x880  }
0x137: {  	[tilespmem:s18], [sflag:$0x2] =	stream.indirect.gather [hbm4b:s0+s14], $0x1, s14, s14, $0xb8;
	[tilespmem:$0x1A00] =	vst v63  }
0x138: {  	s18 =	simm.s32 $0x900  }
0x139: {  	[tilespmem:s18], [sflag:$0x2] =	stream.indirect.gather [hbm4b:s5+s14], $0x1, s14, s14, $0xb8;
	[tilespmem:$0x1A00] =	vst v63  }
0x13a: {  	s18 =	simm.s32 $0x980  }
0x13b: {  	[tilespmem:s18], [sflag:$0x2] =	stream.indirect.gather [hbm4b:s23+s14], $0x1, s14, s14, $0xb8;
	[tilespmem:$0x1A00] =	vst v63  }
0x13c: {  	s18 =	simm.s32 $0xA00  }
0x13d: {  	[tilespmem:s18], [sflag:$0x2] =	stream.indirect.gather [hbm4b:s25+s14], $0x1, s14, s14, $0xb8;
	[tilespmem:$0x1A00] =	vst v63  }
0x13e: {  	s18 =	simm.s32 $0xA80  }
0x13f: {  	[tilespmem:s18], [sflag:$0x2] =	stream.indirect.gather [hbm4b:s26+s14], $0x1, s14, s14, $0xb8;
	[tilespmem:$0x1A00] =	vst v63  }
0x140: {  	s18 =	simm.s32 $0xB00  }
0x141: {  	[tilespmem:s18], [sflag:$0x2] =	stream.indirect.gather [hbm4b:s19+s14], $0x1, s14, s14, $0xb8;
	[tilespmem:$0x1A00] =	vst v63  }
0x142: {  	s18 =	simm.s32 $0xB80  }
0x143: {  	[tilespmem:s18], [sflag:$0x2] =	stream.indirect.gather [hbm4b:s15+s14], $0x1, s14, s14, $0xb8;
	[tilespmem:$0x1A00] =	vst v63  }
0x144: {  	s18 =	simm.s32 $0xC00  }
0x145: {  	[tilespmem:s18], [sflag:$0x2] =	stream.indirect.gather [hbm4b:s1+s14], $0x1, s14, s14, $0xb8;
	[tilespmem:$0x1A00] =	vst v63  }
0x146: {  	s18 =	simm.s32 $0xC80  }
0x147: {  	[tilespmem:s18], [sflag:$0x2] =	stream.indirect.gather [hbm4b:s31+s14], $0x1, s14, s14, $0xb8;
	[tilespmem:$0x1A00] =	vst v63  }
0x148: {  	s18 =	simm.s32 $0xD00  }
0x149: {  	[tilespmem:s18], [sflag:$0x2] =	stream.indirect.gather [hbm4b:s20+s14], $0x1, s14, s14, $0xb8;
	[tilespmem:$0x1A00] =	vst v63  }
0x14a: {  	s18 =	simm.s32 $0xD80  }
0x14b: {  	[tilespmem:s18], [sflag:$0x2] =	stream.indirect.gather [hbm4b:s21+s14], $0x1, s14, s14, $0xb8;
	[tilespmem:$0x1A00] =	vst v63  }
0x14c: {  	_ =	swait.ge [sflag:s29], $0x80  }
0x14d: {  	[sflag:s29] =	ssyncset.done $0x0  }
0x14e: {  	s18 =	simm.s32 $0xE00;
	[sflag:s29] =	ssyncadd.s32 $0xFFFFFF80  }
0x14f: {  	[tilespmem:s18], [sflag:$0x3] =	stream.indirect.gather [hbm4b:s30+s14], $0x1, s4, s14, $0xb8;
	[tilespmem:$0x1A00] =	vst v63  }
0x150: {  	s18 =	simm.s32 $0xE80  }
0x151: {  	[tilespmem:s18], [sflag:$0x3] =	stream.indirect.gather [hbm4b:s0+s14], $0x1, s4, s14, $0xb8;
	[tilespmem:$0x1A00] =	vst v63  }
0x152: {  	s18 =	simm.s32 $0xF00  }
0x153: {  	[tilespmem:s18], [sflag:$0x3] =	stream.indirect.gather [hbm4b:s5+s14], $0x1, s4, s14, $0xb8;
	[tilespmem:$0x1A00] =	vst v63  }
0x154: {  	s18 =	simm.s32 $0xF80  }
0x155: {  	[tilespmem:s18], [sflag:$0x3] =	stream.indirect.gather [hbm4b:s23+s14], $0x1, s4, s14, $0xb8;
	[tilespmem:$0x1A00] =	vst v63  }
0x156: {  	s18 =	simm.s32 $0x1000  }
0x157: {  	[tilespmem:s18], [sflag:$0x3] =	stream.indirect.gather [hbm4b:s25+s14], $0x1, s4, s14, $0xb8;
	[tilespmem:$0x1A00] =	vst v63  }
0x158: {  	s18 =	simm.s32 $0x1080  }
0x159: {  	[tilespmem:s18], [sflag:$0x3] =	stream.indirect.gather [hbm4b:s26+s14], $0x1, s4, s14, $0xb8;
	[tilespmem:$0x1A00] =	vst v63  }
0x15a: {  	s18 =	simm.s32 $0x1100  }
0x15b: {  	[tilespmem:s18], [sflag:$0x3] =	stream.indirect.gather [hbm4b:s19+s14], $0x1, s4, s14, $0xb8;
	[tilespmem:$0x1A00] =	vst v63  }
0x15c: {  	s18 =	simm.s32 $0x1180  }
0x15d: {  	[tilespmem:s18], [sflag:$0x3] =	stream.indirect.gather [hbm4b:s15+s14], $0x1, s4, s14, $0xb8;
	[tilespmem:$0x1A00] =	vst v63  }
0x15e: {  	s18 =	simm.s32 $0x1200  }
0x15f: {  	[tilespmem:s18], [sflag:$0x3] =	stream.indirect.gather [hbm4b:s1+s14], $0x1, s4, s14, $0xb8;
	[tilespmem:$0x1A00] =	vst v63  }
0x160: {  	s18 =	simm.s32 $0x1280  }
0x161: {  	[tilespmem:s18], [sflag:$0x3] =	stream.indirect.gather [hbm4b:s31+s14], $0x1, s4, s14, $0xb8;
	[tilespmem:$0x1A00] =	vst v63  }
0x162: {  	s18 =	simm.s32 $0x1300  }
0x163: {  	[tilespmem:s18], [sflag:$0x3] =	stream.indirect.gather [hbm4b:s20+s14], $0x1, s4, s14, $0xb8;
	[tilespmem:$0x1A00] =	vst v63  }
0x164: {  	s3 =	simm.s32 $0x4;
	s18 =	simm.s32 $0x1380  }
0x165: {  	[tilespmem:s18], [sflag:$0x3] =	stream.indirect.gather [hbm4b:s21+s14], $0x1, s4, s14, $0xb8;
	[tilespmem:$0x1A00] =	vst v63  }
0x166: {  	_ =	swait.ge [sflag:s3], $0x80  }
0x167: {  	[sflag:s3] =	ssyncset.done $0x0  }
0x168: {  	s18 =	simm.s32 $0x1400;
	[sflag:s3] =	ssyncadd.s32 $0xFFFFFF80  }
0x169: {  	[tilespmem:s18], [sflag:$0x4] =	stream.indirect.gather [hbm4b:s30+s14], $0x1, s11, s14, $0xb8;
	[tilespmem:$0x1A00] =	vst v63  }
0x16a: {  	s30 =	simm.s32 $0x1480  }
0x16b: {  	[tilespmem:s30], [sflag:$0x4] =	stream.indirect.gather [hbm4b:s0+s14], $0x1, s11, s14, $0xb8;
	[tilespmem:$0x1A00] =	vst v63  }
0x16c: {  	s18 =	simm.s32 $0x1500  }
0x16d: {  	[tilespmem:s18], [sflag:$0x4] =	stream.indirect.gather [hbm4b:s5+s14], $0x1, s11, s14, $0xb8;
	[tilespmem:$0x1A00] =	vst v63  }
0x16e: {  	s18 =	simm.s32 $0x1580  }
0x16f: {  	[tilespmem:s18], [sflag:$0x4] =	stream.indirect.gather [hbm4b:s23+s14], $0x1, s11, s14, $0xb8;
	[tilespmem:$0x1A00] =	vst v63  }
0x170: {  	s5 =	simm.s32 $0x1600  }
0x171: {  	[tilespmem:s5], [sflag:$0x4] =	stream.indirect.gather [hbm4b:s25+s14], $0x1, s11, s14, $0xb8;
	[tilespmem:$0x1A00] =	vst v63  }
0x172: {  	s18 =	simm.s32 $0x1680  }
0x173: {  	[tilespmem:s18], [sflag:$0x4] =	stream.indirect.gather [hbm4b:s26+s14], $0x1, s11, s14, $0xb8;
	[tilespmem:$0x1A00] =	vst v63  }
0x174: {  	s5 =	simm.s32 $0x1700  }
0x175: {  	[tilespmem:s5], [sflag:$0x4] =	stream.indirect.gather [hbm4b:s19+s14], $0x1, s11, s14, $0xb8;
	[tilespmem:$0x1A00] =	vst v63  }
0x176: {  	s18 =	simm.s32 $0x1780  }
0x177: {  	[tilespmem:s18], [sflag:$0x4] =	stream.indirect.gather [hbm4b:s15+s14], $0x1, s11, s14, $0xb8;
	[tilespmem:$0x1A00] =	vst v63  }
0x178: {  	s19 =	simm.s32 $0x1800  }
0x179: {  	[tilespmem:s19], [sflag:$0x4] =	stream.indirect.gather [hbm4b:s1+s14], $0x1, s11, s14, $0xb8;
	[tilespmem:$0x1A00] =	vst v63  }
0x17a: {  	s19 =	simm.s32 $0x1880  }
0x17b: {  	[tilespmem:s19], [sflag:$0x4] =	stream.indirect.gather [hbm4b:s31+s14], $0x1, s11, s14, $0xb8;
	[tilespmem:$0x1A00] =	vst v63  }
0x17c: {  	s5 =	simm.s32 $0x1900  }
0x17d: {  	[tilespmem:s5], [sflag:$0x4] =	stream.indirect.gather [hbm4b:s20+s14], $0x1, s11, s14, $0xb8;
	[tilespmem:$0x1A00] =	vst v63  }
0x17e: {  	s15 =	simm.s32 $0x1980  }
0x17f: {  	[tilespmem:s15], [sflag:$0x4] =	stream.indirect.gather [hbm4b:s21+s14], $0x1, s11, s14, $0xb8;
	[tilespmem:$0x1A00] =	vst v63  }
0x180: {  	_ =	swait.ge [sflag:s22], $0x600  }
0x181: {  	[sflag:s22] =	ssyncset.done $0x0  }
0x182: {  	s21 =	rddreg [dreg:$0x7];
	[sflag:s22] =	ssyncadd.s32 $0xFFFFFA00  }
0x183: {  	[hbm4b:s21+s2] =	stream.linear.scatter [tilespmem:s6], [sflag:$0x5], $0x80, $0x38;
	[tilespmem:$0x1A00] =	vst v63  }
0x184: {  	s31 =	rddreg [dreg:$0x14]  }
0x185: {  	[hbm4b:s31+s2] =	stream.linear.scatter [tilespmem:s8], [sflag:$0x5], $0x80, $0x38;
	[tilespmem:$0x1A00] =	vst v63  }
0x186: {  	s1 =	rddreg [dreg:$0x15]  }
0x187: {  	[hbm4b:s1+s2] =	stream.linear.scatter [tilespmem:s7], [sflag:$0x5], $0x80, $0x38;
	[tilespmem:$0x1A00] =	vst v63  }
0x188: {  	s20 =	rddreg [dreg:$0x16]  }
0x189: {  	[hbm4b:s20+s2] =	stream.linear.scatter [tilespmem:s10], [sflag:$0x5], $0x80, $0x38;
	[tilespmem:$0x1A00] =	vst v63  }
0x18a: {  	s21 =	rddreg [dreg:$0x17]  }
0x18b: {  	[hbm4b:s21+s2] =	stream.linear.scatter [tilespmem:s9], [sflag:$0x5], $0x80, $0x38;
	[tilespmem:$0x1A00] =	vst v63  }
0x18c: {  	s31 =	rddreg [dreg:$0x18]  }
0x18d: {  	[hbm4b:s31+s2] =	stream.linear.scatter [tilespmem:s24], [sflag:$0x5], $0x80, $0x38;
	[tilespmem:$0x1A00] =	vst v63  }
0x18e: {  	s1 =	rddreg [dreg:$0x19]  }
0x18f: {  	[hbm4b:s1+s2] =	stream.linear.scatter [tilespmem:s17], [sflag:$0x5], $0x80, $0x38;
	[tilespmem:$0x1A00] =	vst v63  }
0x190: {  	s20 =	rddreg [dreg:$0x1a];
	s21 =	simm.s32 $0x580  }
0x191: {  	[hbm4b:s20+s2] =	stream.linear.scatter [tilespmem:s21], [sflag:$0x5], $0x80, $0x38;
	[tilespmem:$0x1A00] =	vst v63  }
0x192: {  	s31 =	rddreg [dreg:$0x1b]  }
0x193: {  	[hbm4b:s31+s2] =	stream.linear.scatter [tilespmem:s12], [sflag:$0x5], $0x80, $0x38;
	[tilespmem:$0x1A00] =	vst v63  }
0x194: {  	s1 =	rddreg [dreg:$0x1c];
	s17 =	simm.s32 $0x680  }
0x195: {  	[hbm4b:s1+s2] =	stream.linear.scatter [tilespmem:s17], [sflag:$0x5], $0x80, $0x38;
	[tilespmem:$0x1A00] =	vst v63  }
0x196: {  	s20 =	rddreg [dreg:$0x1d]  }
0x197: {  	[hbm4b:s20+s2] =	stream.linear.scatter [tilespmem:s13], [sflag:$0x5], $0x80, $0x38;
	[tilespmem:$0x1A00] =	vst v63  }
0x198: {  	s21 =	rddreg [dreg:$0x1e];
	s31 =	simm.s32 $0x780  }
0x199: {  	[hbm4b:s21+s2] =	stream.linear.scatter [tilespmem:s31], [sflag:$0x5], $0x80, $0x38;
	[tilespmem:$0x1A00] =	vst v63  }
0x19a: {  	_ =	swait.ge [sflag:s28], $0x600  }
0x19b: {  	s17 =	rddreg [dreg:$0x8];
	[sflag:s28] =	ssyncset.done $0x0  }
0x19c: {  	s20 =	simm.s32 $0x800;
	s21 =	rddreg [dreg:$0x1f];
	[sflag:s28] =	ssyncadd.s32 $0xFFFFFA00  }
0x19d: {  	[hbm4b:s17+s2] =	stream.linear.scatter [tilespmem:s20], [sflag:$0x5], $0x80, $0x38;
	[tilespmem:$0x1A00] =	vst v63  }
0x19e: {  	s31 =	simm.s32 $0x880;
	s17 =	sld [smem:$0x7CF]  }
0x19f: {  	[hbm4b:s21+s2] =	stream.linear.scatter [tilespmem:s31], [sflag:$0x5], $0x80, $0x38;
	[tilespmem:$0x1A00] =	vst v63  }
0x1a0: {  	s20 =	simm.s32 $0x900;
	s21 =	sld [smem:$0x7D0]  }
0x1a1: {  	[hbm4b:s17+s2] =	stream.linear.scatter [tilespmem:s20], [sflag:$0x5], $0x80, $0x38;
	[tilespmem:$0x1A00] =	vst v63  }
0x1a2: {  	s31 =	simm.s32 $0x980;
	s17 =	sld [smem:$0x7D1]  }
0x1a3: {  	[hbm4b:s21+s2] =	stream.linear.scatter [tilespmem:s31], [sflag:$0x5], $0x80, $0x38;
	[tilespmem:$0x1A00] =	vst v63  }
0x1a4: {  	s20 =	simm.s32 $0xA00;
	s21 =	sld [smem:$0x7D2]  }
0x1a5: {  	[hbm4b:s17+s2] =	stream.linear.scatter [tilespmem:s20], [sflag:$0x5], $0x80, $0x38;
	[tilespmem:$0x1A00] =	vst v63  }
0x1a6: {  	s31 =	simm.s32 $0xA80;
	s17 =	sld [smem:$0x7D3]  }
0x1a7: {  	[hbm4b:s21+s2] =	stream.linear.scatter [tilespmem:s31], [sflag:$0x5], $0x80, $0x38;
	[tilespmem:$0x1A00] =	vst v63  }
0x1a8: {  	s20 =	simm.s32 $0xB00;
	s21 =	sld [smem:$0x7D4]  }
0x1a9: {  	[hbm4b:s17+s2] =	stream.linear.scatter [tilespmem:s20], [sflag:$0x5], $0x80, $0x38;
	[tilespmem:$0x1A00] =	vst v63  }
0x1aa: {  	s31 =	simm.s32 $0xB80;
	s17 =	sld [smem:$0x7D5]  }
0x1ab: {  	[hbm4b:s21+s2] =	stream.linear.scatter [tilespmem:s31], [sflag:$0x5], $0x80, $0x38;
	[tilespmem:$0x1A00] =	vst v63  }
0x1ac: {  	s20 =	simm.s32 $0xC00;
	s21 =	sld [smem:$0x7D6]  }
0x1ad: {  	[hbm4b:s17+s2] =	stream.linear.scatter [tilespmem:s20], [sflag:$0x5], $0x80, $0x38;
	[tilespmem:$0x1A00] =	vst v63  }
0x1ae: {  	s31 =	simm.s32 $0xC80;
	s17 =	sld [smem:$0x7D7]  }
0x1af: {  	[hbm4b:s21+s2] =	stream.linear.scatter [tilespmem:s31], [sflag:$0x5], $0x80, $0x38;
	[tilespmem:$0x1A00] =	vst v63  }
0x1b0: {  	s20 =	simm.s32 $0xD00;
	s21 =	sld [smem:$0x7D9]  }
0x1b1: {  	[hbm4b:s17+s2] =	stream.linear.scatter [tilespmem:s20], [sflag:$0x5], $0x80, $0x38;
	[tilespmem:$0x1A00] =	vst v63  }
0x1b2: {  	s31 =	simm.s32 $0xD80  }
0x1b3: {  	[hbm4b:s21+s2] =	stream.linear.scatter [tilespmem:s31], [sflag:$0x5], $0x80, $0x38;
	[tilespmem:$0x1A00] =	vst v63  }
0x1b4: {  	_ =	swait.ge [sflag:s29], $0x600  }
0x1b5: {  	s17 =	rddreg [dreg:$0x9];
	[sflag:s29] =	ssyncset.done $0x0  }
0x1b6: {  	s20 =	simm.s32 $0xE00;
	s21 =	sld [smem:$0x7DA];
	[sflag:s29] =	ssyncadd.s32 $0xFFFFFA00  }
0x1b7: {  	[hbm4b:s17+s2] =	stream.linear.scatter [tilespmem:s20], [sflag:$0x5], $0x80, $0x38;
	[tilespmem:$0x1A00] =	vst v63  }
0x1b8: {  	s31 =	simm.s32 $0xE80;
	s17 =	sld [smem:$0x7DB]  }
0x1b9: {  	[hbm4b:s21+s2] =	stream.linear.scatter [tilespmem:s31], [sflag:$0x5], $0x80, $0x38;
	[tilespmem:$0x1A00] =	vst v63  }
0x1ba: {  	s20 =	simm.s32 $0xF00;
	s21 =	sld [smem:$0x7DC]  }
0x1bb: {  	[hbm4b:s17+s2] =	stream.linear.scatter [tilespmem:s20], [sflag:$0x5], $0x80, $0x38;
	[tilespmem:$0x1A00] =	vst v63  }
0x1bc: {  	s31 =	simm.s32 $0xF80;
	s17 =	sld [smem:$0x7DD]  }
0x1bd: {  	[hbm4b:s21+s2] =	stream.linear.scatter [tilespmem:s31], [sflag:$0x5], $0x80, $0x38;
	[tilespmem:$0x1A00] =	vst v63  }
0x1be: {  	s20 =	simm.s32 $0x1000;
	s21 =	sld [smem:$0x7DE]  }
0x1bf: {  	[hbm4b:s17+s2] =	stream.linear.scatter [tilespmem:s20], [sflag:$0x5], $0x80, $0x38;
	[tilespmem:$0x1A00] =	vst v63  }
0x1c0: {  	s31 =	simm.s32 $0x1080;
	s17 =	sld [smem:$0x7DF]  }
0x1c1: {  	[hbm4b:s21+s2] =	stream.linear.scatter [tilespmem:s31], [sflag:$0x5], $0x80, $0x38;
	[tilespmem:$0x1A00] =	vst v63  }
0x1c2: {  	s20 =	simm.s32 $0x1100;
	s21 =	sld [smem:$0x7E0]  }
0x1c3: {  	[hbm4b:s17+s2] =	stream.linear.scatter [tilespmem:s20], [sflag:$0x5], $0x80, $0x38;
	[tilespmem:$0x1A00] =	vst v63  }
0x1c4: {  	s31 =	simm.s32 $0x1180;
	s17 =	sld [smem:$0x7E1]  }
0x1c5: {  	[hbm4b:s21+s2] =	stream.linear.scatter [tilespmem:s31], [sflag:$0x5], $0x80, $0x38;
	[tilespmem:$0x1A00] =	vst v63  }
0x1c6: {  	s20 =	simm.s32 $0x1200;
	s21 =	sld [smem:$0x7E2]  }
0x1c7: {  	[hbm4b:s17+s2] =	stream.linear.scatter [tilespmem:s20], [sflag:$0x5], $0x80, $0x38;
	[tilespmem:$0x1A00] =	vst v63  }
0x1c8: {  	s31 =	simm.s32 $0x1280;
	s17 =	sld [smem:$0x7E3]  }
0x1c9: {  	[hbm4b:s21+s2] =	stream.linear.scatter [tilespmem:s31], [sflag:$0x5], $0x80, $0x38;
	[tilespmem:$0x1A00] =	vst v63  }
0x1ca: {  	s20 =	simm.s32 $0x1300;
	s21 =	sld [smem:$0x7E5]  }
0x1cb: {  	[hbm4b:s17+s2] =	stream.linear.scatter [tilespmem:s20], [sflag:$0x5], $0x80, $0x38;
	[tilespmem:$0x1A00] =	vst v63  }
0x1cc: {  	s31 =	simm.s32 $0x1380  }
0x1cd: {  	[hbm4b:s21+s2] =	stream.linear.scatter [tilespmem:s31], [sflag:$0x5], $0x80, $0x38;
	[tilespmem:$0x1A00] =	vst v63  }
0x1ce: {  	_ =	swait.ge [sflag:s3], $0x600  }
0x1cf: {  	s1 =	rddreg [dreg:$0xa];
	[sflag:s3] =	ssyncset.done $0x0  }
0x1d0: {  	s17 =	sld [smem:$0x7E6];
	[sflag:s3] =	ssyncadd.s32 $0xFFFFFA00;
	s3 =	simm.s32 $0x1400  }
0x1d1: {  	[hbm4b:s1+s2] =	stream.linear.scatter [tilespmem:s3], [sflag:$0x5], $0x80, $0x38;
	[tilespmem:$0x1A00] =	vst v63  }
0x1d2: {  	s20 =	sld [smem:$0x7E7]  }
0x1d3: {  	[hbm4b:s17+s2] =	stream.linear.scatter [tilespmem:s30], [sflag:$0x5], $0x80, $0x38;
	[tilespmem:$0x1A00] =	vst v63  }
0x1d4: {  	s21 =	simm.s32 $0x1500;
	s30 =	sld [smem:$0x7E8]  }
0x1d5: {  	[hbm4b:s20+s2] =	stream.linear.scatter [tilespmem:s21], [sflag:$0x5], $0x80, $0x38;
	[tilespmem:$0x1A00] =	vst v63  }
0x1d6: {  	s31 =	simm.s32 $0x1580;
	s3 =	sld [smem:$0x7E9]  }
0x1d7: {  	[hbm4b:s30+s2] =	stream.linear.scatter [tilespmem:s31], [sflag:$0x5], $0x80, $0x38;
	[tilespmem:$0x1A00] =	vst v63  }
0x1d8: {  	s17 =	simm.s32 $0x1600;
	s20 =	sld [smem:$0x7EA]  }
0x1d9: {  	[hbm4b:s3+s2] =	stream.linear.scatter [tilespmem:s17], [sflag:$0x5], $0x80, $0x38;
	[tilespmem:$0x1A00] =	vst v63  }
0x1da: {  	s21 =	simm.s32 $0x1680;
	s30 =	sld [smem:$0x7EB]  }
0x1db: {  	[hbm4b:s20+s2] =	stream.linear.scatter [tilespmem:s21], [sflag:$0x5], $0x80, $0x38;
	[tilespmem:$0x1A00] =	vst v63  }
0x1dc: {  	s31 =	simm.s32 $0x1700;
	s3 =	sld [smem:$0x7EC]  }
0x1dd: {  	[hbm4b:s30+s2] =	stream.linear.scatter [tilespmem:s31], [sflag:$0x5], $0x80, $0x38;
	[tilespmem:$0x1A00] =	vst v63  }
0x1de: {  	s17 =	simm.s32 $0x1780;
	s20 =	sld [smem:$0x7ED]  }
0x1df: {  	[hbm4b:s3+s2] =	stream.linear.scatter [tilespmem:s17], [sflag:$0x5], $0x80, $0x38;
	[tilespmem:$0x1A00] =	vst v63  }
0x1e0: {  	s18 =	simm.s32 $0x1800;
	s21 =	sld [smem:$0x7EE]  }
0x1e1: {  	[hbm4b:s20+s2] =	stream.linear.scatter [tilespmem:s18], [sflag:$0x5], $0x80, $0x38;
	[tilespmem:$0x1A00] =	vst v63  }
0x1e2: {  	s30 =	sld [smem:$0x7EF]  }
0x1e3: {  	[hbm4b:s21+s2] =	stream.linear.scatter [tilespmem:s19], [sflag:$0x5], $0x80, $0x38;
	[tilespmem:$0x1A00] =	vst v63  }
0x1e4: {  	p1 =	sne.s32 s16, $0x1;
	s31 =	sld [smem:$0x7F1]  }
0x1e5: {  	[hbm4b:s30+s2] =	stream.linear.scatter [tilespmem:s5], [sflag:$0x5], $0x80, $0x38;
	[tilespmem:$0x1A00] =	vst v63  }
.Ltmp2:
0x1e6: {  	_ = 	snop;
	(pc) =	sbr.rel @p1 .LBB2_3-.Ltmp2, $4  }
0x1e7: {  	s0 =	simm.s32 $0x5  }
0x1e8: {  	[hbm4b:s31+s2] =	stream.linear.scatter [tilespmem:s15], [sflag:$0x5], $0x80, $0x38;
	[tilespmem:$0x1A00] =	vst v63  }
0x1e9: {  	_ =	swait.ge [sflag:s0], $0x1800  }
0x1ea: {  	s16 =	sadd.s32 $0xFFFFFFFF, s16;
	[sflag:s0] =	ssyncset.done $0x0  }
0x1eb: {  	s17 =	sld [smem:$0x7F0]  }
0x1ec: {  	s9 =	sld [smem:$0x7E4]  }
0x1ed: {  	s8 =	sld [smem:$0x7D8]  }
0x1ee: {  	s18 =	sld [smem:$0x7CE]  }
0x1ef: {  	s19 =	rddreg [dreg:$0x13]  }
0x1f0: {  	s12 =	rddreg [dreg:$0xd]  }
0x1f1: {  	s7 =	rddreg [dreg:$0xf]  }
0x1f2: {  	s16 =	rddreg [dreg:$0xe]  }
0x1f3: {  	s5 =	simm.s32 $0x5;
	s6 =	rddreg [dreg:$0x10]  }
0x1f4: {  	s20 =	simm.s32 $0xF00;
	s21 =	simm.s32 $0x3;
	s13 =	rddreg [dreg:$0x11]  }
0x1f5: {  	s3 =	simm.s32 $0xE00;
	s24 =	rddreg [dreg:$0x12];
	s22 =	simm.s32 $0xD00  }
0x1f6: {  	s30 =	simm.s32 $0xB80;
	s28 =	simm.s32 $0x900;
	s10 =	simm.s32 $0x1  }
.LBB2_5:
0x1f7: {  	s0 =	rddreg [dreg:$0x3];
	[sflag:s5] =	ssyncadd.s32 @p0 $0xFFFFE800  }
0x1f8: {  	[tilespmem:s2], [sflag:$0x1] =	stream.linear.gather [hbm4b:s0+s2], $0x80, $0x38;
	[tilespmem:$0x1A00] =	vst v63  }
0x1f9: {  	s1 =	rddreg [dreg:$0x4]  }
0x1fa: {  	[tilespmem:s14], [sflag:$0x2] =	stream.linear.gather [hbm4b:s1+s2], $0x80, $0x38;
	[tilespmem:$0x1A00] =	vst v63  }
0x1fb: {  	s15 =	rddreg [dreg:$0x5]  }
0x1fc: {  	[tilespmem:s4], [sflag:$0x3] =	stream.linear.gather [hbm4b:s15+s2], $0x80, $0x38;
	[tilespmem:$0x1A00] =	vst v63  }
0x1fd: {  	s29 =	rddreg [dreg:$0x6]  }
0x1fe: {  	[tilespmem:s11], [sflag:$0x4] =	stream.linear.gather [hbm4b:s29+s2], $0x80, $0x38;
	[tilespmem:$0x1A00] =	vst v63  }
0x1ff: {  	_ =	swait.ge [sflag:s10], $0x80  }
0x200: {  	[sflag:s10] =	ssyncset.done $0x0  }
0x201: {  	s31 =	simm.s32 $0x200;
	[sflag:s10] =	ssyncadd.s32 $0xFFFFFF80  }
0x202: {  	[tilespmem:s31], [sflag:$0x1] =	stream.indirect.gather [hbm4b:s19+s14], $0x1, s2, s14, $0xb8;
	[tilespmem:$0x1A00] =	vst v63  }
0x203: {  	s1 =	simm.s32 $0x280;
	s0 =	rddreg [dreg:$0xb]  }
0x204: {  	[tilespmem:s1], [sflag:$0x1] =	stream.indirect.gather [hbm4b:s0+s14], $0x1, s2, s14, $0xb8;
	[tilespmem:$0x1A00] =	vst v63  }
0x205: {  	s5 =	simm.s32 $0x300;
	s10 =	rddreg [dreg:$0xc]  }
0x206: {  	[tilespmem:s5], [sflag:$0x1] =	stream.indirect.gather [hbm4b:s10+s14], $0x1, s2, s14, $0xb8;
	[tilespmem:$0x1A00] =	vst v63  }
0x207: {  	s5 =	simm.s32 $0x380  }
0x208: {  	[tilespmem:s5], [sflag:$0x1] =	stream.indirect.gather [hbm4b:s23+s14], $0x1, s2, s14, $0xb8;
	[tilespmem:$0x1A00] =	vst v63  }
0x209: {  	s31 =	simm.s32 $0x400  }
0x20a: {  	[tilespmem:s31], [sflag:$0x1] =	stream.indirect.gather [hbm4b:s25+s14], $0x1, s2, s14, $0xb8;
	[tilespmem:$0x1A00] =	vst v63  }
0x20b: {  	s5 =	simm.s32 $0x480  }
0x20c: {  	[tilespmem:s5], [sflag:$0x1] =	stream.indirect.gather [hbm4b:s26+s14], $0x1, s2, s14, $0xb8;
	[tilespmem:$0x1A00] =	vst v63  }
0x20d: {  	s1 =	simm.s32 $0x500  }
0x20e: {  	[tilespmem:s1], [sflag:$0x1] =	stream.indirect.gather [hbm4b:s12+s14], $0x1, s2, s14, $0xb8;
	[tilespmem:$0x1A00] =	vst v63  }
0x20f: {  	s31 =	simm.s32 $0x580  }
0x210: {  	[tilespmem:s31], [sflag:$0x1] =	stream.indirect.gather [hbm4b:s7+s14], $0x1, s2, s14, $0xb8;
	[tilespmem:$0x1A00] =	vst v63  }
0x211: {  	s29 =	simm.s32 $0x600  }
0x212: {  	[tilespmem:s29], [sflag:$0x1] =	stream.indirect.gather [hbm4b:s16+s14], $0x1, s2, s14, $0xb8;
	[tilespmem:$0x1A00] =	vst v63  }
0x213: {  	s5 =	simm.s32 $0x680  }
0x214: {  	[tilespmem:s5], [sflag:$0x1] =	stream.indirect.gather [hbm4b:s6+s14], $0x1, s2, s14, $0xb8;
	[tilespmem:$0x1A00] =	vst v63  }
0x215: {  	s29 =	simm.s32 $0x700  }
0x216: {  	[tilespmem:s29], [sflag:$0x1] =	stream.indirect.gather [hbm4b:s13+s14], $0x1, s2, s14, $0xb8;
	[tilespmem:$0x1A00] =	vst v63  }
0x217: {  	s15 =	simm.s32 $0x2;
	s31 =	simm.s32 $0x780  }
0x218: {  	[tilespmem:s31], [sflag:$0x1] =	stream.indirect.gather [hbm4b:s24+s14], $0x1, s2, s14, $0xb8;
	[tilespmem:$0x1A00] =	vst v63  }
0x219: {  	_ =	swait.ge [sflag:s15], $0x80  }
0x21a: {  	[sflag:s15] =	ssyncset.done $0x0  }
0x21b: {  	s1 =	simm.s32 $0x800;
	[sflag:s15] =	ssyncadd.s32 $0xFFFFFF80  }
0x21c: {  	[tilespmem:s1], [sflag:$0x2] =	stream.indirect.gather [hbm4b:s19+s14], $0x1, s14, s14, $0xb8;
	[tilespmem:$0x1A00] =	vst v63  }
0x21d: {  	s29 =	simm.s32 $0x880  }
0x21e: {  	[tilespmem:s29], [sflag:$0x2] =	stream.indirect.gather [hbm4b:s0+s14], $0x1, s14, s14, $0xb8;
	[tilespmem:$0x1A00] =	vst v63  }
0x21f: {  	_ = 	snop  }
0x220: {  	[tilespmem:s28], [sflag:$0x2] =	stream.indirect.gather [hbm4b:s10+s14], $0x1, s14, s14, $0xb8;
	[tilespmem:$0x1A00] =	vst v63  }
0x221: {  	s31 =	simm.s32 $0x980  }
0x222: {  	[tilespmem:s31], [sflag:$0x2] =	stream.indirect.gather [hbm4b:s23+s14], $0x1, s14, s14, $0xb8;
	[tilespmem:$0x1A00] =	vst v63  }
0x223: {  	s1 =	simm.s32 $0xA00  }
0x224: {  	[tilespmem:s1], [sflag:$0x2] =	stream.indirect.gather [hbm4b:s25+s14], $0x1, s14, s14, $0xb8;
	[tilespmem:$0x1A00] =	vst v63  }
0x225: {  	s5 =	simm.s32 $0xA80  }
0x226: {  	[tilespmem:s5], [sflag:$0x2] =	stream.indirect.gather [hbm4b:s26+s14], $0x1, s14, s14, $0xb8;
	[tilespmem:$0x1A00] =	vst v63  }
0x227: {  	s29 =	simm.s32 $0xB00  }
0x228: {  	[tilespmem:s29], [sflag:$0x2] =	stream.indirect.gather [hbm4b:s12+s14], $0x1, s14, s14, $0xb8;
	[tilespmem:$0x1A00] =	vst v63  }
0x229: {  	_ = 	snop  }
0x22a: {  	[tilespmem:s30], [sflag:$0x2] =	stream.indirect.gather [hbm4b:s7+s14], $0x1, s14, s14, $0xb8;
	[tilespmem:$0x1A00] =	vst v63  }
0x22b: {  	s30 =	simm.s32 $0xC00  }
0x22c: {  	[tilespmem:s30], [sflag:$0x2] =	stream.indirect.gather [hbm4b:s16+s14], $0x1, s14, s14, $0xb8;
	[tilespmem:$0x1A00] =	vst v63  }
0x22d: {  	s31 =	simm.s32 $0xC80  }
0x22e: {  	[tilespmem:s31], [sflag:$0x2] =	stream.indirect.gather [hbm4b:s6+s14], $0x1, s14, s14, $0xb8;
	[tilespmem:$0x1A00] =	vst v63  }
0x22f: {  	_ = 	snop  }
0x230: {  	[tilespmem:s22], [sflag:$0x2] =	stream.indirect.gather [hbm4b:s13+s14], $0x1, s14, s14, $0xb8;
	[tilespmem:$0x1A00] =	vst v63  }
0x231: {  	s1 =	simm.s32 $0xD80  }
0x232: {  	[tilespmem:s1], [sflag:$0x2] =	stream.indirect.gather [hbm4b:s24+s14], $0x1, s14, s14, $0xb8;
	[tilespmem:$0x1A00] =	vst v63  }
0x233: {  	_ =	swait.ge [sflag:s21], $0x80  }
0x234: {  	[sflag:s21] =	ssyncset.done $0x0  }
0x235: {  	[sflag:s21] =	ssyncadd.s32 $0xFFFFFF80  }
0x236: {  	[tilespmem:s3], [sflag:$0x3] =	stream.indirect.gather [hbm4b:s19+s14], $0x1, s4, s14, $0xb8;
	[tilespmem:$0x1A00] =	vst v63  }
0x237: {  	s21 =	simm.s32 $0xE80  }
0x238: {  	[tilespmem:s21], [sflag:$0x3] =	stream.indirect.gather [hbm4b:s0+s14], $0x1, s4, s14, $0xb8;
	[tilespmem:$0x1A00] =	vst v63  }
0x239: {  	_ = 	snop  }
0x23a: {  	[tilespmem:s20], [sflag:$0x3] =	stream.indirect.gather [hbm4b:s10+s14], $0x1, s4, s14, $0xb8;
	[tilespmem:$0x1A00] =	vst v63  }
0x23b: {  	s28 =	simm.s32 $0xF80  }
0x23c: {  	[tilespmem:s28], [sflag:$0x3] =	stream.indirect.gather [hbm4b:s23+s14], $0x1, s4, s14, $0xb8;
	[tilespmem:$0x1A00] =	vst v63  }
0x23d: {  	s3 =	simm.s32 $0x1000  }
0x23e: {  	[tilespmem:s3], [sflag:$0x3] =	stream.indirect.gather [hbm4b:s25+s14], $0x1, s4, s14, $0xb8;
	[tilespmem:$0x1A00] =	vst v63  }
0x23f: {  	s31 =	simm.s32 $0x1080  }
0x240: {  	[tilespmem:s31], [sflag:$0x3] =	stream.indirect.gather [hbm4b:s26+s14], $0x1, s4, s14, $0xb8;
	[tilespmem:$0x1A00] =	vst v63  }
0x241: {  	s5 =	simm.s32 $0x1100  }
0x242: {  	[tilespmem:s5], [sflag:$0x3] =	stream.indirect.gather [hbm4b:s12+s14], $0x1, s4, s14, $0xb8;
	[tilespmem:$0x1A00] =	vst v63  }
0x243: {  	s20 =	simm.s32 $0x1180  }
0x244: {  	[tilespmem:s20], [sflag:$0x3] =	stream.indirect.gather [hbm4b:s7+s14], $0x1, s4, s14, $0xb8;
	[tilespmem:$0x1A00] =	vst v63  }
0x245: {  	s22 =	simm.s32 $0x1200  }
0x246: {  	[tilespmem:s22], [sflag:$0x3] =	stream.indirect.gather [hbm4b:s16+s14], $0x1, s4, s14, $0xb8;
	[tilespmem:$0x1A00] =	vst v63  }
0x247: {  	s29 =	simm.s32 $0x1280  }
0x248: {  	[tilespmem:s29], [sflag:$0x3] =	stream.indirect.gather [hbm4b:s6+s14], $0x1, s4, s14, $0xb8;
	[tilespmem:$0x1A00] =	vst v63  }
0x249: {  	s30 =	simm.s32 $0x1300  }
0x24a: {  	[tilespmem:s30], [sflag:$0x3] =	stream.indirect.gather [hbm4b:s13+s14], $0x1, s4, s14, $0xb8;
	[tilespmem:$0x1A00] =	vst v63  }
0x24b: {  	s3 =	simm.s32 $0x1380;
	s20 =	simm.s32 $0x4  }
0x24c: {  	[tilespmem:s3], [sflag:$0x3] =	stream.indirect.gather [hbm4b:s24+s14], $0x1, s4, s14, $0xb8;
	[tilespmem:$0x1A00] =	vst v63  }
0x24d: {  	_ =	swait.ge [sflag:s20], $0x80  }
0x24e: {  	[sflag:s20] =	ssyncset.done $0x0  }
0x24f: {  	s5 =	simm.s32 $0x1400;
	[sflag:s20] =	ssyncadd.s32 $0xFFFFFF80  }
0x250: {  	[tilespmem:s5], [sflag:$0x4] =	stream.indirect.gather [hbm4b:s19+s14], $0x1, s11, s14, $0xb8;
	[tilespmem:$0x1A00] =	vst v63  }
0x251: {  	s22 =	simm.s32 $0x1480  }
0x252: {  	[tilespmem:s22], [sflag:$0x4] =	stream.indirect.gather [hbm4b:s0+s14], $0x1, s11, s14, $0xb8;
	[tilespmem:$0x1A00] =	vst v63  }
0x253: {  	s29 =	simm.s32 $0x1500  }
0x254: {  	[tilespmem:s29], [sflag:$0x4] =	stream.indirect.gather [hbm4b:s10+s14], $0x1, s11, s14, $0xb8;
	[tilespmem:$0x1A00] =	vst v63  }
0x255: {  	s30 =	simm.s32 $0x1580  }
0x256: {  	[tilespmem:s30], [sflag:$0x4] =	stream.indirect.gather [hbm4b:s23+s14], $0x1, s11, s14, $0xb8;
	[tilespmem:$0x1A00] =	vst v63  }
0x257: {  	s23 =	simm.s32 $0x1600  }
0x258: {  	[tilespmem:s23], [sflag:$0x4] =	stream.indirect.gather [hbm4b:s25+s14], $0x1, s11, s14, $0xb8;
	[tilespmem:$0x1A00] =	vst v63  }
0x259: {  	s3 =	smov.u32 s24;
	s24 =	simm.s32 $0x1680  }
0x25a: {  	[tilespmem:s24], [sflag:$0x4] =	stream.indirect.gather [hbm4b:s26+s14], $0x1, s11, s14, $0xb8;
	[tilespmem:$0x1A00] =	vst v63  }
0x25b: {  	s1 =	smov.u32 s12;
	s4 =	simm.s32 $0x1700  }
0x25c: {  	[tilespmem:s4], [sflag:$0x4] =	stream.indirect.gather [hbm4b:s1+s14], $0x1, s11, s14, $0xb8;
	[tilespmem:$0x1A00] =	vst v63  }
0x25d: {  	s5 =	simm.s32 $0x1780  }
0x25e: {  	[tilespmem:s5], [sflag:$0x4] =	stream.indirect.gather [hbm4b:s7+s14], $0x1, s11, s14, $0xb8;
	[tilespmem:$0x1A00] =	vst v63  }
0x25f: {  	s25 =	simm.s32 $0x1800  }
0x260: {  	[tilespmem:s25], [sflag:$0x4] =	stream.indirect.gather [hbm4b:s16+s14], $0x1, s11, s14, $0xb8;
	[tilespmem:$0x1A00] =	vst v63  }
0x261: {  	s26 =	simm.s32 $0x1880  }
0x262: {  	[tilespmem:s26], [sflag:$0x4] =	stream.indirect.gather [hbm4b:s6+s14], $0x1, s11, s14, $0xb8;
	[tilespmem:$0x1A00] =	vst v63  }
0x263: {  	s7 =	simm.s32 $0x1900  }
0x264: {  	[tilespmem:s7], [sflag:$0x4] =	stream.indirect.gather [hbm4b:s13+s14], $0x1, s11, s14, $0xb8;
	[tilespmem:$0x1A00] =	vst v63  }
0x265: {  	s22 =	simm.s32 $0x1;
	s13 =	simm.s32 $0x1980  }
0x266: {  	[tilespmem:s13], [sflag:$0x4] =	stream.indirect.gather [hbm4b:s3+s14], $0x1, s11, s14, $0xb8;
	[tilespmem:$0x1A00] =	vst v63  }
0x267: {  	_ =	swait.ge [sflag:s22], $0x600  }
0x268: {  	[sflag:s22] =	ssyncset.done $0x0  }
0x269: {  	s30 =	simm.s32 $0x200;
	s29 =	rddreg [dreg:$0x7];
	[sflag:s22] =	ssyncadd.s32 $0xFFFFFA00  }
0x26a: {  	[hbm4b:s29+s2] =	stream.linear.scatter [tilespmem:s30], [sflag:$0x5], $0x80, $0x38;
	[tilespmem:$0x1A00] =	vst v63  }
0x26b: {  	s29 =	sld [smem:$0x7F3];
	_ =	sdelay $0x1  }
0x26c: {  	s22 =	sld [smem:$0x7F4]  }
0x26d: {  	s4 =	simm.s32 $0x280;
	s1 =	sld [smem:$0x7F5];
	s3 =	sadd.s32 s18, s29  }
0x26e: {  	[hbm4b:s3+s2] =	stream.linear.scatter [tilespmem:s4], [sflag:$0x5], $0x80, $0x38;
	[tilespmem:$0x1A00] =	vst v63  }
0x26f: {  	s6 =	simm.s32 $0x300;
	s5 =	sadd.s32 s18, s22;
	s3 =	sld [smem:$0x7F6]  }
0x270: {  	[hbm4b:s5+s2] =	stream.linear.scatter [tilespmem:s6], [sflag:$0x5], $0x80, $0x38;
	[tilespmem:$0x1A00] =	vst v63  }
0x271: {  	s14 =	simm.s32 $0x380;
	s11 =	sadd.s32 s18, s1  }
0x272: {  	[hbm4b:s11+s2] =	stream.linear.scatter [tilespmem:s14], [sflag:$0x5], $0x80, $0x38;
	[tilespmem:$0x1A00] =	vst v63  }
0x273: {  	s30 =	simm.s32 $0x400;
	s16 =	sadd.s32 s18, s3  }
0x274: {  	[hbm4b:s16+s2] =	stream.linear.scatter [tilespmem:s30], [sflag:$0x5], $0x80, $0x38;
	[tilespmem:$0x1A00] =	vst v63  }
0x275: {  	s30 =	sld [smem:$0x7F7];
	_ =	sdelay $0x2  }
0x276: {  	s5 =	simm.s32 $0x480;
	s4 =	sadd.s32 s18, s30  }
0x277: {  	[hbm4b:s4+s2] =	stream.linear.scatter [tilespmem:s5], [sflag:$0x5], $0x80, $0x38;
	[tilespmem:$0x1A00] =	vst v63  }
0x278: {  	s4 =	sld [smem:$0x7F8];
	_ =	sdelay $0x1  }
0x279: {  	s5 =	sld [smem:$0x7F9]  }
0x27a: {  	s11 =	simm.s32 $0x500;
	s6 =	sadd.s32 s18, s4  }
0x27b: {  	[hbm4b:s6+s2] =	stream.linear.scatter [tilespmem:s11], [sflag:$0x5], $0x80, $0x38;
	[tilespmem:$0x1A00] =	vst v63  }
0x27c: {  	s16 =	simm.s32 $0x580;
	s14 =	sadd.s32 s18, s5  }
0x27d: {  	[hbm4b:s14+s2] =	stream.linear.scatter [tilespmem:s16], [sflag:$0x5], $0x80, $0x38;
	[tilespmem:$0x1A00] =	vst v63  }
0x27e: {  	s16 =	sld [smem:$0x7FA];
	_ =	sdelay $0x2  }
0x27f: {  	s14 =	simm.s32 $0x600;
	s11 =	sadd.s32 s18, s16  }
0x280: {  	[hbm4b:s11+s2] =	stream.linear.scatter [tilespmem:s14], [sflag:$0x5], $0x80, $0x38;
	[tilespmem:$0x1A00] =	vst v63  }
0x281: {  	s14 =	sld [smem:$0x7FB];
	_ =	sdelay $0x2  }
0x282: {  	s11 =	simm.s32 $0x680;
	s6 =	sadd.s32 s18, s14  }
0x283: {  	[hbm4b:s6+s2] =	stream.linear.scatter [tilespmem:s11], [sflag:$0x5], $0x80, $0x38;
	[tilespmem:$0x1A00] =	vst v63  }
0x284: {  	s11 =	sld [smem:$0x7FC];
	_ =	sdelay $0x2  }
0x285: {  	s6 =	simm.s32 $0x700;
	s0 =	sadd.s32 s18, s11  }
0x286: {  	[hbm4b:s0+s2] =	stream.linear.scatter [tilespmem:s6], [sflag:$0x5], $0x80, $0x38;
	[tilespmem:$0x1A00] =	vst v63  }
0x287: {  	s6 =	sld [smem:$0x7FD];
	_ =	sdelay $0x2  }
0x288: {  	s0 =	sadd.s32 s18, s6;
	s18 =	simm.s32 $0x780  }
0x289: {  	[hbm4b:s0+s2] =	stream.linear.scatter [tilespmem:s18], [sflag:$0x5], $0x80, $0x38;
	[tilespmem:$0x1A00] =	vst v63  }
0x28a: {  	_ =	swait.ge [sflag:s15], $0x600  }
0x28b: {  	[sflag:s15] =	ssyncset.done $0x0  }
0x28c: {  	s18 =	simm.s32 $0x800;
	s0 =	rddreg [dreg:$0x8];
	[sflag:s15] =	ssyncadd.s32 $0xFFFFFA00  }
0x28d: {  	[hbm4b:s0+s2] =	stream.linear.scatter [tilespmem:s18], [sflag:$0x5], $0x80, $0x38;
	[tilespmem:$0x1A00] =	vst v63  }
0x28e: {  	s15 =	sadd.s32 s8, s29;
	s18 =	simm.s32 $0x880  }
0x28f: {  	[hbm4b:s15+s2] =	stream.linear.scatter [tilespmem:s18], [sflag:$0x5], $0x80, $0x38;
	[tilespmem:$0x1A00] =	vst v63  }
0x290: {  	s12 =	simm.s32 $0x900;
	s18 =	sadd.s32 s8, s22  }
0x291: {  	[hbm4b:s18+s2] =	stream.linear.scatter [tilespmem:s12], [sflag:$0x5], $0x80, $0x38;
	[tilespmem:$0x1A00] =	vst v63  }
0x292: {  	s15 =	sadd.s32 s8, s1;
	s18 =	simm.s32 $0x980  }
0x293: {  	[hbm4b:s15+s2] =	stream.linear.scatter [tilespmem:s18], [sflag:$0x5], $0x80, $0x38;
	[tilespmem:$0x1A00] =	vst v63  }
0x294: {  	s15 =	sadd.s32 s8, s3;
	s18 =	simm.s32 $0xA00  }
0x295: {  	[hbm4b:s15+s2] =	stream.linear.scatter [tilespmem:s18], [sflag:$0x5], $0x80, $0x38;
	[tilespmem:$0x1A00] =	vst v63  }
0x296: {  	s15 =	sadd.s32 s8, s30;
	s18 =	simm.s32 $0xA80  }
0x297: {  	[hbm4b:s15+s2] =	stream.linear.scatter [tilespmem:s18], [sflag:$0x5], $0x80, $0x38;
	[tilespmem:$0x1A00] =	vst v63  }
0x298: {  	s12 =	sadd.s32 s8, s4;
	s15 =	simm.s32 $0xB00  }
0x299: {  	[hbm4b:s12+s2] =	stream.linear.scatter [tilespmem:s15], [sflag:$0x5], $0x80, $0x38;
	[tilespmem:$0x1A00] =	vst v63  }
0x29a: {  	s19 =	simm.s32 $0xB80;
	s18 =	sadd.s32 s8, s5  }
0x29b: {  	[hbm4b:s18+s2] =	stream.linear.scatter [tilespmem:s19], [sflag:$0x5], $0x80, $0x38;
	[tilespmem:$0x1A00] =	vst v63  }
0x29c: {  	s12 =	sadd.s32 s8, s16;
	s15 =	simm.s32 $0xC00  }
0x29d: {  	[hbm4b:s12+s2] =	stream.linear.scatter [tilespmem:s15], [sflag:$0x5], $0x80, $0x38;
	[tilespmem:$0x1A00] =	vst v63  }
0x29e: {  	s18 =	sadd.s32 s8, s14;
	s19 =	simm.s32 $0xC80  }
0x29f: {  	[hbm4b:s18+s2] =	stream.linear.scatter [tilespmem:s19], [sflag:$0x5], $0x80, $0x38;
	[tilespmem:$0x1A00] =	vst v63  }
0x2a0: {  	s12 =	sadd.s32 s8, s11;
	s15 =	simm.s32 $0xD00  }
0x2a1: {  	[hbm4b:s12+s2] =	stream.linear.scatter [tilespmem:s15], [sflag:$0x5], $0x80, $0x38;
	[tilespmem:$0x1A00] =	vst v63  }
0x2a2: {  	s10 =	simm.s32 $0x3;
	s18 =	sadd.s32 s8, s6;
	s19 =	simm.s32 $0xD80  }
0x2a3: {  	[hbm4b:s18+s2] =	stream.linear.scatter [tilespmem:s19], [sflag:$0x5], $0x80, $0x38;
	[tilespmem:$0x1A00] =	vst v63  }
0x2a4: {  	_ =	swait.ge [sflag:s10], $0x600  }
0x2a5: {  	[sflag:s10] =	ssyncset.done $0x0  }
0x2a6: {  	s12 =	simm.s32 $0xE00;
	s8 =	rddreg [dreg:$0x9];
	[sflag:s10] =	ssyncadd.s32 $0xFFFFFA00  }
0x2a7: {  	[hbm4b:s8+s2] =	stream.linear.scatter [tilespmem:s12], [sflag:$0x5], $0x80, $0x38;
	[tilespmem:$0x1A00] =	vst v63  }
0x2a8: {  	s15 =	sadd.s32 s9, s29  }
0x2a9: {  	[hbm4b:s15+s2] =	stream.linear.scatter [tilespmem:s21], [sflag:$0x5], $0x80, $0x38;
	[tilespmem:$0x1A00] =	vst v63  }
0x2aa: {  	s18 =	sadd.s32 s9, s22;
	s19 =	simm.s32 $0xF00  }
0x2ab: {  	[hbm4b:s18+s2] =	stream.linear.scatter [tilespmem:s19], [sflag:$0x5], $0x80, $0x38;
	[tilespmem:$0x1A00] =	vst v63  }
0x2ac: {  	s21 =	sadd.s32 s9, s1  }
0x2ad: {  	[hbm4b:s21+s2] =	stream.linear.scatter [tilespmem:s28], [sflag:$0x5], $0x80, $0x38;
	[tilespmem:$0x1A00] =	vst v63  }
0x2ae: {  	s10 =	simm.s32 $0x1000;
	s8 =	sadd.s32 s9, s3  }
0x2af: {  	[hbm4b:s8+s2] =	stream.linear.scatter [tilespmem:s10], [sflag:$0x5], $0x80, $0x38;
	[tilespmem:$0x1A00] =	vst v63  }
0x2b0: {  	s12 =	sadd.s32 s9, s30  }
0x2b1: {  	[hbm4b:s12+s2] =	stream.linear.scatter [tilespmem:s31], [sflag:$0x5], $0x80, $0x38;
	[tilespmem:$0x1A00] =	vst v63  }
0x2b2: {  	s15 =	sadd.s32 s9, s4;
	s18 =	simm.s32 $0x1100  }
0x2b3: {  	[hbm4b:s15+s2] =	stream.linear.scatter [tilespmem:s18], [sflag:$0x5], $0x80, $0x38;
	[tilespmem:$0x1A00] =	vst v63  }
0x2b4: {  	s19 =	sadd.s32 s9, s5;
	s21 =	simm.s32 $0x1180  }
0x2b5: {  	[hbm4b:s19+s2] =	stream.linear.scatter [tilespmem:s21], [sflag:$0x5], $0x80, $0x38;
	[tilespmem:$0x1A00] =	vst v63  }
0x2b6: {  	s28 =	sadd.s32 s9, s16;
	s31 =	simm.s32 $0x1200  }
0x2b7: {  	[hbm4b:s28+s2] =	stream.linear.scatter [tilespmem:s31], [sflag:$0x5], $0x80, $0x38;
	[tilespmem:$0x1A00] =	vst v63  }
0x2b8: {  	s8 =	sadd.s32 s9, s14;
	s10 =	simm.s32 $0x1280  }
0x2b9: {  	[hbm4b:s8+s2] =	stream.linear.scatter [tilespmem:s10], [sflag:$0x5], $0x80, $0x38;
	[tilespmem:$0x1A00] =	vst v63  }
0x2ba: {  	s12 =	sadd.s32 s9, s11;
	s15 =	simm.s32 $0x1300  }
0x2bb: {  	[hbm4b:s12+s2] =	stream.linear.scatter [tilespmem:s15], [sflag:$0x5], $0x80, $0x38;
	[tilespmem:$0x1A00] =	vst v63  }
0x2bc: {  	s18 =	sadd.s32 s9, s6;
	s19 =	simm.s32 $0x1380  }
0x2bd: {  	[hbm4b:s18+s2] =	stream.linear.scatter [tilespmem:s19], [sflag:$0x5], $0x80, $0x38;
	[tilespmem:$0x1A00] =	vst v63  }
0x2be: {  	_ =	swait.ge [sflag:s20], $0x600  }
0x2bf: {  	[sflag:s20] =	ssyncset.done $0x0  }
0x2c0: {  	s28 =	simm.s32 $0x1400;
	s21 =	rddreg [dreg:$0xa];
	[sflag:s20] =	ssyncadd.s32 $0xFFFFFA00  }
0x2c1: {  	[hbm4b:s21+s2] =	stream.linear.scatter [tilespmem:s28], [sflag:$0x5], $0x80, $0x38;
	[tilespmem:$0x1A00] =	vst v63  }
0x2c2: {  	s29 =	sadd.s32 s17, s29;
	s31 =	simm.s32 $0x1480  }
0x2c3: {  	[hbm4b:s29+s2] =	stream.linear.scatter [tilespmem:s31], [sflag:$0x5], $0x80, $0x38;
	[tilespmem:$0x1A00] =	vst v63  }
0x2c4: {  	s9 =	sadd.s32 s17, s22;
	s10 =	simm.s32 $0x1500  }
0x2c5: {  	[hbm4b:s9+s2] =	stream.linear.scatter [tilespmem:s10], [sflag:$0x5], $0x80, $0x38;
	[tilespmem:$0x1A00] =	vst v63  }
0x2c6: {  	s12 =	sadd.s32 s17, s1;
	s15 =	simm.s32 $0x1580  }
0x2c7: {  	[hbm4b:s12+s2] =	stream.linear.scatter [tilespmem:s15], [sflag:$0x5], $0x80, $0x38;
	[tilespmem:$0x1A00] =	vst v63  }
0x2c8: {  	s18 =	sadd.s32 s17, s3  }
0x2c9: {  	[hbm4b:s18+s2] =	stream.linear.scatter [tilespmem:s23], [sflag:$0x5], $0x80, $0x38;
	[tilespmem:$0x1A00] =	vst v63  }
0x2ca: {  	s19 =	sadd.s32 s17, s30  }
0x2cb: {  	[hbm4b:s19+s2] =	stream.linear.scatter [tilespmem:s24], [sflag:$0x5], $0x80, $0x38;
	[tilespmem:$0x1A00] =	vst v63  }
0x2cc: {  	s20 =	sadd.s32 s17, s4;
	s21 =	simm.s32 $0x1700  }
0x2cd: {  	[hbm4b:s20+s2] =	stream.linear.scatter [tilespmem:s21], [sflag:$0x5], $0x80, $0x38;
	[tilespmem:$0x1A00] =	vst v63  }
0x2ce: {  	s22 =	sadd.s32 s17, s5;
	s23 =	simm.s32 $0x1780  }
0x2cf: {  	[hbm4b:s22+s2] =	stream.linear.scatter [tilespmem:s23], [sflag:$0x5], $0x80, $0x38;
	[tilespmem:$0x1A00] =	vst v63  }
0x2d0: {  	s24 =	sadd.s32 s17, s16  }
0x2d1: {  	[hbm4b:s24+s2] =	stream.linear.scatter [tilespmem:s25], [sflag:$0x5], $0x80, $0x38;
	[tilespmem:$0x1A00] =	vst v63  }
0x2d2: {  	s25 =	sadd.s32 s17, s14  }
0x2d3: {  	[hbm4b:s25+s2] =	stream.linear.scatter [tilespmem:s26], [sflag:$0x5], $0x80, $0x38;
	[tilespmem:$0x1A00] =	vst v63  }
0x2d4: {  	s28 =	sadd.s32 s17, s11  }
0x2d5: {  	[hbm4b:s28+s2] =	stream.linear.scatter [tilespmem:s7], [sflag:$0x5], $0x80, $0x38;
	[tilespmem:$0x1A00] =	vst v63  }
0x2d6: {  	s30 =	simm.s32 $0x5;
	s29 =	sadd.s32 s17, s6  }
0x2d7: {  	[hbm4b:s29+s2] =	stream.linear.scatter [tilespmem:s13], [sflag:$0x5], $0x80, $0x38;
	[tilespmem:$0x1A00] =	vst v63  }
0x2d8: {  	_ =	swait.ge [sflag:s30], $0x1800  }
0x2d9: {  	[sflag:s30] =	ssyncset.done $0x0  }
0x2da: {  	[sflag:s30] =	ssyncadd.s32 $0xFFFFE800  }
0x2db: {  	_ =	sfence.sel $0x180000  }
0x2dc: {  	[bflag:$0x0] =	sbarrier.arrive $0xFFFF  }
0x2dd: {  	_ =	strace $0x90000047  }
0x2de: {  	s31 =	stileid.u32;
	[bflag:$0x2] =	sbarrier.arrive $0xFFFF  }
0x2df: {  	p0 =	sne.s32 s31, $0x0;
	s0 =	rddreg [dreg:$0x2]  }
0x2e0: {  	s0 =	sadd.s32 @!p0 $0x100000, s0  }
0x2e1: {  	[sflag:s0] =	ssyncadd.tile.s32 @!p0 $0x1;
	_ =	shalt  }
.LBB2_6:
0x2e2: {  	s17 =	sld [smem:$0x7F0]  }
0x2e3: {  	s9 =	sld [smem:$0x7E4]  }
0x2e4: {  	s8 =	sld [smem:$0x7D8]  }
0x2e5: {  	s18 =	sld [smem:$0x7CE]  }
0x2e6: {  	s19 =	rddreg [dreg:$0x13]  }
0x2e7: {  	s12 =	rddreg [dreg:$0xd]  }
0x2e8: {  	s7 =	rddreg [dreg:$0xf]  }
.Ltmp3:
0x2e9: {  	s16 =	rddreg [dreg:$0xe];
	(pc) =	sbr.rel .LBB2_5-.Ltmp3, $4  }
0x2ea: {  	s5 =	simm.s32 $0x5;
	s6 =	rddreg [dreg:$0x10]  }
0x2eb: {  	s20 =	simm.s32 $0xF00;
	s21 =	simm.s32 $0x3;
	s13 =	rddreg [dreg:$0x11]  }
0x2ec: {  	s3 =	simm.s32 $0xE00;
	s24 =	rddreg [dreg:$0x12];
	s22 =	simm.s32 $0xD00  }
0x2ed: {  	s30 =	simm.s32 $0xB80;
	s28 =	simm.s32 $0x900;
	s10 =	simm.s32 $0x1  }
.Lfunc_end2:
_tile_overlayer_lowered:
.L_overlay_start_2:
0x2ee: {  	(tag) =	ssettag $0x2  }
0x2ef: {  	s0 =	rddreg [dreg:$0x0];
	s2 =	stileid.u32  }
0x2f0: {  	s1 =	rddreg [dreg:$0x1];
	p0 =	sne.s32 s2, $0x0  }
0x2f1: {  	s3 =	rddreg [dreg:$0x2];
	[bflag:$0x3] =	sbarrier.arrive $0xFFFF;
	s2 =	simm.s32 @!p0 $0x1C06  }
0x2f2: {  	[timem:s3], [sflag:s2] =	dma.local @!p0 [hbm:s0], s1  }
0x2f3: {  	s0 =	simm.s32 @!p0 $0x6  }
0x2f4: {  	_ =	swait.ge @!p0 [sflag:s0], s1  }
0x2f5: {  	s1 =	ssub.s32 @!p0 $0x0, s1;
	[sflag:s0] =	ssyncset.done @!p0 $0x0  }
0x2f6: {  	[sflag:s0] =	ssyncadd.s32 @!p0 s1  }
0x2f7: {  	[bflag:$0x3] =	sbarrier.arrive $0xFFFF  }
0x2f8: {  	_ =	shalt  }

</sc_bundles>
